<compile_context>
chip_gen: v7x
topology: tpu7x:2x2x1
jax: 0.10.2.dev20260603
libtpu: 0.0.44.dev20260713+nightly
codegen_flags: <defaults>
</compile_context>

<pallas_src>
import functools

import jax
import jax.numpy as jnp
from jax import lax
from jax.experimental import pallas as pl
from jax.experimental.pallas import tpu as pltpu
from jax.experimental.pallas import tpu_sc as plsc

BLK = 256
N_TOK = 4096
CAP = N_TOK + BLK
NBLK = CAP // BLK
NWAIT = 64
YROWS = 3 * CAP + NWAIT

_MESH = plsc.VectorSubcoreMesh(core_axis_name="c", subcore_axis_name="s")
_NC = 2
_NS = 16
_NW = _NC * _NS


def _dispatch_body(agv_i, mach_i, opf_i, opt_i, d_a, d_p, d_t,
                   agv_t, op_t, mach_t, wait2d,
                   x_all, y_all,
                   idx_v, da_v, dp_v, dt_v,
                   rows0_v, rows1_v, wbuf, gsem, ssem):
    wid = lax.axis_index("s") * _NC + lax.axis_index("c")
    per_w = N_TOK // _NW
    base = wid * per_w

    pltpu.sync_copy(wait2d, wbuf)
    pltpu.sync_copy(wbuf, y_all.at[pl.ds(3 * CAP + 2 * wid, 1)])
    pltpu.sync_copy(wbuf, y_all.at[pl.ds(3 * CAP + 2 * wid + 1, 1)])

    for dest_arr, dv in ((d_a, da_v), (d_p, dp_v), (d_t, dt_v)):
        pltpu.sync_copy(dest_arr.at[pl.ds(base, per_w)], dv)

    plan = [
        (agv_i, agv_t, [(da_v, 0)]),
        (mach_i, mach_t, [(dp_v, 768), (dt_v, 256)]),
        (opf_i, op_t, [(dp_v, 256)]),
        (opt_i, op_t, [(dp_v, 512)]),
    ]
    bufs = [rows0_v, rows1_v]
    pending = []
    for e, (idx_arr, table, outs) in enumerate(plan):
        if e >= 2:
            for c in pending[e - 2]:
                c.wait()
        buf = bufs[e % 2]
        pltpu.sync_copy(idx_arr.at[pl.ds(base, per_w)], idx_v)
        pltpu.async_copy(table.at[idx_v], buf, gsem).wait()
        started = []
        for dv, col in outs:
            started.append(pltpu.async_copy(
                buf, x_all.at[dv, pl.ds(col, 256)], ssem))
        pending.append(started)
    for started in pending[2:]:
        for c in started:
            c.wait()


def _dispatch(agv_i, mach_i, opf_i, opt_i, dests, agv_t, op_t, mach_t,
              wait2d):
    per_w = N_TOK // _NW
    run = pl.kernel(
        _dispatch_body, mesh=_MESH,
        out_type=(
            jax.ShapeDtypeStruct((3 * CAP, 1024), jnp.float32),
            jax.ShapeDtypeStruct((YROWS, 1024), jnp.float32),
        ),
        scratch_types=[
            pltpu.VMEM((per_w,), jnp.int32),
            pltpu.VMEM((per_w,), jnp.int32),
            pltpu.VMEM((per_w,), jnp.int32),
            pltpu.VMEM((per_w,), jnp.int32),
            pltpu.VMEM((per_w, 256), jnp.float32),
            pltpu.VMEM((per_w, 256), jnp.float32),
            pltpu.VMEM((1, 1024), jnp.float32),
            pltpu.SemaphoreType.DMA,
            pltpu.SemaphoreType.DMA,
        ],
    )
    return run(agv_i, mach_i, opf_i, opt_i, *dests, agv_t, op_t, mach_t,
               wait2d)


def _combine_body(y_all, src, out, sidx_v, ybuf, sem):
    wid = lax.axis_index("s") * _NC + lax.axis_index("c")
    per_w = N_TOK // _NW
    half = per_w // 2
    for h in range(2):
        b2 = wid * per_w + h * half
        pltpu.sync_copy(src.at[pl.ds(b2, half)], sidx_v)
        pltpu.async_copy(y_all.at[sidx_v], ybuf, sem).wait()
        pltpu.sync_copy(ybuf, out.at[pl.ds(b2, half)])


def _combine(y_all, src):
    half = N_TOK // _NW // 2
    run = pl.kernel(
        _combine_body, mesh=_MESH,
        out_type=jax.ShapeDtypeStruct((N_TOK, 1024), jnp.float32),
        scratch_types=[
            pltpu.VMEM((half,), jnp.int32),
            pltpu.VMEM((half, 1024), jnp.float32),
            pltpu.SemaphoreType.DMA,
        ],
    )
    return run(y_all, src)


def _route_body(t_ref, d_a, d_p, d_t, src_ref, nts_ref):
    tt = t_ref[...]
    ii = lax.broadcasted_iota(jnp.int32, (128, 128), 0)
    jj = lax.broadcasted_iota(jnp.int32, (128, 128), 1)
    E = (ii < jj).astype(jnp.float32)
    i2 = lax.broadcasted_iota(jnp.int32, (32, 32), 0)
    j2 = lax.broadcasted_iota(jnp.int32, (32, 32), 1)
    P = (i2 < j2).astype(jnp.float32)

    def rank_of(mask):
        m = mask.astype(jnp.float32)
        within = jnp.dot(m, E, preferred_element_type=jnp.float32)
        rowtot = jnp.sum(m, axis=1).reshape(1, 32)
        rowpre = jnp.dot(rowtot, P,
                         preferred_element_type=jnp.float32).reshape(32, 1)
        return (within + rowpre).astype(jnp.int32), jnp.sum(m).astype(jnp.int32)

    is0, is1, is2, is3 = (tt == 0), (tt == 1), (tt == 2), (tt == 3)
    r0, _ = rank_of(is0)
    r1, c1 = rank_of(is1)
    r2, c2 = rank_of(is2)
    r3, c3 = rank_of(is3)

    ar = (lax.broadcasted_iota(jnp.int32, (32, 128), 0) * 128
          + lax.broadcasted_iota(jnp.int32, (32, 128), 1))
    dump = (ar % 3) * CAP + N_TOK + ar % (CAP - N_TOK)
    d_a[...] = jnp.where(is1, r1,
                         jnp.where(is2, CAP + r2,
                                   jnp.where(is3, 2 * CAP + r3, dump)))
    d_p[...] = jnp.where(is1, r1, dump)
    d_t[...] = jnp.where(is2, CAP + r2,
                         jnp.where(is3, 2 * CAP + r3, dump))
    src_ref[...] = jnp.where(is1, r1,
                             jnp.where(is2, CAP + r2,
                                       jnp.where(is3, 2 * CAP + r3,
                                                 3 * CAP + r0 % NWAIT)))
    lane = lax.broadcasted_iota(jnp.int32, (1, 128), 1)
    nt1 = (c1 + BLK - 1) // BLK
    nt2 = (c2 + BLK - 1) // BLK
    nt3 = (c3 + BLK - 1) // BLK
    nts_ref[...] = jnp.where(lane == 0, nt1,
                             jnp.where(lane == 1, nt2,
                                       jnp.where(lane == 2, nt3, 0)))


def _route(t2d):
    shp = jax.ShapeDtypeStruct((32, 128), jnp.int32)
    outs = pl.pallas_call(
        _route_body,
        out_shape=[shp] * 4 + [jax.ShapeDtypeStruct((1, 128), jnp.int32)],
    )(t2d)
    return [o.reshape(N_TOK) for o in outs[:4]] + [outs[4]]


def _dot(x, wref):
    return jnp.dot(x, wref[...], precision=lax.Precision.DEFAULT,
                   preferred_element_type=jnp.float32)


def _expert_chain(x, wrefs, b):
    proj = len(wrefs) == 9
    h = jnp.tanh(_dot(x, wrefs[0]) + b[0])
    y = _dot(h, wrefs[1]) + b[1]
    res = _dot(x, wrefs[2]) + b[2] if proj else x
    x = jnp.tanh(res + y)
    off = 3 if proj else 2
    for k in range(2):
        wa, wb = wrefs[off + 2 * k], wrefs[off + 2 * k + 1]
        h = jnp.tanh(_dot(x, wa) + b[off + 2 * k])
        x = jnp.tanh(x + _dot(h, wb) + b[off + 2 * k + 1])
    wa, wb = wrefs[off + 4], wrefs[off + 5]
    h = jnp.tanh(_dot(x, wa) + b[off + 4])
    return x + _dot(h, wb) + b[off + 5]


def _expert_body(nt_ref, x_ref, *rest):
    *wrefs, b_ref, yin_ref, o_ref = rest
    del yin_ref
    i = pl.program_id(0)

    @pl.when(i < nt_ref[0])
    def _():
        o_ref[...] = _expert_chain(x_ref[...], list(wrefs), b_ref[...])


def _run_expert(x_all, ws, bs, nt, y_all, blk_off):
    din = ws[0].shape[0]
    nmat = len(ws)
    bstack = jnp.stack(bs)

    def clamp(i, s):
        return jnp.clip(i, 0, jnp.maximum(s[0] - 1, 0))

    in_specs = [pl.BlockSpec((BLK, din),
                             lambda i, s: (clamp(i, s) + blk_off, 0))]
    for w in ws:
        in_specs.append(pl.BlockSpec(w.shape, lambda i, s: (0,) * w.ndim))
    in_specs.append(pl.BlockSpec((nmat, 1024), lambda i, s: (0, 0)))
    in_specs.append(pl.BlockSpec((8, 1024), lambda i, s: (0, 0)))
    return pl.pallas_call(
        _expert_body,
        grid_spec=pltpu.PrefetchScalarGridSpec(
            num_scalar_prefetch=1,
            grid=(NBLK,),
            in_specs=in_specs,
            out_specs=pl.BlockSpec((BLK, 1024),
                                   lambda i, s: (clamp(i, s) + blk_off, 0)),
        ),
        out_shape=jax.ShapeDtypeStruct((YROWS, 1024), jnp.float32),
        input_output_aliases={2 + nmat + 1: 0},
    )(nt, x_all, *ws, bstack, y_all)


def _enc_weights(p, proj):
    w = [p["first"]["W1"], p["first"]["W2"]]
    b = [p["first"]["b1"], p["first"]["b2"]]
    if proj:
        w.append(p["first"]["Wp"])
        b.append(p["first"]["bp"])
    for sp in p["stack"]:
        w += [sp["W1"], sp["W2"]]
        b += [sp["b1"], sp["b2"]]
    w += [p["last"]["W1"], p["last"]["W2"]]
    b += [p["last"]["b1"], p["last"]["b2"]]
    return w, b


def kernel(action_type, AGV_idx, op_from_idx, op_to_idx, machine_idx,
           AGV_emb, operation_emb, machine_emb, wait_emb,
           pick_params, transport_params, move_params):
    *dests_src, nts = _route(action_type.astype(jnp.int32).reshape(32, 128))
    dests, srcrow = dests_src[:3], dests_src[3]

    X_all, y0 = _dispatch(
        AGV_idx.astype(jnp.int32), machine_idx.astype(jnp.int32),
        op_from_idx.astype(jnp.int32), op_to_idx.astype(jnp.int32),
        dests, AGV_emb, operation_emb, machine_emb,
        wait_emb.reshape(1, 1024))

    wp, bp = _enc_weights(pick_params, proj=False)
    wt, bt = _enc_weights(transport_params, proj=True)
    wm, bm = _enc_weights(move_params, proj=True)

    y1 = _run_expert(X_all, wp, bp, nts[0, 0:1], y0, 0)
    y2 = _run_expert(X_all, wt, bt, nts[0, 1:2], y1, NBLK)
    y3 = _run_expert(X_all, wm, bm, nts[0, 2:3], y2, 2 * NBLK)

    return _combine(y3, srcrow)

# --- scband reference (transcript-rebuilt; emitter-appended) ---
"""Pipeline reference for scband-action-encoder-42623255445877 (READ-ONLY COPY).

The authoritative reference and input builder live on the scoring server;
editing this copy changes nothing except your own understanding.
"""

import jax, jax.numpy as jnp
import numpy as np

N = 4096
C = 256
H = 1024
OUT = 1024
STACK = 2
N_AGV = 1024
N_OP = 8192
N_MACH = 1024


def _rl_init(key, din, dout, proj):
    k1, k2, k3 = jax.random.split(key, 3)
    p = {
        "W1": jax.random.normal(k1, (din, dout), jnp.float32) / np.sqrt(din),
        "b1": jnp.zeros((dout,), jnp.float32),
        "W2": jax.random.normal(k2, (dout, dout), jnp.float32) / np.sqrt(dout),
        "b2": jnp.zeros((dout,), jnp.float32),
    }
    if proj:
        p["Wp"] = jax.random.normal(k3, (din, dout), jnp.float32) / np.sqrt(din)
        p["bp"] = jnp.zeros((dout,), jnp.float32)
    return p


def _encoder_init(key, din, h, out, stack):
    keys = jax.random.split(key, stack + 2)
    return {
        "first": _rl_init(keys[0], din, h, din != h),
        "stack": [_rl_init(keys[1 + i], h, h, False) for i in range(stack)],
        "last": _rl_init(keys[-1], h, out, h != out),
    }


def _rl_apply(p, x):
    y = jnp.tanh(x @ p["W1"] + p["b1"]) @ p["W2"] + p["b2"]
    res = x @ p["Wp"] + p["bp"] if "Wp" in p else x
    return res + y


def _encoder_apply(p, x):
    # nn.Sequential(ResidualLinear(in,h), Tanh, [ResidualLinear(h,h), Tanh]*stack, ResidualLinear(h,out))
    x = jnp.tanh(_rl_apply(p["first"], x))
    for sp in p["stack"]:
        x = jnp.tanh(_rl_apply(sp, x))
    return _rl_apply(p["last"], x)


def setup_inputs(seed: int = 0) -> dict:
    key = jax.random.key(seed)
    ks = jax.random.split(key, 12)
    return {
        "action_type": jax.random.randint(ks[0], (N,), 0, 4),
        "AGV_idx": jax.random.randint(ks[1], (N,), 0, N_AGV),
        "op_from_idx": jax.random.randint(ks[2], (N,), 0, N_OP),
        "op_to_idx": jax.random.randint(ks[3], (N,), 0, N_OP),
        "machine_idx": jax.random.randint(ks[4], (N,), 0, N_MACH),
        "AGV_emb": jax.random.normal(ks[5], (N_AGV, C), jnp.float32),
        "operation_emb": jax.random.normal(ks[6], (N_OP, C), jnp.float32),
        "machine_emb": jax.random.normal(ks[7], (N_MACH, C), jnp.float32),
        "wait_emb": jnp.zeros((OUT,), jnp.float32),
        "pick_params": _encoder_init(ks[8], 4 * C, H, OUT, STACK),
        "transport_params": _encoder_init(ks[9], 2 * C, H, OUT, STACK),
        "move_params": _encoder_init(ks[10], 2 * C, H, OUT, STACK),
    }


def reference(action_type, AGV_idx, op_from_idx, op_to_idx, machine_idx, AGV_emb, operation_emb, machine_emb, wait_emb, pick_params, transport_params, move_params):
    # gather entity embeddings per action (action_tensor_cat)
    a = jnp.take(AGV_emb, AGV_idx, axis=0)
    of = jnp.take(operation_emb, op_from_idx, axis=0)
    ot = jnp.take(operation_emb, op_to_idx, axis=0)
    m = jnp.take(machine_emb, machine_idx, axis=0)
    # pick: cat([AGV, op_from, op_to, machine]); transport/move: cat([AGV, machine])
    pick_feat = jnp.concatenate([a, of, ot, m], axis=-1)
    tm_feat = jnp.concatenate([a, m], axis=-1)
    # route each token through its type's expert encoder (encode)
    pick_out = _encoder_apply(pick_params, pick_feat)
    tr_out = _encoder_apply(transport_params, tm_feat)
    mv_out = _encoder_apply(move_params, tm_feat)
    wait = jnp.broadcast_to(wait_emb, (action_type.shape[0], wait_emb.shape[0]))
    t = action_type[:, None]
    out = jnp.where(t == 0, wait, jnp.where(t == 1, pick_out, jnp.where(t == 2, tr_out, mv_out)))
    return out

if __name__ == "__main__":
    import jax
    _d = setup_inputs()
    print(jax.jit(kernel)(*tuple(_d.values())))

</pallas_src>

<mosaic_0001>
#map = affine_map<(d0, d1) -> (0, 0)>
#map1 = affine_map<(d0, d1) -> (0)>
module attributes {stable_mosaic.version = 14 : i64} {
  func.func @_combine_body(%arg0: i32, %arg1: i32, %arg2: memref<13120x1024xf32, #tpu.memory_space<hbm>>, %arg3: memref<4096xi32, #tpu.memory_space<hbm>>, %arg4: memref<4096x1024xf32, #tpu.memory_space<hbm>>, %arg5: memref<64xi32, #tpu.memory_space<vmem>>, %arg6: memref<64x1024xf32, #tpu.memory_space<vmem>>, %arg7: memref<!tpu.dma_semaphore, #tpu.memory_space<semaphore_mem>>) attributes {dimension_semantics = [#tpu.dimension_semantics<core_parallel>, #tpu.dimension_semantics<subcore_parallel>], iteration_bounds = array<i64: 2, 16>, scalar_prefetch = 0 : i64, scratch_operands = 3 : i64, tpu.core_type = #tpu.core_type<sc_vector_subcore>, window_params = [{transform_indices = #map}, {transform_indices = #map1}, {transform_indices = #map}]} {
    %mul3A = arith.constant 2 : i32
    %mul3A_0 = arith.muli %arg1, %mul3A : i32
    %add3A = arith.addi %mul3A_0, %arg0 : i32
    %mul3A_1 = arith.constant 128 : i32
    %mul3A_2 = arith.muli %add3A, %mul3A_1 : i32
    %add3A_3 = arith.constant 0 : i32
    %add3A_4 = arith.addi %mul3A_2, %add3A_3 : i32
    "tpu.region"() ({
      %run_scoped3A = tpu.sem_alloc : memref<!tpu.dma_semaphore, #tpu.memory_space<semaphore_mem>>
      %dma_start3A_19 = tpu.memref_slice %arg3[%add3A_4] : memref<4096xi32, #tpu.memory_space<hbm>> -> memref<64xi32, #tpu.memory_space<hbm>>
      %dma_start3A_20 = tpu.memref_slice %arg3[%add3A_4] : memref<4096xi32, #tpu.memory_space<hbm>> -> memref<64xi32, #tpu.memory_space<hbm>>
      tpu.enqueue_dma source(%dma_start3A_20 : memref<64xi32, #tpu.memory_space<hbm>>) target(%arg5 : memref<64xi32, #tpu.memory_space<vmem>>) target_semaphore(%run_scoped3A : memref<!tpu.dma_semaphore, #tpu.memory_space<semaphore_mem>>)
      %dma_wait3A_21 = tpu.memref_slice %arg3[%add3A_4] : memref<4096xi32, #tpu.memory_space<hbm>> -> memref<64xi32, #tpu.memory_space<hbm>>
      %dma_wait3A_22 = tpu.memref_slice %arg3[%add3A_4] : memref<4096xi32, #tpu.memory_space<hbm>> -> memref<64xi32, #tpu.memory_space<hbm>>
      tpu.wait_dma2 semaphore(%run_scoped3A : memref<!tpu.dma_semaphore, #tpu.memory_space<semaphore_mem>>) src(%dma_wait3A_22 : memref<64xi32, #tpu.memory_space<hbm>>) dst(%arg5 : memref<64xi32, #tpu.memory_space<vmem>>)
      tpu.yield
    }) : () -> ()
    %dma_start3A = arith.constant 0 : i32
    %dma_start3A_5 = arith.constant 0 : i32
    %dma_start3A_6 = tpu.memref_slice %arg2[%dma_start3A, %dma_start3A_5] : memref<13120x1024xf32, #tpu.memory_space<hbm>> -> memref<13120x1024xf32, #tpu.memory_space<hbm>>
    tpu.enqueue_indirect_dma source(%dma_start3A_6 : memref<13120x1024xf32, #tpu.memory_space<hbm>>) target(%arg6 : memref<64x1024xf32, #tpu.memory_space<vmem>>) offsets(%arg5 : memref<64xi32, #tpu.memory_space<vmem>>) semaphore(%arg7 : memref<!tpu.dma_semaphore, #tpu.memory_space<semaphore_mem>>)
    %dma_wait3A = arith.constant 0 : i32
    %dma_wait3A_7 = arith.constant 0 : i32
    %dma_wait3A_8 = tpu.memref_slice %arg2[%dma_wait3A, %dma_wait3A_7] : memref<13120x1024xf32, #tpu.memory_space<hbm>> -> memref<13120x1024xf32, #tpu.memory_space<hbm>>
    tpu.wait_indirect_dma semaphore(%arg7 : memref<!tpu.dma_semaphore, #tpu.memory_space<semaphore_mem>>) src(%dma_wait3A_8 : memref<13120x1024xf32, #tpu.memory_space<hbm>>) dst(%arg6 : memref<64x1024xf32, #tpu.memory_space<vmem>>)
    "tpu.region"() ({
      %run_scoped3A = tpu.sem_alloc : memref<!tpu.dma_semaphore, #tpu.memory_space<semaphore_mem>>
      %dma_start3A_19 = arith.constant 0 : i32
      %dma_start3A_20 = tpu.memref_slice %arg4[%add3A_4, %dma_start3A_19] : memref<4096x1024xf32, #tpu.memory_space<hbm>> -> memref<64x1024xf32, #tpu.memory_space<hbm>>
      %dma_start3A_21 = arith.constant 0 : i32
      %dma_start3A_22 = tpu.memref_slice %arg4[%add3A_4, %dma_start3A_21] : memref<4096x1024xf32, #tpu.memory_space<hbm>> -> memref<64x1024xf32, #tpu.memory_space<hbm>>
      tpu.enqueue_dma source(%arg6 : memref<64x1024xf32, #tpu.memory_space<vmem>>) target(%dma_start3A_22 : memref<64x1024xf32, #tpu.memory_space<hbm>>) target_semaphore(%run_scoped3A : memref<!tpu.dma_semaphore, #tpu.memory_space<semaphore_mem>>)
      %dma_wait3A_23 = arith.constant 0 : i32
      %dma_wait3A_24 = tpu.memref_slice %arg4[%add3A_4, %dma_wait3A_23] : memref<4096x1024xf32, #tpu.memory_space<hbm>> -> memref<64x1024xf32, #tpu.memory_space<hbm>>
      %dma_wait3A_25 = arith.constant 0 : i32
      %dma_wait3A_26 = tpu.memref_slice %arg4[%add3A_4, %dma_wait3A_25] : memref<4096x1024xf32, #tpu.memory_space<hbm>> -> memref<64x1024xf32, #tpu.memory_space<hbm>>
      tpu.wait_dma2 semaphore(%run_scoped3A : memref<!tpu.dma_semaphore, #tpu.memory_space<semaphore_mem>>) src(%arg6 : memref<64x1024xf32, #tpu.memory_space<vmem>>) dst(%dma_wait3A_26 : memref<64x1024xf32, #tpu.memory_space<hbm>>)
      tpu.yield
    }) : () -> ()
    %mul3A_9 = arith.constant 128 : i32
    %mul3A_10 = arith.muli %add3A, %mul3A_9 : i32
    %add3A_11 = arith.constant 64 : i32
    %add3A_12 = arith.addi %mul3A_10, %add3A_11 : i32
    "tpu.region"() ({
      %run_scoped3A = tpu.sem_alloc : memref<!tpu.dma_semaphore, #tpu.memory_space<semaphore_mem>>
      %dma_start3A_19 = tpu.memref_slice %arg3[%add3A_12] : memref<4096xi32, #tpu.memory_space<hbm>> -> memref<64xi32, #tpu.memory_space<hbm>>
      %dma_start3A_20 = tpu.memref_slice %arg3[%add3A_12] : memref<4096xi32, #tpu.memory_space<hbm>> -> memref<64xi32, #tpu.memory_space<hbm>>
      tpu.enqueue_dma source(%dma_start3A_20 : memref<64xi32, #tpu.memory_space<hbm>>) target(%arg5 : memref<64xi32, #tpu.memory_space<vmem>>) target_semaphore(%run_scoped3A : memref<!tpu.dma_semaphore, #tpu.memory_space<semaphore_mem>>)
      %dma_wait3A_21 = tpu.memref_slice %arg3[%add3A_12] : memref<4096xi32, #tpu.memory_space<hbm>> -> memref<64xi32, #tpu.memory_space<hbm>>
      %dma_wait3A_22 = tpu.memref_slice %arg3[%add3A_12] : memref<4096xi32, #tpu.memory_space<hbm>> -> memref<64xi32, #tpu.memory_space<hbm>>
      tpu.wait_dma2 semaphore(%run_scoped3A : memref<!tpu.dma_semaphore, #tpu.memory_space<semaphore_mem>>) src(%dma_wait3A_22 : memref<64xi32, #tpu.memory_space<hbm>>) dst(%arg5 : memref<64xi32, #tpu.memory_space<vmem>>)
      tpu.yield
    }) : () -> ()
    %dma_start3A_13 = arith.constant 0 : i32
    %dma_start3A_14 = arith.constant 0 : i32
    %dma_start3A_15 = tpu.memref_slice %arg2[%dma_start3A_13, %dma_start3A_14] : memref<13120x1024xf32, #tpu.memory_space<hbm>> -> memref<13120x1024xf32, #tpu.memory_space<hbm>>
    tpu.enqueue_indirect_dma source(%dma_start3A_15 : memref<13120x1024xf32, #tpu.memory_space<hbm>>) target(%arg6 : memref<64x1024xf32, #tpu.memory_space<vmem>>) offsets(%arg5 : memref<64xi32, #tpu.memory_space<vmem>>) semaphore(%arg7 : memref<!tpu.dma_semaphore, #tpu.memory_space<semaphore_mem>>)
    %dma_wait3A_16 = arith.constant 0 : i32
    %dma_wait3A_17 = arith.constant 0 : i32
    %dma_wait3A_18 = tpu.memref_slice %arg2[%dma_wait3A_16, %dma_wait3A_17] : memref<13120x1024xf32, #tpu.memory_space<hbm>> -> memref<13120x1024xf32, #tpu.memory_space<hbm>>
    tpu.wait_indirect_dma semaphore(%arg7 : memref<!tpu.dma_semaphore, #tpu.memory_space<semaphore_mem>>) src(%dma_wait3A_18 : memref<13120x1024xf32, #tpu.memory_space<hbm>>) dst(%arg6 : memref<64x1024xf32, #tpu.memory_space<vmem>>)
    "tpu.region"() ({
      %run_scoped3A = tpu.sem_alloc : memref<!tpu.dma_semaphore, #tpu.memory_space<semaphore_mem>>
      %dma_start3A_19 = arith.constant 0 : i32
      %dma_start3A_20 = tpu.memref_slice %arg4[%add3A_12, %dma_start3A_19] : memref<4096x1024xf32, #tpu.memory_space<hbm>> -> memref<64x1024xf32, #tpu.memory_space<hbm>>
      %dma_start3A_21 = arith.constant 0 : i32
      %dma_start3A_22 = tpu.memref_slice %arg4[%add3A_12, %dma_start3A_21] : memref<4096x1024xf32, #tpu.memory_space<hbm>> -> memref<64x1024xf32, #tpu.memory_space<hbm>>
      tpu.enqueue_dma source(%arg6 : memref<64x1024xf32, #tpu.memory_space<vmem>>) target(%dma_start3A_22 : memref<64x1024xf32, #tpu.memory_space<hbm>>) target_semaphore(%run_scoped3A : memref<!tpu.dma_semaphore, #tpu.memory_space<semaphore_mem>>)
      %dma_wait3A_23 = arith.constant 0 : i32
      %dma_wait3A_24 = tpu.memref_slice %arg4[%add3A_12, %dma_wait3A_23] : memref<4096x1024xf32, #tpu.memory_space<hbm>> -> memref<64x1024xf32, #tpu.memory_space<hbm>>
      %dma_wait3A_25 = arith.constant 0 : i32
      %dma_wait3A_26 = tpu.memref_slice %arg4[%add3A_12, %dma_wait3A_25] : memref<4096x1024xf32, #tpu.memory_space<hbm>> -> memref<64x1024xf32, #tpu.memory_space<hbm>>
      tpu.wait_dma2 semaphore(%run_scoped3A : memref<!tpu.dma_semaphore, #tpu.memory_space<semaphore_mem>>) src(%arg6 : memref<64x1024xf32, #tpu.memory_space<vmem>>) dst(%dma_wait3A_26 : memref<64x1024xf32, #tpu.memory_space<hbm>>)
      tpu.yield
    }) : () -> ()
    return
  }
}

#map = affine_map<(d0, d1) -> (0)>
#map1 = affine_map<(d0, d1) -> (0, 0)>
module attributes {stable_mosaic.version = 14 : i64} {
  func.func @_dispatch_body(%arg0: i32, %arg1: i32, %arg2: memref<4096xi32, #tpu.memory_space<hbm>>, %arg3: memref<4096xi32, #tpu.memory_space<hbm>>, %arg4: memref<4096xi32, #tpu.memory_space<hbm>>, %arg5: memref<4096xi32, #tpu.memory_space<hbm>>, %arg6: memref<4096xi32, #tpu.memory_space<hbm>>, %arg7: memref<4096xi32, #tpu.memory_space<hbm>>, %arg8: memref<4096xi32, #tpu.memory_space<hbm>>, %arg9: memref<1024x256xf32, #tpu.memory_space<hbm>>, %arg10: memref<8192x256xf32, #tpu.memory_space<hbm>>, %arg11: memref<1024x256xf32, #tpu.memory_space<hbm>>, %arg12: memref<1x1024xf32, #tpu.memory_space<hbm>>, %arg13: memref<13056x1024xf32, #tpu.memory_space<hbm>>, %arg14: memref<13120x1024xf32, #tpu.memory_space<hbm>>, %arg15: memref<128xi32, #tpu.memory_space<vmem>>, %arg16: memref<128xi32, #tpu.memory_space<vmem>>, %arg17: memref<128xi32, #tpu.memory_space<vmem>>, %arg18: memref<128xi32, #tpu.memory_space<vmem>>, %arg19: memref<128x256xf32, #tpu.memory_space<vmem>>, %arg20: memref<128x256xf32, #tpu.memory_space<vmem>>, %arg21: memref<1x1024xf32, #tpu.memory_space<vmem>>, %arg22: memref<!tpu.dma_semaphore, #tpu.memory_space<semaphore_mem>>, %arg23: memref<!tpu.dma_semaphore, #tpu.memory_space<semaphore_mem>>) attributes {dimension_semantics = [#tpu.dimension_semantics<core_parallel>, #tpu.dimension_semantics<subcore_parallel>], iteration_bounds = array<i64: 2, 16>, scalar_prefetch = 0 : i64, scratch_operands = 9 : i64, tpu.core_type = #tpu.core_type<sc_vector_subcore>, window_params = [{transform_indices = #map}, {transform_indices = #map}, {transform_indices = #map}, {transform_indices = #map}, {transform_indices = #map}, {transform_indices = #map}, {transform_indices = #map}, {transform_indices = #map1}, {transform_indices = #map1}, {transform_indices = #map1}, {transform_indices = #map1}, {transform_indices = #map1}, {transform_indices = #map1}]} {
    %mul3A = arith.constant 2 : i32
    %mul3A_0 = arith.muli %arg1, %mul3A : i32
    %add3A = arith.addi %mul3A_0, %arg0 : i32
    %mul3A_1 = arith.constant 128 : i32
    %mul3A_2 = arith.muli %add3A, %mul3A_1 : i32
    "tpu.region"() ({
      %run_scoped3A = tpu.sem_alloc : memref<!tpu.dma_semaphore, #tpu.memory_space<semaphore_mem>>
      tpu.enqueue_dma source(%arg12 : memref<1x1024xf32, #tpu.memory_space<hbm>>) target(%arg21 : memref<1x1024xf32, #tpu.memory_space<vmem>>) target_semaphore(%run_scoped3A : memref<!tpu.dma_semaphore, #tpu.memory_space<semaphore_mem>>)
      tpu.wait_dma2 semaphore(%run_scoped3A : memref<!tpu.dma_semaphore, #tpu.memory_space<semaphore_mem>>) src(%arg12 : memref<1x1024xf32, #tpu.memory_space<hbm>>) dst(%arg21 : memref<1x1024xf32, #tpu.memory_space<vmem>>)
      tpu.yield
    }) : () -> ()
    %mul3A_3 = arith.constant 2 : i32
    %mul3A_4 = arith.muli %mul3A_3, %add3A : i32
    %add3A_5 = arith.constant 13056 : i32
    %add3A_6 = arith.addi %add3A_5, %mul3A_4 : i32
    "tpu.region"() ({
      %run_scoped3A = tpu.sem_alloc : memref<!tpu.dma_semaphore, #tpu.memory_space<semaphore_mem>>
      %dma_start3A_65 = arith.constant 0 : i32
      %dma_start3A_66 = tpu.memref_slice %arg14[%add3A_6, %dma_start3A_65] : memref<13120x1024xf32, #tpu.memory_space<hbm>> -> memref<1x1024xf32, #tpu.memory_space<hbm>>
      %dma_start3A_67 = arith.constant 0 : i32
      %dma_start3A_68 = tpu.memref_slice %arg14[%add3A_6, %dma_start3A_67] : memref<13120x1024xf32, #tpu.memory_space<hbm>> -> memref<1x1024xf32, #tpu.memory_space<hbm>>
      tpu.enqueue_dma source(%arg21 : memref<1x1024xf32, #tpu.memory_space<vmem>>) target(%dma_start3A_68 : memref<1x1024xf32, #tpu.memory_space<hbm>>) target_semaphore(%run_scoped3A : memref<!tpu.dma_semaphore, #tpu.memory_space<semaphore_mem>>)
      %dma_wait3A_69 = arith.constant 0 : i32
      %dma_wait3A_70 = tpu.memref_slice %arg14[%add3A_6, %dma_wait3A_69] : memref<13120x1024xf32, #tpu.memory_space<hbm>> -> memref<1x1024xf32, #tpu.memory_space<hbm>>
      %dma_wait3A_71 = arith.constant 0 : i32
      %dma_wait3A_72 = tpu.memref_slice %arg14[%add3A_6, %dma_wait3A_71] : memref<13120x1024xf32, #tpu.memory_space<hbm>> -> memref<1x1024xf32, #tpu.memory_space<hbm>>
      tpu.wait_dma2 semaphore(%run_scoped3A : memref<!tpu.dma_semaphore, #tpu.memory_space<semaphore_mem>>) src(%arg21 : memref<1x1024xf32, #tpu.memory_space<vmem>>) dst(%dma_wait3A_72 : memref<1x1024xf32, #tpu.memory_space<hbm>>)
      tpu.yield
    }) : () -> ()
    %mul3A_7 = arith.constant 2 : i32
    %mul3A_8 = arith.muli %mul3A_7, %add3A : i32
    %add3A_9 = arith.constant 13056 : i32
    %add3A_10 = arith.addi %add3A_9, %mul3A_8 : i32
    %add3A_11 = arith.constant 1 : i32
    %add3A_12 = arith.addi %add3A_10, %add3A_11 : i32
    "tpu.region"() ({
      %run_scoped3A = tpu.sem_alloc : memref<!tpu.dma_semaphore, #tpu.memory_space<semaphore_mem>>
      %dma_start3A_65 = arith.constant 0 : i32
      %dma_start3A_66 = tpu.memref_slice %arg14[%add3A_12, %dma_start3A_65] : memref<13120x1024xf32, #tpu.memory_space<hbm>> -> memref<1x1024xf32, #tpu.memory_space<hbm>>
      %dma_start3A_67 = arith.constant 0 : i32
      %dma_start3A_68 = tpu.memref_slice %arg14[%add3A_12, %dma_start3A_67] : memref<13120x1024xf32, #tpu.memory_space<hbm>> -> memref<1x1024xf32, #tpu.memory_space<hbm>>
      tpu.enqueue_dma source(%arg21 : memref<1x1024xf32, #tpu.memory_space<vmem>>) target(%dma_start3A_68 : memref<1x1024xf32, #tpu.memory_space<hbm>>) target_semaphore(%run_scoped3A : memref<!tpu.dma_semaphore, #tpu.memory_space<semaphore_mem>>)
      %dma_wait3A_69 = arith.constant 0 : i32
      %dma_wait3A_70 = tpu.memref_slice %arg14[%add3A_12, %dma_wait3A_69] : memref<13120x1024xf32, #tpu.memory_space<hbm>> -> memref<1x1024xf32, #tpu.memory_space<hbm>>
      %dma_wait3A_71 = arith.constant 0 : i32
      %dma_wait3A_72 = tpu.memref_slice %arg14[%add3A_12, %dma_wait3A_71] : memref<13120x1024xf32, #tpu.memory_space<hbm>> -> memref<1x1024xf32, #tpu.memory_space<hbm>>
      tpu.wait_dma2 semaphore(%run_scoped3A : memref<!tpu.dma_semaphore, #tpu.memory_space<semaphore_mem>>) src(%arg21 : memref<1x1024xf32, #tpu.memory_space<vmem>>) dst(%dma_wait3A_72 : memref<1x1024xf32, #tpu.memory_space<hbm>>)
      tpu.yield
    }) : () -> ()
    "tpu.region"() ({
      %run_scoped3A = tpu.sem_alloc : memref<!tpu.dma_semaphore, #tpu.memory_space<semaphore_mem>>
      %dma_start3A_65 = tpu.memref_slice %arg6[%mul3A_2] : memref<4096xi32, #tpu.memory_space<hbm>> -> memref<128xi32, #tpu.memory_space<hbm>>
      %dma_start3A_66 = tpu.memref_slice %arg6[%mul3A_2] : memref<4096xi32, #tpu.memory_space<hbm>> -> memref<128xi32, #tpu.memory_space<hbm>>
      tpu.enqueue_dma source(%dma_start3A_66 : memref<128xi32, #tpu.memory_space<hbm>>) target(%arg16 : memref<128xi32, #tpu.memory_space<vmem>>) target_semaphore(%run_scoped3A : memref<!tpu.dma_semaphore, #tpu.memory_space<semaphore_mem>>)
      %dma_wait3A_67 = tpu.memref_slice %arg6[%mul3A_2] : memref<4096xi32, #tpu.memory_space<hbm>> -> memref<128xi32, #tpu.memory_space<hbm>>
      %dma_wait3A_68 = tpu.memref_slice %arg6[%mul3A_2] : memref<4096xi32, #tpu.memory_space<hbm>> -> memref<128xi32, #tpu.memory_space<hbm>>
      tpu.wait_dma2 semaphore(%run_scoped3A : memref<!tpu.dma_semaphore, #tpu.memory_space<semaphore_mem>>) src(%dma_wait3A_68 : memref<128xi32, #tpu.memory_space<hbm>>) dst(%arg16 : memref<128xi32, #tpu.memory_space<vmem>>)
      tpu.yield
    }) : () -> ()
    "tpu.region"() ({
      %run_scoped3A = tpu.sem_alloc : memref<!tpu.dma_semaphore, #tpu.memory_space<semaphore_mem>>
      %dma_start3A_65 = tpu.memref_slice %arg7[%mul3A_2] : memref<4096xi32, #tpu.memory_space<hbm>> -> memref<128xi32, #tpu.memory_space<hbm>>
      %dma_start3A_66 = tpu.memref_slice %arg7[%mul3A_2] : memref<4096xi32, #tpu.memory_space<hbm>> -> memref<128xi32, #tpu.memory_space<hbm>>
      tpu.enqueue_dma source(%dma_start3A_66 : memref<128xi32, #tpu.memory_space<hbm>>) target(%arg17 : memref<128xi32, #tpu.memory_space<vmem>>) target_semaphore(%run_scoped3A : memref<!tpu.dma_semaphore, #tpu.memory_space<semaphore_mem>>)
      %dma_wait3A_67 = tpu.memref_slice %arg7[%mul3A_2] : memref<4096xi32, #tpu.memory_space<hbm>> -> memref<128xi32, #tpu.memory_space<hbm>>
      %dma_wait3A_68 = tpu.memref_slice %arg7[%mul3A_2] : memref<4096xi32, #tpu.memory_space<hbm>> -> memref<128xi32, #tpu.memory_space<hbm>>
      tpu.wait_dma2 semaphore(%run_scoped3A : memref<!tpu.dma_semaphore, #tpu.memory_space<semaphore_mem>>) src(%dma_wait3A_68 : memref<128xi32, #tpu.memory_space<hbm>>) dst(%arg17 : memref<128xi32, #tpu.memory_space<vmem>>)
      tpu.yield
    }) : () -> ()
    "tpu.region"() ({
      %run_scoped3A = tpu.sem_alloc : memref<!tpu.dma_semaphore, #tpu.memory_space<semaphore_mem>>
      %dma_start3A_65 = tpu.memref_slice %arg8[%mul3A_2] : memref<4096xi32, #tpu.memory_space<hbm>> -> memref<128xi32, #tpu.memory_space<hbm>>
      %dma_start3A_66 = tpu.memref_slice %arg8[%mul3A_2] : memref<4096xi32, #tpu.memory_space<hbm>> -> memref<128xi32, #tpu.memory_space<hbm>>
      tpu.enqueue_dma source(%dma_start3A_66 : memref<128xi32, #tpu.memory_space<hbm>>) target(%arg18 : memref<128xi32, #tpu.memory_space<vmem>>) target_semaphore(%run_scoped3A : memref<!tpu.dma_semaphore, #tpu.memory_space<semaphore_mem>>)
      %dma_wait3A_67 = tpu.memref_slice %arg8[%mul3A_2] : memref<4096xi32, #tpu.memory_space<hbm>> -> memref<128xi32, #tpu.memory_space<hbm>>
      %dma_wait3A_68 = tpu.memref_slice %arg8[%mul3A_2] : memref<4096xi32, #tpu.memory_space<hbm>> -> memref<128xi32, #tpu.memory_space<hbm>>
      tpu.wait_dma2 semaphore(%run_scoped3A : memref<!tpu.dma_semaphore, #tpu.memory_space<semaphore_mem>>) src(%dma_wait3A_68 : memref<128xi32, #tpu.memory_space<hbm>>) dst(%arg18 : memref<128xi32, #tpu.memory_space<vmem>>)
      tpu.yield
    }) : () -> ()
    "tpu.region"() ({
      %run_scoped3A = tpu.sem_alloc : memref<!tpu.dma_semaphore, #tpu.memory_space<semaphore_mem>>
      %dma_start3A_65 = tpu.memref_slice %arg2[%mul3A_2] : memref<4096xi32, #tpu.memory_space<hbm>> -> memref<128xi32, #tpu.memory_space<hbm>>
      %dma_start3A_66 = tpu.memref_slice %arg2[%mul3A_2] : memref<4096xi32, #tpu.memory_space<hbm>> -> memref<128xi32, #tpu.memory_space<hbm>>
      tpu.enqueue_dma source(%dma_start3A_66 : memref<128xi32, #tpu.memory_space<hbm>>) target(%arg15 : memref<128xi32, #tpu.memory_space<vmem>>) target_semaphore(%run_scoped3A : memref<!tpu.dma_semaphore, #tpu.memory_space<semaphore_mem>>)
      %dma_wait3A_67 = tpu.memref_slice %arg2[%mul3A_2] : memref<4096xi32, #tpu.memory_space<hbm>> -> memref<128xi32, #tpu.memory_space<hbm>>
      %dma_wait3A_68 = tpu.memref_slice %arg2[%mul3A_2] : memref<4096xi32, #tpu.memory_space<hbm>> -> memref<128xi32, #tpu.memory_space<hbm>>
      tpu.wait_dma2 semaphore(%run_scoped3A : memref<!tpu.dma_semaphore, #tpu.memory_space<semaphore_mem>>) src(%dma_wait3A_68 : memref<128xi32, #tpu.memory_space<hbm>>) dst(%arg15 : memref<128xi32, #tpu.memory_space<vmem>>)
      tpu.yield
    }) : () -> ()
    %dma_start3A = arith.constant 0 : i32
    %dma_start3A_13 = arith.constant 0 : i32
    %dma_start3A_14 = tpu.memref_slice %arg9[%dma_start3A, %dma_start3A_13] : memref<1024x256xf32, #tpu.memory_space<hbm>> -> memref<1024x256xf32, #tpu.memory_space<hbm>>
    tpu.enqueue_indirect_dma source(%dma_start3A_14 : memref<1024x256xf32, #tpu.memory_space<hbm>>) target(%arg19 : memref<128x256xf32, #tpu.memory_space<vmem>>) offsets(%arg15 : memref<128xi32, #tpu.memory_space<vmem>>) semaphore(%arg22 : memref<!tpu.dma_semaphore, #tpu.memory_space<semaphore_mem>>)
    %dma_wait3A = arith.constant 0 : i32
    %dma_wait3A_15 = arith.constant 0 : i32
    %dma_wait3A_16 = tpu.memref_slice %arg9[%dma_wait3A, %dma_wait3A_15] : memref<1024x256xf32, #tpu.memory_space<hbm>> -> memref<1024x256xf32, #tpu.memory_space<hbm>>
    tpu.wait_indirect_dma semaphore(%arg22 : memref<!tpu.dma_semaphore, #tpu.memory_space<semaphore_mem>>) src(%dma_wait3A_16 : memref<1024x256xf32, #tpu.memory_space<hbm>>) dst(%arg19 : memref<128x256xf32, #tpu.memory_space<vmem>>)
    %dma_start3A_17 = arith.constant 0 : i32
    %dma_start3A_18 = arith.constant 0 : i32
    %dma_start3A_19 = tpu.memref_slice %arg13[%dma_start3A_17, %dma_start3A_18] : memref<13056x1024xf32, #tpu.memory_space<hbm>> -> memref<13056x256xf32, #tpu.memory_space<hbm>>
    tpu.enqueue_indirect_dma source(%arg19 : memref<128x256xf32, #tpu.memory_space<vmem>>) target(%dma_start3A_19 : memref<13056x256xf32, #tpu.memory_space<hbm>>) offsets(%arg16 : memref<128xi32, #tpu.memory_space<vmem>>) semaphore(%arg23 : memref<!tpu.dma_semaphore, #tpu.memory_space<semaphore_mem>>)
    "tpu.region"() ({
      %run_scoped3A = tpu.sem_alloc : memref<!tpu.dma_semaphore, #tpu.memory_space<semaphore_mem>>
      %dma_start3A_65 = tpu.memref_slice %arg3[%mul3A_2] : memref<4096xi32, #tpu.memory_space<hbm>> -> memref<128xi32, #tpu.memory_space<hbm>>
      %dma_start3A_66 = tpu.memref_slice %arg3[%mul3A_2] : memref<4096xi32, #tpu.memory_space<hbm>> -> memref<128xi32, #tpu.memory_space<hbm>>
      tpu.enqueue_dma source(%dma_start3A_66 : memref<128xi32, #tpu.memory_space<hbm>>) target(%arg15 : memref<128xi32, #tpu.memory_space<vmem>>) target_semaphore(%run_scoped3A : memref<!tpu.dma_semaphore, #tpu.memory_space<semaphore_mem>>)
      %dma_wait3A_67 = tpu.memref_slice %arg3[%mul3A_2] : memref<4096xi32, #tpu.memory_space<hbm>> -> memref<128xi32, #tpu.memory_space<hbm>>
      %dma_wait3A_68 = tpu.memref_slice %arg3[%mul3A_2] : memref<4096xi32, #tpu.memory_space<hbm>> -> memref<128xi32, #tpu.memory_space<hbm>>
      tpu.wait_dma2 semaphore(%run_scoped3A : memref<!tpu.dma_semaphore, #tpu.memory_space<semaphore_mem>>) src(%dma_wait3A_68 : memref<128xi32, #tpu.memory_space<hbm>>) dst(%arg15 : memref<128xi32, #tpu.memory_space<vmem>>)
      tpu.yield
    }) : () -> ()
    %dma_start3A_20 = arith.constant 0 : i32
    %dma_start3A_21 = arith.constant 0 : i32
    %dma_start3A_22 = tpu.memref_slice %arg11[%dma_start3A_20, %dma_start3A_21] : memref<1024x256xf32, #tpu.memory_space<hbm>> -> memref<1024x256xf32, #tpu.memory_space<hbm>>
    tpu.enqueue_indirect_dma source(%dma_start3A_22 : memref<1024x256xf32, #tpu.memory_space<hbm>>) target(%arg20 : memref<128x256xf32, #tpu.memory_space<vmem>>) offsets(%arg15 : memref<128xi32, #tpu.memory_space<vmem>>) semaphore(%arg22 : memref<!tpu.dma_semaphore, #tpu.memory_space<semaphore_mem>>)
    %dma_wait3A_23 = arith.constant 0 : i32
    %dma_wait3A_24 = arith.constant 0 : i32
    %dma_wait3A_25 = tpu.memref_slice %arg11[%dma_wait3A_23, %dma_wait3A_24] : memref<1024x256xf32, #tpu.memory_space<hbm>> -> memref<1024x256xf32, #tpu.memory_space<hbm>>
    tpu.wait_indirect_dma semaphore(%arg22 : memref<!tpu.dma_semaphore, #tpu.memory_space<semaphore_mem>>) src(%dma_wait3A_25 : memref<1024x256xf32, #tpu.memory_space<hbm>>) dst(%arg20 : memref<128x256xf32, #tpu.memory_space<vmem>>)
    %dma_start3A_26 = arith.constant 0 : i32
    %dma_start3A_27 = arith.constant 768 : i32
    %dma_start3A_28 = tpu.memref_slice %arg13[%dma_start3A_26, %dma_start3A_27] : memref<13056x1024xf32, #tpu.memory_space<hbm>> -> memref<13056x256xf32, #tpu.memory_space<hbm>>
    tpu.enqueue_indirect_dma source(%arg20 : memref<128x256xf32, #tpu.memory_space<vmem>>) target(%dma_start3A_28 : memref<13056x256xf32, #tpu.memory_space<hbm>>) offsets(%arg17 : memref<128xi32, #tpu.memory_space<vmem>>) semaphore(%arg23 : memref<!tpu.dma_semaphore, #tpu.memory_space<semaphore_mem>>)
    %dma_start3A_29 = arith.constant 0 : i32
    %dma_start3A_30 = arith.constant 256 : i32
    %dma_start3A_31 = tpu.memref_slice %arg13[%dma_start3A_29, %dma_start3A_30] : memref<13056x1024xf32, #tpu.memory_space<hbm>> -> memref<13056x256xf32, #tpu.memory_space<hbm>>
    tpu.enqueue_indirect_dma source(%arg20 : memref<128x256xf32, #tpu.memory_space<vmem>>) target(%dma_start3A_31 : memref<13056x256xf32, #tpu.memory_space<hbm>>) offsets(%arg18 : memref<128xi32, #tpu.memory_space<vmem>>) semaphore(%arg23 : memref<!tpu.dma_semaphore, #tpu.memory_space<semaphore_mem>>)
    %dma_wait3A_32 = arith.constant 0 : i32
    %dma_wait3A_33 = arith.constant 0 : i32
    %dma_wait3A_34 = tpu.memref_slice %arg13[%dma_wait3A_32, %dma_wait3A_33] : memref<13056x1024xf32, #tpu.memory_space<hbm>> -> memref<13056x256xf32, #tpu.memory_space<hbm>>
    tpu.wait_indirect_dma semaphore(%arg23 : memref<!tpu.dma_semaphore, #tpu.memory_space<semaphore_mem>>) src(%arg19 : memref<128x256xf32, #tpu.memory_space<vmem>>) dst(%dma_wait3A_34 : memref<13056x256xf32, #tpu.memory_space<hbm>>)
    "tpu.region"() ({
      %run_scoped3A = tpu.sem_alloc : memref<!tpu.dma_semaphore, #tpu.memory_space<semaphore_mem>>
      %dma_start3A_65 = tpu.memref_slice %arg4[%mul3A_2] : memref<4096xi32, #tpu.memory_space<hbm>> -> memref<128xi32, #tpu.memory_space<hbm>>
      %dma_start3A_66 = tpu.memref_slice %arg4[%mul3A_2] : memref<4096xi32, #tpu.memory_space<hbm>> -> memref<128xi32, #tpu.memory_space<hbm>>
      tpu.enqueue_dma source(%dma_start3A_66 : memref<128xi32, #tpu.memory_space<hbm>>) target(%arg15 : memref<128xi32, #tpu.memory_space<vmem>>) target_semaphore(%run_scoped3A : memref<!tpu.dma_semaphore, #tpu.memory_space<semaphore_mem>>)
      %dma_wait3A_67 = tpu.memref_slice %arg4[%mul3A_2] : memref<4096xi32, #tpu.memory_space<hbm>> -> memref<128xi32, #tpu.memory_space<hbm>>
      %dma_wait3A_68 = tpu.memref_slice %arg4[%mul3A_2] : memref<4096xi32, #tpu.memory_space<hbm>> -> memref<128xi32, #tpu.memory_space<hbm>>
      tpu.wait_dma2 semaphore(%run_scoped3A : memref<!tpu.dma_semaphore, #tpu.memory_space<semaphore_mem>>) src(%dma_wait3A_68 : memref<128xi32, #tpu.memory_space<hbm>>) dst(%arg15 : memref<128xi32, #tpu.memory_space<vmem>>)
      tpu.yield
    }) : () -> ()
    %dma_start3A_35 = arith.constant 0 : i32
    %dma_start3A_36 = arith.constant 0 : i32
    %dma_start3A_37 = tpu.memref_slice %arg10[%dma_start3A_35, %dma_start3A_36] : memref<8192x256xf32, #tpu.memory_space<hbm>> -> memref<8192x256xf32, #tpu.memory_space<hbm>>
    tpu.enqueue_indirect_dma source(%dma_start3A_37 : memref<8192x256xf32, #tpu.memory_space<hbm>>) target(%arg19 : memref<128x256xf32, #tpu.memory_space<vmem>>) offsets(%arg15 : memref<128xi32, #tpu.memory_space<vmem>>) semaphore(%arg22 : memref<!tpu.dma_semaphore, #tpu.memory_space<semaphore_mem>>)
    %dma_wait3A_38 = arith.constant 0 : i32
    %dma_wait3A_39 = arith.constant 0 : i32
    %dma_wait3A_40 = tpu.memref_slice %arg10[%dma_wait3A_38, %dma_wait3A_39] : memref<8192x256xf32, #tpu.memory_space<hbm>> -> memref<8192x256xf32, #tpu.memory_space<hbm>>
    tpu.wait_indirect_dma semaphore(%arg22 : memref<!tpu.dma_semaphore, #tpu.memory_space<semaphore_mem>>) src(%dma_wait3A_40 : memref<8192x256xf32, #tpu.memory_space<hbm>>) dst(%arg19 : memref<128x256xf32, #tpu.memory_space<vmem>>)
    %dma_start3A_41 = arith.constant 0 : i32
    %dma_start3A_42 = arith.constant 256 : i32
    %dma_start3A_43 = tpu.memref_slice %arg13[%dma_start3A_41, %dma_start3A_42] : memref<13056x1024xf32, #tpu.memory_space<hbm>> -> memref<13056x256xf32, #tpu.memory_space<hbm>>
    tpu.enqueue_indirect_dma source(%arg19 : memref<128x256xf32, #tpu.memory_space<vmem>>) target(%dma_start3A_43 : memref<13056x256xf32, #tpu.memory_space<hbm>>) offsets(%arg17 : memref<128xi32, #tpu.memory_space<vmem>>) semaphore(%arg23 : memref<!tpu.dma_semaphore, #tpu.memory_space<semaphore_mem>>)
    %dma_wait3A_44 = arith.constant 0 : i32
    %dma_wait3A_45 = arith.constant 768 : i32
    %dma_wait3A_46 = tpu.memref_slice %arg13[%dma_wait3A_44, %dma_wait3A_45] : memref<13056x1024xf32, #tpu.memory_space<hbm>> -> memref<13056x256xf32, #tpu.memory_space<hbm>>
    tpu.wait_indirect_dma semaphore(%arg23 : memref<!tpu.dma_semaphore, #tpu.memory_space<semaphore_mem>>) src(%arg20 : memref<128x256xf32, #tpu.memory_space<vmem>>) dst(%dma_wait3A_46 : memref<13056x256xf32, #tpu.memory_space<hbm>>)
    %dma_wait3A_47 = arith.constant 0 : i32
    %dma_wait3A_48 = arith.constant 256 : i32
    %dma_wait3A_49 = tpu.memref_slice %arg13[%dma_wait3A_47, %dma_wait3A_48] : memref<13056x1024xf32, #tpu.memory_space<hbm>> -> memref<13056x256xf32, #tpu.memory_space<hbm>>
    tpu.wait_indirect_dma semaphore(%arg23 : memref<!tpu.dma_semaphore, #tpu.memory_space<semaphore_mem>>) src(%arg20 : memref<128x256xf32, #tpu.memory_space<vmem>>) dst(%dma_wait3A_49 : memref<13056x256xf32, #tpu.memory_space<hbm>>)
    "tpu.region"() ({
      %run_scoped3A = tpu.sem_alloc : memref<!tpu.dma_semaphore, #tpu.memory_space<semaphore_mem>>
      %dma_start3A_65 = tpu.memref_slice %arg5[%mul3A_2] : memref<4096xi32, #tpu.memory_space<hbm>> -> memref<128xi32, #tpu.memory_space<hbm>>
      %dma_start3A_66 = tpu.memref_slice %arg5[%mul3A_2] : memref<4096xi32, #tpu.memory_space<hbm>> -> memref<128xi32, #tpu.memory_space<hbm>>
      tpu.enqueue_dma source(%dma_start3A_66 : memref<128xi32, #tpu.memory_space<hbm>>) target(%arg15 : memref<128xi32, #tpu.memory_space<vmem>>) target_semaphore(%run_scoped3A : memref<!tpu.dma_semaphore, #tpu.memory_space<semaphore_mem>>)
      %dma_wait3A_67 = tpu.memref_slice %arg5[%mul3A_2] : memref<4096xi32, #tpu.memory_space<hbm>> -> memref<128xi32, #tpu.memory_space<hbm>>
      %dma_wait3A_68 = tpu.memref_slice %arg5[%mul3A_2] : memref<4096xi32, #tpu.memory_space<hbm>> -> memref<128xi32, #tpu.memory_space<hbm>>
      tpu.wait_dma2 semaphore(%run_scoped3A : memref<!tpu.dma_semaphore, #tpu.memory_space<semaphore_mem>>) src(%dma_wait3A_68 : memref<128xi32, #tpu.memory_space<hbm>>) dst(%arg15 : memref<128xi32, #tpu.memory_space<vmem>>)
      tpu.yield
    }) : () -> ()
    %dma_start3A_50 = arith.constant 0 : i32
    %dma_start3A_51 = arith.constant 0 : i32
    %dma_start3A_52 = tpu.memref_slice %arg10[%dma_start3A_50, %dma_start3A_51] : memref<8192x256xf32, #tpu.memory_space<hbm>> -> memref<8192x256xf32, #tpu.memory_space<hbm>>
    tpu.enqueue_indirect_dma source(%dma_start3A_52 : memref<8192x256xf32, #tpu.memory_space<hbm>>) target(%arg20 : memref<128x256xf32, #tpu.memory_space<vmem>>) offsets(%arg15 : memref<128xi32, #tpu.memory_space<vmem>>) semaphore(%arg22 : memref<!tpu.dma_semaphore, #tpu.memory_space<semaphore_mem>>)
    %dma_wait3A_53 = arith.constant 0 : i32
    %dma_wait3A_54 = arith.constant 0 : i32
    %dma_wait3A_55 = tpu.memref_slice %arg10[%dma_wait3A_53, %dma_wait3A_54] : memref<8192x256xf32, #tpu.memory_space<hbm>> -> memref<8192x256xf32, #tpu.memory_space<hbm>>
    tpu.wait_indirect_dma semaphore(%arg22 : memref<!tpu.dma_semaphore, #tpu.memory_space<semaphore_mem>>) src(%dma_wait3A_55 : memref<8192x256xf32, #tpu.memory_space<hbm>>) dst(%arg20 : memref<128x256xf32, #tpu.memory_space<vmem>>)
    %dma_start3A_56 = arith.constant 0 : i32
    %dma_start3A_57 = arith.constant 512 : i32
    %dma_start3A_58 = tpu.memref_slice %arg13[%dma_start3A_56, %dma_start3A_57] : memref<13056x1024xf32, #tpu.memory_space<hbm>> -> memref<13056x256xf32, #tpu.memory_space<hbm>>
    tpu.enqueue_indirect_dma source(%arg20 : memref<128x256xf32, #tpu.memory_space<vmem>>) target(%dma_start3A_58 : memref<13056x256xf32, #tpu.memory_space<hbm>>) offsets(%arg17 : memref<128xi32, #tpu.memory_space<vmem>>) semaphore(%arg23 : memref<!tpu.dma_semaphore, #tpu.memory_space<semaphore_mem>>)
    %dma_wait3A_59 = arith.constant 0 : i32
    %dma_wait3A_60 = arith.constant 256 : i32
    %dma_wait3A_61 = tpu.memref_slice %arg13[%dma_wait3A_59, %dma_wait3A_60] : memref<13056x1024xf32, #tpu.memory_space<hbm>> -> memref<13056x256xf32, #tpu.memory_space<hbm>>
    tpu.wait_indirect_dma semaphore(%arg23 : memref<!tpu.dma_semaphore, #tpu.memory_space<semaphore_mem>>) src(%arg19 : memref<128x256xf32, #tpu.memory_space<vmem>>) dst(%dma_wait3A_61 : memref<13056x256xf32, #tpu.memory_space<hbm>>)
    %dma_wait3A_62 = arith.constant 0 : i32
    %dma_wait3A_63 = arith.constant 512 : i32
    %dma_wait3A_64 = tpu.memref_slice %arg13[%dma_wait3A_62, %dma_wait3A_63] : memref<13056x1024xf32, #tpu.memory_space<hbm>> -> memref<13056x256xf32, #tpu.memory_space<hbm>>
    tpu.wait_indirect_dma semaphore(%arg23 : memref<!tpu.dma_semaphore, #tpu.memory_space<semaphore_mem>>) src(%arg20 : memref<128x256xf32, #tpu.memory_space<vmem>>) dst(%dma_wait3A_64 : memref<13056x256xf32, #tpu.memory_space<hbm>>)
    return
  }
}

module attributes {stable_mosaic.version = 14 : i64} {
  func.func @_route_body(%arg0: memref<32x128xi32, #tpu.memory_space<vmem>>, %arg1: memref<32x128xi32, #tpu.memory_space<vmem>>, %arg2: memref<32x128xi32, #tpu.memory_space<vmem>>, %arg3: memref<32x128xi32, #tpu.memory_space<vmem>>, %arg4: memref<32x128xi32, #tpu.memory_space<vmem>>, %arg5: memref<1x128xi32, #tpu.memory_space<vmem>>) attributes {dimension_semantics = [], scalar_prefetch = 0 : i64, scratch_operands = 0 : i64, tpu.core_type = #tpu.core_type<tc>} {
    %get3A = arith.constant 0 : index
    %get3A_0 = arith.constant 0 : index
    %get3A_1 = vector.load %arg0[%get3A, %get3A_0] : memref<32x128xi32, #tpu.memory_space<vmem>>, vector<32x128xi32>
    %iota3A = tpu.iota {dimensions = array<i32: 0>} : vector<128x128xi32>
    %iota3A_2 = tpu.iota {dimensions = array<i32: 1>} : vector<128x128xi32>
    %lt3A = arith.cmpi slt, %iota3A, %iota3A_2 : vector<128x128xi32>
    %convert_element_type3A = arith.extui %lt3A : vector<128x128xi1> to vector<128x128xi32>
    %convert_element_type3A_3 = arith.sitofp %convert_element_type3A : vector<128x128xi32> to vector<128x128xf32>
    %iota3A_4 = tpu.iota {dimensions = array<i32: 0>} : vector<32x32xi32>
    %iota3A_5 = tpu.iota {dimensions = array<i32: 1>} : vector<32x32xi32>
    %lt3A_6 = arith.cmpi slt, %iota3A_4, %iota3A_5 : vector<32x32xi32>
    %convert_element_type3A_7 = arith.extui %lt3A_6 : vector<32x32xi1> to vector<32x32xi32>
    %convert_element_type3A_8 = arith.sitofp %convert_element_type3A_7 : vector<32x32xi32> to vector<32x32xf32>
    %eq3A = arith.constant 0 : i32
    %eq3A_9 = vector.broadcast %eq3A : i32 to vector<32x128xi32>
    %eq3A_10 = arith.cmpi eq, %get3A_1, %eq3A_9 : vector<32x128xi32>
    %eq3A_11 = arith.constant 1 : i32
    %eq3A_12 = vector.broadcast %eq3A_11 : i32 to vector<32x128xi32>
    %eq3A_13 = arith.cmpi eq, %get3A_1, %eq3A_12 : vector<32x128xi32>
    %eq3A_14 = arith.constant 2 : i32
    %eq3A_15 = vector.broadcast %eq3A_14 : i32 to vector<32x128xi32>
    %eq3A_16 = arith.cmpi eq, %get3A_1, %eq3A_15 : vector<32x128xi32>
    %eq3A_17 = arith.constant 3 : i32
    %eq3A_18 = vector.broadcast %eq3A_17 : i32 to vector<32x128xi32>
    %eq3A_19 = arith.cmpi eq, %get3A_1, %eq3A_18 : vector<32x128xi32>
    %convert_element_type3A_20 = arith.extui %eq3A_10 : vector<32x128xi1> to vector<32x128xi32>
    %convert_element_type3A_21 = arith.sitofp %convert_element_type3A_20 : vector<32x128xi32> to vector<32x128xf32>
    %dot_general3A = arith.constant dense<0.000000e+00> : vector<32x128xf32>
    %dot_general3A_22 = tpu.matmul %convert_element_type3A_21, %convert_element_type3A_3, %dot_general3A {dimension_numbers = #tpu.dot_dimension_numbers<[1], [0], [0], [1], [0, 0, 1, 1], [], []>, transpose_lhs_hint = false} : vector<32x128xf32>, vector<128x128xf32>, vector<32x128xf32> -> vector<32x128xf32>
    %reduce_sum3A = arith.constant dense<0.000000e+00> : vector<32xf32>
    %reduce_sum3A_23 = vector.multi_reduction <add>, %convert_element_type3A_21, %reduce_sum3A [1] : vector<32x128xf32> to vector<32xf32>
    %reshape3A = vector.shape_cast %reduce_sum3A_23 : vector<32xf32> to vector<1x32xf32>
    %dot_general3A_24 = arith.constant dense<0.000000e+00> : vector<1x32xf32>
    %dot_general3A_25 = tpu.matmul %reshape3A, %convert_element_type3A_8, %dot_general3A_24 {dimension_numbers = #tpu.dot_dimension_numbers<[1], [0], [0], [1], [0, 0, 1, 1], [], []>, transpose_lhs_hint = false} : vector<1x32xf32>, vector<32x32xf32>, vector<1x32xf32> -> vector<1x32xf32>
    %reshape3A_26 = vector.shape_cast %dot_general3A_25 : vector<1x32xf32> to vector<32x1xf32>
    %add3A = vector.broadcast %reshape3A_26 : vector<32x1xf32> to vector<32x128xf32>
    %add3A_27 = arith.addf %dot_general3A_22, %add3A : vector<32x128xf32>
    %convert_element_type3A_28 = arith.fptosi %add3A_27 : vector<32x128xf32> to vector<32x128xi32>
    %convert_element_type3A_29 = arith.extui %eq3A_13 : vector<32x128xi1> to vector<32x128xi32>
    %convert_element_type3A_30 = arith.sitofp %convert_element_type3A_29 : vector<32x128xi32> to vector<32x128xf32>
    %dot_general3A_31 = arith.constant dense<0.000000e+00> : vector<32x128xf32>
    %dot_general3A_32 = tpu.matmul %convert_element_type3A_30, %convert_element_type3A_3, %dot_general3A_31 {dimension_numbers = #tpu.dot_dimension_numbers<[1], [0], [0], [1], [0, 0, 1, 1], [], []>, transpose_lhs_hint = false} : vector<32x128xf32>, vector<128x128xf32>, vector<32x128xf32> -> vector<32x128xf32>
    %reduce_sum3A_33 = arith.constant dense<0.000000e+00> : vector<32xf32>
    %reduce_sum3A_34 = vector.multi_reduction <add>, %convert_element_type3A_30, %reduce_sum3A_33 [1] : vector<32x128xf32> to vector<32xf32>
    %reshape3A_35 = vector.shape_cast %reduce_sum3A_34 : vector<32xf32> to vector<1x32xf32>
    %dot_general3A_36 = arith.constant dense<0.000000e+00> : vector<1x32xf32>
    %dot_general3A_37 = tpu.matmul %reshape3A_35, %convert_element_type3A_8, %dot_general3A_36 {dimension_numbers = #tpu.dot_dimension_numbers<[1], [0], [0], [1], [0, 0, 1, 1], [], []>, transpose_lhs_hint = false} : vector<1x32xf32>, vector<32x32xf32>, vector<1x32xf32> -> vector<1x32xf32>
    %reshape3A_38 = vector.shape_cast %dot_general3A_37 : vector<1x32xf32> to vector<32x1xf32>
    %add3A_39 = vector.broadcast %reshape3A_38 : vector<32x1xf32> to vector<32x128xf32>
    %add3A_40 = arith.addf %dot_general3A_32, %add3A_39 : vector<32x128xf32>
    %convert_element_type3A_41 = arith.fptosi %add3A_40 : vector<32x128xf32> to vector<32x128xi32>
    %reduce_sum3A_42 = vector.shape_cast %convert_element_type3A_30 : vector<32x128xf32> to vector<1x32x128xf32>
    %reduce_sum3A_43 = arith.constant dense<0.000000e+00> : vector<1xf32>
    %reduce_sum3A_44 = vector.multi_reduction <add>, %reduce_sum3A_42, %reduce_sum3A_43 [1, 2] : vector<1x32x128xf32> to vector<1xf32>
    %reduce_sum3A_45 = vector.shape_cast %reduce_sum3A_44 : vector<1xf32> to vector<1x1x1xf32>
    %reduce_sum3A_46 = vector.extract %reduce_sum3A_45[0, 0, 0] : f32 from vector<1x1x1xf32>
    %convert_element_type3A_47 = arith.fptosi %reduce_sum3A_46 : f32 to i32
    %convert_element_type3A_48 = arith.extui %eq3A_16 : vector<32x128xi1> to vector<32x128xi32>
    %convert_element_type3A_49 = arith.sitofp %convert_element_type3A_48 : vector<32x128xi32> to vector<32x128xf32>
    %dot_general3A_50 = arith.constant dense<0.000000e+00> : vector<32x128xf32>
    %dot_general3A_51 = tpu.matmul %convert_element_type3A_49, %convert_element_type3A_3, %dot_general3A_50 {dimension_numbers = #tpu.dot_dimension_numbers<[1], [0], [0], [1], [0, 0, 1, 1], [], []>, transpose_lhs_hint = false} : vector<32x128xf32>, vector<128x128xf32>, vector<32x128xf32> -> vector<32x128xf32>
    %reduce_sum3A_52 = arith.constant dense<0.000000e+00> : vector<32xf32>
    %reduce_sum3A_53 = vector.multi_reduction <add>, %convert_element_type3A_49, %reduce_sum3A_52 [1] : vector<32x128xf32> to vector<32xf32>
    %reshape3A_54 = vector.shape_cast %reduce_sum3A_53 : vector<32xf32> to vector<1x32xf32>
    %dot_general3A_55 = arith.constant dense<0.000000e+00> : vector<1x32xf32>
    %dot_general3A_56 = tpu.matmul %reshape3A_54, %convert_element_type3A_8, %dot_general3A_55 {dimension_numbers = #tpu.dot_dimension_numbers<[1], [0], [0], [1], [0, 0, 1, 1], [], []>, transpose_lhs_hint = false} : vector<1x32xf32>, vector<32x32xf32>, vector<1x32xf32> -> vector<1x32xf32>
    %reshape3A_57 = vector.shape_cast %dot_general3A_56 : vector<1x32xf32> to vector<32x1xf32>
    %add3A_58 = vector.broadcast %reshape3A_57 : vector<32x1xf32> to vector<32x128xf32>
    %add3A_59 = arith.addf %dot_general3A_51, %add3A_58 : vector<32x128xf32>
    %convert_element_type3A_60 = arith.fptosi %add3A_59 : vector<32x128xf32> to vector<32x128xi32>
    %reduce_sum3A_61 = vector.shape_cast %convert_element_type3A_49 : vector<32x128xf32> to vector<1x32x128xf32>
    %reduce_sum3A_62 = arith.constant dense<0.000000e+00> : vector<1xf32>
    %reduce_sum3A_63 = vector.multi_reduction <add>, %reduce_sum3A_61, %reduce_sum3A_62 [1, 2] : vector<1x32x128xf32> to vector<1xf32>
    %reduce_sum3A_64 = vector.shape_cast %reduce_sum3A_63 : vector<1xf32> to vector<1x1x1xf32>
    %reduce_sum3A_65 = vector.extract %reduce_sum3A_64[0, 0, 0] : f32 from vector<1x1x1xf32>
    %convert_element_type3A_66 = arith.fptosi %reduce_sum3A_65 : f32 to i32
    %convert_element_type3A_67 = arith.extui %eq3A_19 : vector<32x128xi1> to vector<32x128xi32>
    %convert_element_type3A_68 = arith.sitofp %convert_element_type3A_67 : vector<32x128xi32> to vector<32x128xf32>
    %dot_general3A_69 = arith.constant dense<0.000000e+00> : vector<32x128xf32>
    %dot_general3A_70 = tpu.matmul %convert_element_type3A_68, %convert_element_type3A_3, %dot_general3A_69 {dimension_numbers = #tpu.dot_dimension_numbers<[1], [0], [0], [1], [0, 0, 1, 1], [], []>, transpose_lhs_hint = false} : vector<32x128xf32>, vector<128x128xf32>, vector<32x128xf32> -> vector<32x128xf32>
    %reduce_sum3A_71 = arith.constant dense<0.000000e+00> : vector<32xf32>
    %reduce_sum3A_72 = vector.multi_reduction <add>, %convert_element_type3A_68, %reduce_sum3A_71 [1] : vector<32x128xf32> to vector<32xf32>
    %reshape3A_73 = vector.shape_cast %reduce_sum3A_72 : vector<32xf32> to vector<1x32xf32>
    %dot_general3A_74 = arith.constant dense<0.000000e+00> : vector<1x32xf32>
    %dot_general3A_75 = tpu.matmul %reshape3A_73, %convert_element_type3A_8, %dot_general3A_74 {dimension_numbers = #tpu.dot_dimension_numbers<[1], [0], [0], [1], [0, 0, 1, 1], [], []>, transpose_lhs_hint = false} : vector<1x32xf32>, vector<32x32xf32>, vector<1x32xf32> -> vector<1x32xf32>
    %reshape3A_76 = vector.shape_cast %dot_general3A_75 : vector<1x32xf32> to vector<32x1xf32>
    %add3A_77 = vector.broadcast %reshape3A_76 : vector<32x1xf32> to vector<32x128xf32>
    %add3A_78 = arith.addf %dot_general3A_70, %add3A_77 : vector<32x128xf32>
    %convert_element_type3A_79 = arith.fptosi %add3A_78 : vector<32x128xf32> to vector<32x128xi32>
    %reduce_sum3A_80 = vector.shape_cast %convert_element_type3A_68 : vector<32x128xf32> to vector<1x32x128xf32>
    %reduce_sum3A_81 = arith.constant dense<0.000000e+00> : vector<1xf32>
    %reduce_sum3A_82 = vector.multi_reduction <add>, %reduce_sum3A_80, %reduce_sum3A_81 [1, 2] : vector<1x32x128xf32> to vector<1xf32>
    %reduce_sum3A_83 = vector.shape_cast %reduce_sum3A_82 : vector<1xf32> to vector<1x1x1xf32>
    %reduce_sum3A_84 = vector.extract %reduce_sum3A_83[0, 0, 0] : f32 from vector<1x1x1xf32>
    %convert_element_type3A_85 = arith.fptosi %reduce_sum3A_84 : f32 to i32
    %iota3A_86 = tpu.iota {dimensions = array<i32: 0>} : vector<32x128xi32>
    %mul3A = arith.constant 128 : i32
    %mul3A_87 = vector.broadcast %mul3A : i32 to vector<32x128xi32>
    %mul3A_88 = arith.muli %iota3A_86, %mul3A_87 : vector<32x128xi32>
    %iota3A_89 = tpu.iota {dimensions = array<i32: 1>} : vector<32x128xi32>
    %add3A_90 = arith.addi %mul3A_88, %iota3A_89 : vector<32x128xi32>
    %jit3A = arith.constant 3 : i32
    %eq3A_91 = arith.constant 0 : i32
    %eq3A_92 = arith.cmpi eq, %jit3A, %eq3A_91 : i32
    %jit3A_93 = arith.constant 1 : i32
    %select_n3A = arith.select %eq3A_92, %jit3A_93, %jit3A : i32
    %rem3A = vector.broadcast %select_n3A : i32 to vector<32x128xi32>
    %rem3A_94 = arith.remsi %add3A_90, %rem3A : vector<32x128xi32>
    %ne3A = arith.constant 0 : i32
    %ne3A_95 = vector.broadcast %ne3A : i32 to vector<32x128xi32>
    %ne3A_96 = arith.cmpi ne, %rem3A_94, %ne3A_95 : vector<32x128xi32>
    %lt3A_97 = arith.constant 0 : i32
    %lt3A_98 = vector.broadcast %lt3A_97 : i32 to vector<32x128xi32>
    %lt3A_99 = arith.cmpi slt, %rem3A_94, %lt3A_98 : vector<32x128xi32>
    %lt3A_100 = arith.constant 0 : i32
    %lt3A_101 = arith.cmpi slt, %select_n3A, %lt3A_100 : i32
    %ne3A_102 = vector.broadcast %lt3A_101 : i1 to vector<32x128xi1>
    %ne3A_103 = vector.broadcast %ne3A_102 : vector<32x128xi1> to vector<32x128xi1>
    %ne3A_104 = arith.xori %lt3A_99, %ne3A_103 : vector<32x128xi1>
    %and3A = arith.andi %ne3A_104, %ne3A_96 : vector<32x128xi1>
    %add3A_105 = vector.broadcast %select_n3A : i32 to vector<32x128xi32>
    %add3A_106 = arith.addi %rem3A_94, %add3A_105 : vector<32x128xi32>
    %select_n3A_107 = arith.select %and3A, %add3A_106, %rem3A_94 : vector<32x128xi1>, vector<32x128xi32>
    %mul3A_108 = arith.constant 4352 : i32
    %mul3A_109 = vector.broadcast %mul3A_108 : i32 to vector<32x128xi32>
    %mul3A_110 = arith.muli %select_n3A_107, %mul3A_109 : vector<32x128xi32>
    %add3A_111 = arith.constant 4096 : i32
    %add3A_112 = vector.broadcast %add3A_111 : i32 to vector<32x128xi32>
    %add3A_113 = arith.addi %mul3A_110, %add3A_112 : vector<32x128xi32>
    %jit3A_114 = arith.constant 256 : i32
    %eq3A_115 = arith.constant 0 : i32
    %eq3A_116 = arith.cmpi eq, %jit3A_114, %eq3A_115 : i32
    %jit3A_117 = arith.constant 1 : i32
    %select_n3A_118 = arith.select %eq3A_116, %jit3A_117, %jit3A_114 : i32
    %rem3A_119 = vector.broadcast %select_n3A_118 : i32 to vector<32x128xi32>
    %rem3A_120 = arith.remsi %add3A_90, %rem3A_119 : vector<32x128xi32>
    %ne3A_121 = arith.constant 0 : i32
    %ne3A_122 = vector.broadcast %ne3A_121 : i32 to vector<32x128xi32>
    %ne3A_123 = arith.cmpi ne, %rem3A_120, %ne3A_122 : vector<32x128xi32>
    %lt3A_124 = arith.constant 0 : i32
    %lt3A_125 = vector.broadcast %lt3A_124 : i32 to vector<32x128xi32>
    %lt3A_126 = arith.cmpi slt, %rem3A_120, %lt3A_125 : vector<32x128xi32>
    %lt3A_127 = arith.constant 0 : i32
    %lt3A_128 = arith.cmpi slt, %select_n3A_118, %lt3A_127 : i32
    %ne3A_129 = vector.broadcast %lt3A_128 : i1 to vector<32x128xi1>
    %ne3A_130 = vector.broadcast %ne3A_129 : vector<32x128xi1> to vector<32x128xi1>
    %ne3A_131 = arith.xori %lt3A_126, %ne3A_130 : vector<32x128xi1>
    %and3A_132 = arith.andi %ne3A_131, %ne3A_123 : vector<32x128xi1>
    %add3A_133 = vector.broadcast %select_n3A_118 : i32 to vector<32x128xi32>
    %add3A_134 = arith.addi %rem3A_120, %add3A_133 : vector<32x128xi32>
    %select_n3A_135 = arith.select %and3A_132, %add3A_134, %rem3A_120 : vector<32x128xi1>, vector<32x128xi32>
    %add3A_136 = arith.addi %add3A_113, %select_n3A_135 : vector<32x128xi32>
    %add3A_137 = arith.constant 4352 : i32
    %add3A_138 = vector.broadcast %add3A_137 : i32 to vector<32x128xi32>
    %add3A_139 = arith.addi %add3A_138, %convert_element_type3A_60 : vector<32x128xi32>
    %add3A_140 = arith.constant 8704 : i32
    %add3A_141 = vector.broadcast %add3A_140 : i32 to vector<32x128xi32>
    %add3A_142 = arith.addi %add3A_141, %convert_element_type3A_79 : vector<32x128xi32>
    %select_n3A_143 = arith.select %eq3A_19, %add3A_142, %add3A_136 : vector<32x128xi1>, vector<32x128xi32>
    %select_n3A_144 = arith.select %eq3A_16, %add3A_139, %select_n3A_143 : vector<32x128xi1>, vector<32x128xi32>
    %select_n3A_145 = arith.select %eq3A_13, %convert_element_type3A_41, %select_n3A_144 : vector<32x128xi1>, vector<32x128xi32>
    %swap3A = arith.constant 0 : index
    %swap3A_146 = arith.constant 0 : index
    %swap3A_147 = vector.load %arg1[%swap3A, %swap3A_146] : memref<32x128xi32, #tpu.memory_space<vmem>>, vector<32x128xi32>
    tpu.vector_store %arg1[%swap3A, %swap3A_146], %select_n3A_145 {strides = array<i32>} : memref<32x128xi32, #tpu.memory_space<vmem>>, vector<32x128xi32>,
    %select_n3A_148 = arith.select %eq3A_13, %convert_element_type3A_41, %add3A_136 : vector<32x128xi1>, vector<32x128xi32>
    %swap3A_149 = arith.constant 0 : index
    %swap3A_150 = arith.constant 0 : index
    %swap3A_151 = vector.load %arg2[%swap3A_149, %swap3A_150] : memref<32x128xi32, #tpu.memory_space<vmem>>, vector<32x128xi32>
    tpu.vector_store %arg2[%swap3A_149, %swap3A_150], %select_n3A_148 {strides = array<i32>} : memref<32x128xi32, #tpu.memory_space<vmem>>, vector<32x128xi32>,
    %add3A_152 = arith.constant 4352 : i32
    %add3A_153 = vector.broadcast %add3A_152 : i32 to vector<32x128xi32>
    %add3A_154 = arith.addi %add3A_153, %convert_element_type3A_60 : vector<32x128xi32>
    %add3A_155 = arith.constant 8704 : i32
    %add3A_156 = vector.broadcast %add3A_155 : i32 to vector<32x128xi32>
    %add3A_157 = arith.addi %add3A_156, %convert_element_type3A_79 : vector<32x128xi32>
    %select_n3A_158 = arith.select %eq3A_19, %add3A_157, %add3A_136 : vector<32x128xi1>, vector<32x128xi32>
    %select_n3A_159 = arith.select %eq3A_16, %add3A_154, %select_n3A_158 : vector<32x128xi1>, vector<32x128xi32>
    %swap3A_160 = arith.constant 0 : index
    %swap3A_161 = arith.constant 0 : index
    %swap3A_162 = vector.load %arg3[%swap3A_160, %swap3A_161] : memref<32x128xi32, #tpu.memory_space<vmem>>, vector<32x128xi32>
    tpu.vector_store %arg3[%swap3A_160, %swap3A_161], %select_n3A_159 {strides = array<i32>} : memref<32x128xi32, #tpu.memory_space<vmem>>, vector<32x128xi32>,
    %add3A_163 = arith.constant 4352 : i32
    %add3A_164 = vector.broadcast %add3A_163 : i32 to vector<32x128xi32>
    %add3A_165 = arith.addi %add3A_164, %convert_element_type3A_60 : vector<32x128xi32>
    %add3A_166 = arith.constant 8704 : i32
    %add3A_167 = vector.broadcast %add3A_166 : i32 to vector<32x128xi32>
    %add3A_168 = arith.addi %add3A_167, %convert_element_type3A_79 : vector<32x128xi32>
    %jit3A_169 = arith.constant 64 : i32
    %eq3A_170 = arith.constant 0 : i32
    %eq3A_171 = arith.cmpi eq, %jit3A_169, %eq3A_170 : i32
    %jit3A_172 = arith.constant 1 : i32
    %select_n3A_173 = arith.select %eq3A_171, %jit3A_172, %jit3A_169 : i32
    %rem3A_174 = vector.broadcast %select_n3A_173 : i32 to vector<32x128xi32>
    %rem3A_175 = arith.remsi %convert_element_type3A_28, %rem3A_174 : vector<32x128xi32>
    %ne3A_176 = arith.constant 0 : i32
    %ne3A_177 = vector.broadcast %ne3A_176 : i32 to vector<32x128xi32>
    %ne3A_178 = arith.cmpi ne, %rem3A_175, %ne3A_177 : vector<32x128xi32>
    %lt3A_179 = arith.constant 0 : i32
    %lt3A_180 = vector.broadcast %lt3A_179 : i32 to vector<32x128xi32>
    %lt3A_181 = arith.cmpi slt, %rem3A_175, %lt3A_180 : vector<32x128xi32>
    %lt3A_182 = arith.constant 0 : i32
    %lt3A_183 = arith.cmpi slt, %select_n3A_173, %lt3A_182 : i32
    %ne3A_184 = vector.broadcast %lt3A_183 : i1 to vector<32x128xi1>
    %ne3A_185 = vector.broadcast %ne3A_184 : vector<32x128xi1> to vector<32x128xi1>
    %ne3A_186 = arith.xori %lt3A_181, %ne3A_185 : vector<32x128xi1>
    %and3A_187 = arith.andi %ne3A_186, %ne3A_178 : vector<32x128xi1>
    %add3A_188 = vector.broadcast %select_n3A_173 : i32 to vector<32x128xi32>
    %add3A_189 = arith.addi %rem3A_175, %add3A_188 : vector<32x128xi32>
    %select_n3A_190 = arith.select %and3A_187, %add3A_189, %rem3A_175 : vector<32x128xi1>, vector<32x128xi32>
    %add3A_191 = arith.constant 13056 : i32
    %add3A_192 = vector.broadcast %add3A_191 : i32 to vector<32x128xi32>
    %add3A_193 = arith.addi %add3A_192, %select_n3A_190 : vector<32x128xi32>
    %select_n3A_194 = arith.select %eq3A_19, %add3A_168, %add3A_193 : vector<32x128xi1>, vector<32x128xi32>
    %select_n3A_195 = arith.select %eq3A_16, %add3A_165, %select_n3A_194 : vector<32x128xi1>, vector<32x128xi32>
    %select_n3A_196 = arith.select %eq3A_13, %convert_element_type3A_41, %select_n3A_195 : vector<32x128xi1>, vector<32x128xi32>
    %swap3A_197 = arith.constant 0 : index
    %swap3A_198 = arith.constant 0 : index
    %swap3A_199 = vector.load %arg4[%swap3A_197, %swap3A_198] : memref<32x128xi32, #tpu.memory_space<vmem>>, vector<32x128xi32>
    tpu.vector_store %arg4[%swap3A_197, %swap3A_198], %select_n3A_196 {strides = array<i32>} : memref<32x128xi32, #tpu.memory_space<vmem>>, vector<32x128xi32>,
    %iota3A_200 = tpu.iota {dimensions = array<i32: 1>} : vector<1x128xi32>
    %add3A_201 = arith.constant 256 : i32
    %add3A_202 = arith.addi %convert_element_type3A_47, %add3A_201 : i32
    %sub3A = arith.constant 1 : i32
    %sub3A_203 = arith.subi %add3A_202, %sub3A : i32
    %jit3A_204 = arith.constant 256 : i32
    %div3A = arith.divsi %sub3A_203, %jit3A_204 : i32
    %sign3A = arith.constant 0 : i32
    %sign3A_205 = arith.cmpi sgt, %sub3A_203, %sign3A : i32
    %sign3A_206 = arith.extui %sign3A_205 : i1 to i32
    %sign3A_207 = arith.constant 0 : i32
    %sign3A_208 = arith.cmpi slt, %sub3A_203, %sign3A_207 : i32
    %sign3A_209 = arith.extui %sign3A_208 : i1 to i32
    %sign3A_210 = arith.subi %sign3A_206, %sign3A_209 : i32
    %sign3A_211 = arith.constant 0 : i32
    %sign3A_212 = arith.cmpi sgt, %jit3A_204, %sign3A_211 : i32
    %sign3A_213 = arith.extui %sign3A_212 : i1 to i32
    %sign3A_214 = arith.constant 0 : i32
    %sign3A_215 = arith.cmpi slt, %jit3A_204, %sign3A_214 : i32
    %sign3A_216 = arith.extui %sign3A_215 : i1 to i32
    %sign3A_217 = arith.subi %sign3A_213, %sign3A_216 : i32
    %ne3A_218 = arith.cmpi ne, %sign3A_210, %sign3A_217 : i32
    %rem3A_219 = arith.remsi %sub3A_203, %jit3A_204 : i32
    %ne3A_220 = arith.constant 0 : i32
    %ne3A_221 = arith.cmpi ne, %rem3A_219, %ne3A_220 : i32
    %and3A_222 = arith.andi %ne3A_218, %ne3A_221 : i1
    %sub3A_223 = arith.constant 1 : i32
    %sub3A_224 = arith.subi %div3A, %sub3A_223 : i32
    %select_n3A_225 = arith.select %and3A_222, %sub3A_224, %div3A : i32
    %add3A_226 = arith.constant 256 : i32
    %add3A_227 = arith.addi %convert_element_type3A_66, %add3A_226 : i32
    %sub3A_228 = arith.constant 1 : i32
    %sub3A_229 = arith.subi %add3A_227, %sub3A_228 : i32
    %jit3A_230 = arith.constant 256 : i32
    %div3A_231 = arith.divsi %sub3A_229, %jit3A_230 : i32
    %sign3A_232 = arith.constant 0 : i32
    %sign3A_233 = arith.cmpi sgt, %sub3A_229, %sign3A_232 : i32
    %sign3A_234 = arith.extui %sign3A_233 : i1 to i32
    %sign3A_235 = arith.constant 0 : i32
    %sign3A_236 = arith.cmpi slt, %sub3A_229, %sign3A_235 : i32
    %sign3A_237 = arith.extui %sign3A_236 : i1 to i32
    %sign3A_238 = arith.subi %sign3A_234, %sign3A_237 : i32
    %sign3A_239 = arith.constant 0 : i32
    %sign3A_240 = arith.cmpi sgt, %jit3A_230, %sign3A_239 : i32
    %sign3A_241 = arith.extui %sign3A_240 : i1 to i32
    %sign3A_242 = arith.constant 0 : i32
    %sign3A_243 = arith.cmpi slt, %jit3A_230, %sign3A_242 : i32
    %sign3A_244 = arith.extui %sign3A_243 : i1 to i32
    %sign3A_245 = arith.subi %sign3A_241, %sign3A_244 : i32
    %ne3A_246 = arith.cmpi ne, %sign3A_238, %sign3A_245 : i32
    %rem3A_247 = arith.remsi %sub3A_229, %jit3A_230 : i32
    %ne3A_248 = arith.constant 0 : i32
    %ne3A_249 = arith.cmpi ne, %rem3A_247, %ne3A_248 : i32
    %and3A_250 = arith.andi %ne3A_246, %ne3A_249 : i1
    %sub3A_251 = arith.constant 1 : i32
    %sub3A_252 = arith.subi %div3A_231, %sub3A_251 : i32
    %select_n3A_253 = arith.select %and3A_250, %sub3A_252, %div3A_231 : i32
    %add3A_254 = arith.constant 256 : i32
    %add3A_255 = arith.addi %convert_element_type3A_85, %add3A_254 : i32
    %sub3A_256 = arith.constant 1 : i32
    %sub3A_257 = arith.subi %add3A_255, %sub3A_256 : i32
    %jit3A_258 = arith.constant 256 : i32
    %div3A_259 = arith.divsi %sub3A_257, %jit3A_258 : i32
    %sign3A_260 = arith.constant 0 : i32
    %sign3A_261 = arith.cmpi sgt, %sub3A_257, %sign3A_260 : i32
    %sign3A_262 = arith.extui %sign3A_261 : i1 to i32
    %sign3A_263 = arith.constant 0 : i32
    %sign3A_264 = arith.cmpi slt, %sub3A_257, %sign3A_263 : i32
    %sign3A_265 = arith.extui %sign3A_264 : i1 to i32
    %sign3A_266 = arith.subi %sign3A_262, %sign3A_265 : i32
    %sign3A_267 = arith.constant 0 : i32
    %sign3A_268 = arith.cmpi sgt, %jit3A_258, %sign3A_267 : i32
    %sign3A_269 = arith.extui %sign3A_268 : i1 to i32
    %sign3A_270 = arith.constant 0 : i32
    %sign3A_271 = arith.cmpi slt, %jit3A_258, %sign3A_270 : i32
    %sign3A_272 = arith.extui %sign3A_271 : i1 to i32
    %sign3A_273 = arith.subi %sign3A_269, %sign3A_272 : i32
    %ne3A_274 = arith.cmpi ne, %sign3A_266, %sign3A_273 : i32
    %rem3A_275 = arith.remsi %sub3A_257, %jit3A_258 : i32
    %ne3A_276 = arith.constant 0 : i32
    %ne3A_277 = arith.cmpi ne, %rem3A_275, %ne3A_276 : i32
    %and3A_278 = arith.andi %ne3A_274, %ne3A_277 : i1
    %sub3A_279 = arith.constant 1 : i32
    %sub3A_280 = arith.subi %div3A_259, %sub3A_279 : i32
    %select_n3A_281 = arith.select %and3A_278, %sub3A_280, %div3A_259 : i32
    %eq3A_282 = arith.constant 0 : i32
    %eq3A_283 = vector.broadcast %eq3A_282 : i32 to vector<1x128xi32>
    %eq3A_284 = arith.cmpi eq, %iota3A_200, %eq3A_283 : vector<1x128xi32>
    %eq3A_285 = arith.constant 1 : i32
    %eq3A_286 = vector.broadcast %eq3A_285 : i32 to vector<1x128xi32>
    %eq3A_287 = arith.cmpi eq, %iota3A_200, %eq3A_286 : vector<1x128xi32>
    %eq3A_288 = arith.constant 2 : i32
    %eq3A_289 = vector.broadcast %eq3A_288 : i32 to vector<1x128xi32>
    %eq3A_290 = arith.cmpi eq, %iota3A_200, %eq3A_289 : vector<1x128xi32>
    %jit3A_291 = arith.constant 0 : i32
    %broadcast_in_dim3A = vector.broadcast %select_n3A_281 : i32 to vector<1x128xi32>
    %broadcast_in_dim3A_292 = vector.broadcast %jit3A_291 : i32 to vector<1x128xi32>
    %select_n3A_293 = arith.select %eq3A_290, %broadcast_in_dim3A, %broadcast_in_dim3A_292 : vector<1x128xi1>, vector<1x128xi32>
    %broadcast_in_dim3A_294 = vector.broadcast %select_n3A_253 : i32 to vector<1x128xi32>
    %select_n3A_295 = arith.select %eq3A_287, %broadcast_in_dim3A_294, %select_n3A_293 : vector<1x128xi1>, vector<1x128xi32>
    %broadcast_in_dim3A_296 = vector.broadcast %select_n3A_225 : i32 to vector<1x128xi32>
    %select_n3A_297 = arith.select %eq3A_284, %broadcast_in_dim3A_296, %select_n3A_295 : vector<1x128xi1>, vector<1x128xi32>
    %swap3A_298 = arith.constant 0 : index
    %swap3A_299 = arith.constant 0 : index
    %swap3A_300 = vector.load %arg5[%swap3A_298, %swap3A_299] : memref<1x128xi32, #tpu.memory_space<vmem>>, vector<1x128xi32>
    tpu.vector_store %arg5[%swap3A_298, %swap3A_299], %select_n3A_297 {strides = array<i32>} : memref<1x128xi32, #tpu.memory_space<vmem>>, vector<1x128xi32>,
    return
  }
}

module attributes {stable_mosaic.version = 14 : i64} {
  func.func @_expert_body(%arg0: i32, %arg1: memref<1xi32, #tpu.memory_space<smem>>, %arg2: memref<256x512xf32, #tpu.memory_space<vmem>>, %arg3: memref<512x1024xf32, #tpu.memory_space<vmem>>, %arg4: memref<1024x1024xf32, #tpu.memory_space<vmem>>, %arg5: memref<512x1024xf32, #tpu.memory_space<vmem>>, %arg6: memref<1024x1024xf32, #tpu.memory_space<vmem>>, %arg7: memref<1024x1024xf32, #tpu.memory_space<vmem>>, %arg8: memref<1024x1024xf32, #tpu.memory_space<vmem>>, %arg9: memref<1024x1024xf32, #tpu.memory_space<vmem>>, %arg10: memref<1024x1024xf32, #tpu.memory_space<vmem>>, %arg11: memref<1024x1024xf32, #tpu.memory_space<vmem>>, %arg12: memref<9x1024xf32, #tpu.memory_space<vmem>>, %arg13: memref<8x1024xf32, #tpu.memory_space<vmem>>, %arg14: memref<256x1024xf32, #tpu.memory_space<vmem>>) attributes {dimension_semantics = [#tpu.dimension_semantics<arbitrary>], iteration_bounds = array<i64: 17>, scalar_prefetch = 1 : i64, scratch_operands = 0 : i64, tpu.core_type = #tpu.core_type<tc>, window_params = [{transform_indices = @transform_0, window_bounds = array<i64: 256, 512>}, {pipeline_mode = #tpu.pipeline_mode<synchronous>, transform_indices = @transform_1, window_bounds = array<i64: 512, 1024>}, {pipeline_mode = #tpu.pipeline_mode<synchronous>, transform_indices = @transform_2, window_bounds = array<i64: 1024, 1024>}, {pipeline_mode = #tpu.pipeline_mode<synchronous>, transform_indices = @transform_3, window_bounds = array<i64: 512, 1024>}, {pipeline_mode = #tpu.pipeline_mode<synchronous>, transform_indices = @transform_4, window_bounds = array<i64: 1024, 1024>}, {pipeline_mode = #tpu.pipeline_mode<synchronous>, transform_indices = @transform_5, window_bounds = array<i64: 1024, 1024>}, {pipeline_mode = #tpu.pipeline_mode<synchronous>, transform_indices = @transform_6, window_bounds = array<i64: 1024, 1024>}, {pipeline_mode = #tpu.pipeline_mode<synchronous>, transform_indices = @transform_7, window_bounds = array<i64: 1024, 1024>}, {pipeline_mode = #tpu.pipeline_mode<synchronous>, transform_indices = @transform_8, window_bounds = array<i64: 1024, 1024>}, {pipeline_mode = #tpu.pipeline_mode<synchronous>, transform_indices = @transform_9, window_bounds = array<i64: 1024, 1024>}, {pipeline_mode = #tpu.pipeline_mode<synchronous>, transform_indices = @transform_10, window_bounds = array<i64: 9, 1024>}, {transform_indices = @transform_11, window_bounds = array<i64: 8, 1024>}, {transform_indices = @transform_12, window_bounds = array<i64: 256, 1024>}]} {
    %get3A = arith.constant 0 : index
    %get3A_0 = memref.load %arg1[%get3A] : memref<1xi32, #tpu.memory_space<smem>>
    %lt3A = arith.cmpi slt, %arg0, %get3A_0 : i32
    %convert_element_type3A = arith.extui %lt3A : i1 to i32
    %cond3A = arith.constant 0 : i32
    %cond3A_1 = arith.cmpi ne, %convert_element_type3A, %cond3A : i32
    scf.if %cond3A_1 {
      %get3A_2 = arith.constant 0 : index
      %get3A_3 = arith.constant 0 : index
      %get3A_4 = vector.load %arg2[%get3A_2, %get3A_3] : memref<256x512xf32, #tpu.memory_space<vmem>>, vector<256x512xf32>
      %get3A_5 = arith.constant 0 : index
      %get3A_6 = arith.constant 0 : index
      %get3A_7 = vector.load %arg12[%get3A_5, %get3A_6] : memref<9x1024xf32, #tpu.memory_space<vmem>>, vector<9x1024xf32>
      %get3A_8 = arith.constant 0 : index
      %get3A_9 = arith.constant 0 : index
      %get3A_10 = vector.load %arg3[%get3A_8, %get3A_9] : memref<512x1024xf32, #tpu.memory_space<vmem>>, vector<512x1024xf32>
      %dot_general3A = arith.constant dense<0.000000e+00> : vector<256x1024xf32>
      %dot_general3A_11 = tpu.matmul %get3A_4, %get3A_10, %dot_general3A {dimension_numbers = #tpu.dot_dimension_numbers<[1], [0], [0], [1], [0, 0, 1, 1], [], []>, transpose_lhs_hint = false} : vector<256x512xf32>, vector<512x1024xf32>, vector<256x1024xf32> -> vector<256x1024xf32>
      %slice3A = vector.extract_strided_slice %get3A_7 {offsets = [0, 0], sizes = [1, 1024], strides = [1, 1]} : vector<9x1024xf32> to vector<1x1024xf32>
      %squeeze3A = vector.shape_cast %slice3A : vector<1x1024xf32> to vector<1024xf32>
      %broadcast_in_dim3A = vector.shape_cast %squeeze3A : vector<1024xf32> to vector<1x1024xf32>
      %add3A = vector.broadcast %broadcast_in_dim3A : vector<1x1024xf32> to vector<256x1024xf32>
      %add3A_12 = arith.addf %dot_general3A_11, %add3A : vector<256x1024xf32>
      %tanh3A = math.tanh %add3A_12 : vector<256x1024xf32>
      %get3A_13 = arith.constant 0 : index
      %get3A_14 = arith.constant 0 : index
      %get3A_15 = vector.load %arg4[%get3A_13, %get3A_14] : memref<1024x1024xf32, #tpu.memory_space<vmem>>, vector<1024x1024xf32>
      %dot_general3A_16 = arith.constant dense<0.000000e+00> : vector<256x1024xf32>
      %dot_general3A_17 = tpu.matmul %tanh3A, %get3A_15, %dot_general3A_16 {dimension_numbers = #tpu.dot_dimension_numbers<[1], [0], [0], [1], [0, 0, 1, 1], [], []>, transpose_lhs_hint = false} : vector<256x1024xf32>, vector<1024x1024xf32>, vector<256x1024xf32> -> vector<256x1024xf32>
      %slice3A_18 = vector.extract_strided_slice %get3A_7 {offsets = [1, 0], sizes = [1, 1024], strides = [1, 1]} : vector<9x1024xf32> to vector<1x1024xf32>
      %squeeze3A_19 = vector.shape_cast %slice3A_18 : vector<1x1024xf32> to vector<1024xf32>
      %broadcast_in_dim3A_20 = vector.shape_cast %squeeze3A_19 : vector<1024xf32> to vector<1x1024xf32>
      %add3A_21 = vector.broadcast %broadcast_in_dim3A_20 : vector<1x1024xf32> to vector<256x1024xf32>
      %add3A_22 = arith.addf %dot_general3A_17, %add3A_21 : vector<256x1024xf32>
      %get3A_23 = arith.constant 0 : index
      %get3A_24 = arith.constant 0 : index
      %get3A_25 = vector.load %arg5[%get3A_23, %get3A_24] : memref<512x1024xf32, #tpu.memory_space<vmem>>, vector<512x1024xf32>
      %dot_general3A_26 = arith.constant dense<0.000000e+00> : vector<256x1024xf32>
      %dot_general3A_27 = tpu.matmul %get3A_4, %get3A_25, %dot_general3A_26 {dimension_numbers = #tpu.dot_dimension_numbers<[1], [0], [0], [1], [0, 0, 1, 1], [], []>, transpose_lhs_hint = false} : vector<256x512xf32>, vector<512x1024xf32>, vector<256x1024xf32> -> vector<256x1024xf32>
      %slice3A_28 = vector.extract_strided_slice %get3A_7 {offsets = [2, 0], sizes = [1, 1024], strides = [1, 1]} : vector<9x1024xf32> to vector<1x1024xf32>
      %squeeze3A_29 = vector.shape_cast %slice3A_28 : vector<1x1024xf32> to vector<1024xf32>
      %broadcast_in_dim3A_30 = vector.shape_cast %squeeze3A_29 : vector<1024xf32> to vector<1x1024xf32>
      %add3A_31 = vector.broadcast %broadcast_in_dim3A_30 : vector<1x1024xf32> to vector<256x1024xf32>
      %add3A_32 = arith.addf %dot_general3A_27, %add3A_31 : vector<256x1024xf32>
      %add3A_33 = arith.addf %add3A_32, %add3A_22 : vector<256x1024xf32>
      %tanh3A_34 = math.tanh %add3A_33 : vector<256x1024xf32>
      %get3A_35 = arith.constant 0 : index
      %get3A_36 = arith.constant 0 : index
      %get3A_37 = vector.load %arg6[%get3A_35, %get3A_36] : memref<1024x1024xf32, #tpu.memory_space<vmem>>, vector<1024x1024xf32>
      %dot_general3A_38 = arith.constant dense<0.000000e+00> : vector<256x1024xf32>
      %dot_general3A_39 = tpu.matmul %tanh3A_34, %get3A_37, %dot_general3A_38 {dimension_numbers = #tpu.dot_dimension_numbers<[1], [0], [0], [1], [0, 0, 1, 1], [], []>, transpose_lhs_hint = false} : vector<256x1024xf32>, vector<1024x1024xf32>, vector<256x1024xf32> -> vector<256x1024xf32>
      %slice3A_40 = vector.extract_strided_slice %get3A_7 {offsets = [3, 0], sizes = [1, 1024], strides = [1, 1]} : vector<9x1024xf32> to vector<1x1024xf32>
      %squeeze3A_41 = vector.shape_cast %slice3A_40 : vector<1x1024xf32> to vector<1024xf32>
      %broadcast_in_dim3A_42 = vector.shape_cast %squeeze3A_41 : vector<1024xf32> to vector<1x1024xf32>
      %add3A_43 = vector.broadcast %broadcast_in_dim3A_42 : vector<1x1024xf32> to vector<256x1024xf32>
      %add3A_44 = arith.addf %dot_general3A_39, %add3A_43 : vector<256x1024xf32>
      %tanh3A_45 = math.tanh %add3A_44 : vector<256x1024xf32>
      %get3A_46 = arith.constant 0 : index
      %get3A_47 = arith.constant 0 : index
      %get3A_48 = vector.load %arg7[%get3A_46, %get3A_47] : memref<1024x1024xf32, #tpu.memory_space<vmem>>, vector<1024x1024xf32>
      %dot_general3A_49 = arith.constant dense<0.000000e+00> : vector<256x1024xf32>
      %dot_general3A_50 = tpu.matmul %tanh3A_45, %get3A_48, %dot_general3A_49 {dimension_numbers = #tpu.dot_dimension_numbers<[1], [0], [0], [1], [0, 0, 1, 1], [], []>, transpose_lhs_hint = false} : vector<256x1024xf32>, vector<1024x1024xf32>, vector<256x1024xf32> -> vector<256x1024xf32>
      %add3A_51 = arith.addf %tanh3A_34, %dot_general3A_50 : vector<256x1024xf32>
      %slice3A_52 = vector.extract_strided_slice %get3A_7 {offsets = [4, 0], sizes = [1, 1024], strides = [1, 1]} : vector<9x1024xf32> to vector<1x1024xf32>
      %squeeze3A_53 = vector.shape_cast %slice3A_52 : vector<1x1024xf32> to vector<1024xf32>
      %broadcast_in_dim3A_54 = vector.shape_cast %squeeze3A_53 : vector<1024xf32> to vector<1x1024xf32>
      %add3A_55 = vector.broadcast %broadcast_in_dim3A_54 : vector<1x1024xf32> to vector<256x1024xf32>
      %add3A_56 = arith.addf %add3A_51, %add3A_55 : vector<256x1024xf32>
      %tanh3A_57 = math.tanh %add3A_56 : vector<256x1024xf32>
      %get3A_58 = arith.constant 0 : index
      %get3A_59 = arith.constant 0 : index
      %get3A_60 = vector.load %arg8[%get3A_58, %get3A_59] : memref<1024x1024xf32, #tpu.memory_space<vmem>>, vector<1024x1024xf32>
      %dot_general3A_61 = arith.constant dense<0.000000e+00> : vector<256x1024xf32>
      %dot_general3A_62 = tpu.matmul %tanh3A_57, %get3A_60, %dot_general3A_61 {dimension_numbers = #tpu.dot_dimension_numbers<[1], [0], [0], [1], [0, 0, 1, 1], [], []>, transpose_lhs_hint = false} : vector<256x1024xf32>, vector<1024x1024xf32>, vector<256x1024xf32> -> vector<256x1024xf32>
      %slice3A_63 = vector.extract_strided_slice %get3A_7 {offsets = [5, 0], sizes = [1, 1024], strides = [1, 1]} : vector<9x1024xf32> to vector<1x1024xf32>
      %squeeze3A_64 = vector.shape_cast %slice3A_63 : vector<1x1024xf32> to vector<1024xf32>
      %broadcast_in_dim3A_65 = vector.shape_cast %squeeze3A_64 : vector<1024xf32> to vector<1x1024xf32>
      %add3A_66 = vector.broadcast %broadcast_in_dim3A_65 : vector<1x1024xf32> to vector<256x1024xf32>
      %add3A_67 = arith.addf %dot_general3A_62, %add3A_66 : vector<256x1024xf32>
      %tanh3A_68 = math.tanh %add3A_67 : vector<256x1024xf32>
      %get3A_69 = arith.constant 0 : index
      %get3A_70 = arith.constant 0 : index
      %get3A_71 = vector.load %arg9[%get3A_69, %get3A_70] : memref<1024x1024xf32, #tpu.memory_space<vmem>>, vector<1024x1024xf32>
      %dot_general3A_72 = arith.constant dense<0.000000e+00> : vector<256x1024xf32>
      %dot_general3A_73 = tpu.matmul %tanh3A_68, %get3A_71, %dot_general3A_72 {dimension_numbers = #tpu.dot_dimension_numbers<[1], [0], [0], [1], [0, 0, 1, 1], [], []>, transpose_lhs_hint = false} : vector<256x1024xf32>, vector<1024x1024xf32>, vector<256x1024xf32> -> vector<256x1024xf32>
      %add3A_74 = arith.addf %tanh3A_57, %dot_general3A_73 : vector<256x1024xf32>
      %slice3A_75 = vector.extract_strided_slice %get3A_7 {offsets = [6, 0], sizes = [1, 1024], strides = [1, 1]} : vector<9x1024xf32> to vector<1x1024xf32>
      %squeeze3A_76 = vector.shape_cast %slice3A_75 : vector<1x1024xf32> to vector<1024xf32>
      %broadcast_in_dim3A_77 = vector.shape_cast %squeeze3A_76 : vector<1024xf32> to vector<1x1024xf32>
      %add3A_78 = vector.broadcast %broadcast_in_dim3A_77 : vector<1x1024xf32> to vector<256x1024xf32>
      %add3A_79 = arith.addf %add3A_74, %add3A_78 : vector<256x1024xf32>
      %tanh3A_80 = math.tanh %add3A_79 : vector<256x1024xf32>
      %get3A_81 = arith.constant 0 : index
      %get3A_82 = arith.constant 0 : index
      %get3A_83 = vector.load %arg10[%get3A_81, %get3A_82] : memref<1024x1024xf32, #tpu.memory_space<vmem>>, vector<1024x1024xf32>
      %dot_general3A_84 = arith.constant dense<0.000000e+00> : vector<256x1024xf32>
      %dot_general3A_85 = tpu.matmul %tanh3A_80, %get3A_83, %dot_general3A_84 {dimension_numbers = #tpu.dot_dimension_numbers<[1], [0], [0], [1], [0, 0, 1, 1], [], []>, transpose_lhs_hint = false} : vector<256x1024xf32>, vector<1024x1024xf32>, vector<256x1024xf32> -> vector<256x1024xf32>
      %slice3A_86 = vector.extract_strided_slice %get3A_7 {offsets = [7, 0], sizes = [1, 1024], strides = [1, 1]} : vector<9x1024xf32> to vector<1x1024xf32>
      %squeeze3A_87 = vector.shape_cast %slice3A_86 : vector<1x1024xf32> to vector<1024xf32>
      %broadcast_in_dim3A_88 = vector.shape_cast %squeeze3A_87 : vector<1024xf32> to vector<1x1024xf32>
      %add3A_89 = vector.broadcast %broadcast_in_dim3A_88 : vector<1x1024xf32> to vector<256x1024xf32>
      %add3A_90 = arith.addf %dot_general3A_85, %add3A_89 : vector<256x1024xf32>
      %tanh3A_91 = math.tanh %add3A_90 : vector<256x1024xf32>
      %get3A_92 = arith.constant 0 : index
      %get3A_93 = arith.constant 0 : index
      %get3A_94 = vector.load %arg11[%get3A_92, %get3A_93] : memref<1024x1024xf32, #tpu.memory_space<vmem>>, vector<1024x1024xf32>
      %dot_general3A_95 = arith.constant dense<0.000000e+00> : vector<256x1024xf32>
      %dot_general3A_96 = tpu.matmul %tanh3A_91, %get3A_94, %dot_general3A_95 {dimension_numbers = #tpu.dot_dimension_numbers<[1], [0], [0], [1], [0, 0, 1, 1], [], []>, transpose_lhs_hint = false} : vector<256x1024xf32>, vector<1024x1024xf32>, vector<256x1024xf32> -> vector<256x1024xf32>
      %add3A_97 = arith.addf %tanh3A_80, %dot_general3A_96 : vector<256x1024xf32>
      %slice3A_98 = vector.extract_strided_slice %get3A_7 {offsets = [8, 0], sizes = [1, 1024], strides = [1, 1]} : vector<9x1024xf32> to vector<1x1024xf32>
      %squeeze3A_99 = vector.shape_cast %slice3A_98 : vector<1x1024xf32> to vector<1024xf32>
      %broadcast_in_dim3A_100 = vector.shape_cast %squeeze3A_99 : vector<1024xf32> to vector<1x1024xf32>
      %add3A_101 = vector.broadcast %broadcast_in_dim3A_100 : vector<1x1024xf32> to vector<256x1024xf32>
      %add3A_102 = arith.addf %add3A_97, %add3A_101 : vector<256x1024xf32>
      %swap3A = arith.constant 0 : index
      %swap3A_103 = arith.constant 0 : index
      %swap3A_104 = vector.load %arg14[%swap3A, %swap3A_103] : memref<256x1024xf32, #tpu.memory_space<vmem>>, vector<256x1024xf32>
      tpu.vector_store %arg14[%swap3A, %swap3A_103], %add3A_102 {strides = array<i32>} : memref<256x1024xf32, #tpu.memory_space<vmem>>, vector<256x1024xf32>,
    } else {
    }
    return
  }
  func.func @transform_0(%arg0: i32, %arg1: memref<1xi32, #tpu.memory_space<smem>>) -> (i32, i32) {
    %get3A = arith.constant 0 : index
    %get3A_0 = memref.load %arg1[%get3A] : memref<1xi32, #tpu.memory_space<smem>>
    %sub3A = arith.constant 1 : i32
    %sub3A_1 = arith.subi %get3A_0, %sub3A : i32
    %max3A = arith.constant 0 : i32
    %max3A_2 = arith.maxsi %sub3A_1, %max3A : i32
    %jit3A = arith.constant 0 : i32
    %max3A_3 = arith.maxsi %jit3A, %arg0 : i32
    %min3A = arith.minsi %max3A_2, %max3A_3 : i32
    %add3A = arith.constant 17 : i32
    %add3A_4 = arith.addi %min3A, %add3A : i32
    %c0_i32 = arith.constant 0 : i32
    %c0_i32_5 = arith.constant 0 : i32
    return %add3A_4, %c0_i32 : i32, i32
  }
  func.func @transform_1(%arg0: i32, %arg1: memref<1xi32, #tpu.memory_space<smem>>) -> (i32, i32) {
    %c0_i32 = arith.constant 0 : i32
    %c0_i32_0 = arith.constant 0 : i32
    %c0_i32_1 = arith.constant 0 : i32
    return %c0_i32, %c0_i32_0 : i32, i32
  }
  func.func @transform_2(%arg0: i32, %arg1: memref<1xi32, #tpu.memory_space<smem>>) -> (i32, i32) {
    %c0_i32 = arith.constant 0 : i32
    %c0_i32_0 = arith.constant 0 : i32
    %c0_i32_1 = arith.constant 0 : i32
    return %c0_i32, %c0_i32_0 : i32, i32
  }
  func.func @transform_3(%arg0: i32, %arg1: memref<1xi32, #tpu.memory_space<smem>>) -> (i32, i32) {
    %c0_i32 = arith.constant 0 : i32
    %c0_i32_0 = arith.constant 0 : i32
    %c0_i32_1 = arith.constant 0 : i32
    return %c0_i32, %c0_i32_0 : i32, i32
  }
  func.func @transform_4(%arg0: i32, %arg1: memref<1xi32, #tpu.memory_space<smem>>) -> (i32, i32) {
    %c0_i32 = arith.constant 0 : i32
    %c0_i32_0 = arith.constant 0 : i32
    %c0_i32_1 = arith.constant 0 : i32
    return %c0_i32, %c0_i32_0 : i32, i32
  }
  func.func @transform_5(%arg0: i32, %arg1: memref<1xi32, #tpu.memory_space<smem>>) -> (i32, i32) {
    %c0_i32 = arith.constant 0 : i32
    %c0_i32_0 = arith.constant 0 : i32
    %c0_i32_1 = arith.constant 0 : i32
    return %c0_i32, %c0_i32_0 : i32, i32
  }
  func.func @transform_6(%arg0: i32, %arg1: memref<1xi32, #tpu.memory_space<smem>>) -> (i32, i32) {
    %c0_i32 = arith.constant 0 : i32
    %c0_i32_0 = arith.constant 0 : i32
    %c0_i32_1 = arith.constant 0 : i32
    return %c0_i32, %c0_i32_0 : i32, i32
  }
  func.func @transform_7(%arg0: i32, %arg1: memref<1xi32, #tpu.memory_space<smem>>) -> (i32, i32) {
    %c0_i32 = arith.constant 0 : i32
    %c0_i32_0 = arith.constant 0 : i32
    %c0_i32_1 = arith.constant 0 : i32
    return %c0_i32, %c0_i32_0 : i32, i32
  }
  func.func @transform_8(%arg0: i32, %arg1: memref<1xi32, #tpu.memory_space<smem>>) -> (i32, i32) {
    %c0_i32 = arith.constant 0 : i32
    %c0_i32_0 = arith.constant 0 : i32
    %c0_i32_1 = arith.constant 0 : i32
    return %c0_i32, %c0_i32_0 : i32, i32
  }
  func.func @transform_9(%arg0: i32, %arg1: memref<1xi32, #tpu.memory_space<smem>>) -> (i32, i32) {
    %c0_i32 = arith.constant 0 : i32
    %c0_i32_0 = arith.constant 0 : i32
    %c0_i32_1 = arith.constant 0 : i32
    return %c0_i32, %c0_i32_0 : i32, i32
  }
  func.func @transform_10(%arg0: i32, %arg1: memref<1xi32, #tpu.memory_space<smem>>) -> (i32, i32) {
    %c0_i32 = arith.constant 0 : i32
    %c0_i32_0 = arith.constant 0 : i32
    %c0_i32_1 = arith.constant 0 : i32
    return %c0_i32, %c0_i32_0 : i32, i32
  }
  func.func @transform_11(%arg0: i32, %arg1: memref<1xi32, #tpu.memory_space<smem>>) -> (i32, i32) {
    %c0_i32 = arith.constant 0 : i32
    %c0_i32_0 = arith.constant 0 : i32
    %c0_i32_1 = arith.constant 0 : i32
    return %c0_i32, %c0_i32_0 : i32, i32
  }
  func.func @transform_12(%arg0: i32, %arg1: memref<1xi32, #tpu.memory_space<smem>>) -> (i32, i32) {
    %get3A = arith.constant 0 : index
    %get3A_0 = memref.load %arg1[%get3A] : memref<1xi32, #tpu.memory_space<smem>>
    %sub3A = arith.constant 1 : i32
    %sub3A_1 = arith.subi %get3A_0, %sub3A : i32
    %max3A = arith.constant 0 : i32
    %max3A_2 = arith.maxsi %sub3A_1, %max3A : i32
    %jit3A = arith.constant 0 : i32
    %max3A_3 = arith.maxsi %jit3A, %arg0 : i32
    %min3A = arith.minsi %max3A_2, %max3A_3 : i32
    %add3A = arith.constant 17 : i32
    %add3A_4 = arith.addi %min3A, %add3A : i32
    %c0_i32 = arith.constant 0 : i32
    %c0_i32_5 = arith.constant 0 : i32
    return %add3A_4, %c0_i32 : i32, i32
  }
}

module attributes {stable_mosaic.version = 14 : i64} {
  func.func @_expert_body(%arg0: i32, %arg1: memref<1xi32, #tpu.memory_space<smem>>, %arg2: memref<256x1024xf32, #tpu.memory_space<vmem>>, %arg3: memref<1024x1024xf32, #tpu.memory_space<vmem>>, %arg4: memref<1024x1024xf32, #tpu.memory_space<vmem>>, %arg5: memref<1024x1024xf32, #tpu.memory_space<vmem>>, %arg6: memref<1024x1024xf32, #tpu.memory_space<vmem>>, %arg7: memref<1024x1024xf32, #tpu.memory_space<vmem>>, %arg8: memref<1024x1024xf32, #tpu.memory_space<vmem>>, %arg9: memref<1024x1024xf32, #tpu.memory_space<vmem>>, %arg10: memref<1024x1024xf32, #tpu.memory_space<vmem>>, %arg11: memref<8x1024xf32, #tpu.memory_space<vmem>>, %arg12: memref<8x1024xf32, #tpu.memory_space<vmem>>, %arg13: memref<256x1024xf32, #tpu.memory_space<vmem>>) attributes {dimension_semantics = [#tpu.dimension_semantics<arbitrary>], iteration_bounds = array<i64: 17>, scalar_prefetch = 1 : i64, scratch_operands = 0 : i64, tpu.core_type = #tpu.core_type<tc>, window_params = [{transform_indices = @transform_0, window_bounds = array<i64: 256, 1024>}, {pipeline_mode = #tpu.pipeline_mode<synchronous>, transform_indices = @transform_1, window_bounds = array<i64: 1024, 1024>}, {pipeline_mode = #tpu.pipeline_mode<synchronous>, transform_indices = @transform_2, window_bounds = array<i64: 1024, 1024>}, {pipeline_mode = #tpu.pipeline_mode<synchronous>, transform_indices = @transform_3, window_bounds = array<i64: 1024, 1024>}, {pipeline_mode = #tpu.pipeline_mode<synchronous>, transform_indices = @transform_4, window_bounds = array<i64: 1024, 1024>}, {pipeline_mode = #tpu.pipeline_mode<synchronous>, transform_indices = @transform_5, window_bounds = array<i64: 1024, 1024>}, {pipeline_mode = #tpu.pipeline_mode<synchronous>, transform_indices = @transform_6, window_bounds = array<i64: 1024, 1024>}, {pipeline_mode = #tpu.pipeline_mode<synchronous>, transform_indices = @transform_7, window_bounds = array<i64: 1024, 1024>}, {pipeline_mode = #tpu.pipeline_mode<synchronous>, transform_indices = @transform_8, window_bounds = array<i64: 1024, 1024>}, {pipeline_mode = #tpu.pipeline_mode<synchronous>, transform_indices = @transform_9, window_bounds = array<i64: 8, 1024>}, {transform_indices = @transform_10, window_bounds = array<i64: 8, 1024>}, {transform_indices = @transform_11, window_bounds = array<i64: 256, 1024>}]} {
    %get3A = arith.constant 0 : index
    %get3A_0 = memref.load %arg1[%get3A] : memref<1xi32, #tpu.memory_space<smem>>
    %lt3A = arith.cmpi slt, %arg0, %get3A_0 : i32
    %convert_element_type3A = arith.extui %lt3A : i1 to i32
    %cond3A = arith.constant 0 : i32
    %cond3A_1 = arith.cmpi ne, %convert_element_type3A, %cond3A : i32
    scf.if %cond3A_1 {
      %get3A_2 = arith.constant 0 : index
      %get3A_3 = arith.constant 0 : index
      %get3A_4 = vector.load %arg2[%get3A_2, %get3A_3] : memref<256x1024xf32, #tpu.memory_space<vmem>>, vector<256x1024xf32>
      %get3A_5 = arith.constant 0 : index
      %get3A_6 = arith.constant 0 : index
      %get3A_7 = vector.load %arg11[%get3A_5, %get3A_6] : memref<8x1024xf32, #tpu.memory_space<vmem>>, vector<8x1024xf32>
      %get3A_8 = arith.constant 0 : index
      %get3A_9 = arith.constant 0 : index
      %get3A_10 = vector.load %arg3[%get3A_8, %get3A_9] : memref<1024x1024xf32, #tpu.memory_space<vmem>>, vector<1024x1024xf32>
      %dot_general3A = arith.constant dense<0.000000e+00> : vector<256x1024xf32>
      %dot_general3A_11 = tpu.matmul %get3A_4, %get3A_10, %dot_general3A {dimension_numbers = #tpu.dot_dimension_numbers<[1], [0], [0], [1], [0, 0, 1, 1], [], []>, transpose_lhs_hint = false} : vector<256x1024xf32>, vector<1024x1024xf32>, vector<256x1024xf32> -> vector<256x1024xf32>
      %slice3A = vector.extract_strided_slice %get3A_7 {offsets = [0, 0], sizes = [1, 1024], strides = [1, 1]} : vector<8x1024xf32> to vector<1x1024xf32>
      %squeeze3A = vector.shape_cast %slice3A : vector<1x1024xf32> to vector<1024xf32>
      %broadcast_in_dim3A = vector.shape_cast %squeeze3A : vector<1024xf32> to vector<1x1024xf32>
      %add3A = vector.broadcast %broadcast_in_dim3A : vector<1x1024xf32> to vector<256x1024xf32>
      %add3A_12 = arith.addf %dot_general3A_11, %add3A : vector<256x1024xf32>
      %tanh3A = math.tanh %add3A_12 : vector<256x1024xf32>
      %get3A_13 = arith.constant 0 : index
      %get3A_14 = arith.constant 0 : index
      %get3A_15 = vector.load %arg4[%get3A_13, %get3A_14] : memref<1024x1024xf32, #tpu.memory_space<vmem>>, vector<1024x1024xf32>
      %dot_general3A_16 = arith.constant dense<0.000000e+00> : vector<256x1024xf32>
      %dot_general3A_17 = tpu.matmul %tanh3A, %get3A_15, %dot_general3A_16 {dimension_numbers = #tpu.dot_dimension_numbers<[1], [0], [0], [1], [0, 0, 1, 1], [], []>, transpose_lhs_hint = false} : vector<256x1024xf32>, vector<1024x1024xf32>, vector<256x1024xf32> -> vector<256x1024xf32>
      %slice3A_18 = vector.extract_strided_slice %get3A_7 {offsets = [1, 0], sizes = [1, 1024], strides = [1, 1]} : vector<8x1024xf32> to vector<1x1024xf32>
      %squeeze3A_19 = vector.shape_cast %slice3A_18 : vector<1x1024xf32> to vector<1024xf32>
      %broadcast_in_dim3A_20 = vector.shape_cast %squeeze3A_19 : vector<1024xf32> to vector<1x1024xf32>
      %add3A_21 = vector.broadcast %broadcast_in_dim3A_20 : vector<1x1024xf32> to vector<256x1024xf32>
      %add3A_22 = arith.addf %dot_general3A_17, %add3A_21 : vector<256x1024xf32>
      %add3A_23 = arith.addf %get3A_4, %add3A_22 : vector<256x1024xf32>
      %tanh3A_24 = math.tanh %add3A_23 : vector<256x1024xf32>
      %get3A_25 = arith.constant 0 : index
      %get3A_26 = arith.constant 0 : index
      %get3A_27 = vector.load %arg5[%get3A_25, %get3A_26] : memref<1024x1024xf32, #tpu.memory_space<vmem>>, vector<1024x1024xf32>
      %dot_general3A_28 = arith.constant dense<0.000000e+00> : vector<256x1024xf32>
      %dot_general3A_29 = tpu.matmul %tanh3A_24, %get3A_27, %dot_general3A_28 {dimension_numbers = #tpu.dot_dimension_numbers<[1], [0], [0], [1], [0, 0, 1, 1], [], []>, transpose_lhs_hint = false} : vector<256x1024xf32>, vector<1024x1024xf32>, vector<256x1024xf32> -> vector<256x1024xf32>
      %slice3A_30 = vector.extract_strided_slice %get3A_7 {offsets = [2, 0], sizes = [1, 1024], strides = [1, 1]} : vector<8x1024xf32> to vector<1x1024xf32>
      %squeeze3A_31 = vector.shape_cast %slice3A_30 : vector<1x1024xf32> to vector<1024xf32>
      %broadcast_in_dim3A_32 = vector.shape_cast %squeeze3A_31 : vector<1024xf32> to vector<1x1024xf32>
      %add3A_33 = vector.broadcast %broadcast_in_dim3A_32 : vector<1x1024xf32> to vector<256x1024xf32>
      %add3A_34 = arith.addf %dot_general3A_29, %add3A_33 : vector<256x1024xf32>
      %tanh3A_35 = math.tanh %add3A_34 : vector<256x1024xf32>
      %get3A_36 = arith.constant 0 : index
      %get3A_37 = arith.constant 0 : index
      %get3A_38 = vector.load %arg6[%get3A_36, %get3A_37] : memref<1024x1024xf32, #tpu.memory_space<vmem>>, vector<1024x1024xf32>
      %dot_general3A_39 = arith.constant dense<0.000000e+00> : vector<256x1024xf32>
      %dot_general3A_40 = tpu.matmul %tanh3A_35, %get3A_38, %dot_general3A_39 {dimension_numbers = #tpu.dot_dimension_numbers<[1], [0], [0], [1], [0, 0, 1, 1], [], []>, transpose_lhs_hint = false} : vector<256x1024xf32>, vector<1024x1024xf32>, vector<256x1024xf32> -> vector<256x1024xf32>
      %add3A_41 = arith.addf %tanh3A_24, %dot_general3A_40 : vector<256x1024xf32>
      %slice3A_42 = vector.extract_strided_slice %get3A_7 {offsets = [3, 0], sizes = [1, 1024], strides = [1, 1]} : vector<8x1024xf32> to vector<1x1024xf32>
      %squeeze3A_43 = vector.shape_cast %slice3A_42 : vector<1x1024xf32> to vector<1024xf32>
      %broadcast_in_dim3A_44 = vector.shape_cast %squeeze3A_43 : vector<1024xf32> to vector<1x1024xf32>
      %add3A_45 = vector.broadcast %broadcast_in_dim3A_44 : vector<1x1024xf32> to vector<256x1024xf32>
      %add3A_46 = arith.addf %add3A_41, %add3A_45 : vector<256x1024xf32>
      %tanh3A_47 = math.tanh %add3A_46 : vector<256x1024xf32>
      %get3A_48 = arith.constant 0 : index
      %get3A_49 = arith.constant 0 : index
      %get3A_50 = vector.load %arg7[%get3A_48, %get3A_49] : memref<1024x1024xf32, #tpu.memory_space<vmem>>, vector<1024x1024xf32>
      %dot_general3A_51 = arith.constant dense<0.000000e+00> : vector<256x1024xf32>
      %dot_general3A_52 = tpu.matmul %tanh3A_47, %get3A_50, %dot_general3A_51 {dimension_numbers = #tpu.dot_dimension_numbers<[1], [0], [0], [1], [0, 0, 1, 1], [], []>, transpose_lhs_hint = false} : vector<256x1024xf32>, vector<1024x1024xf32>, vector<256x1024xf32> -> vector<256x1024xf32>
      %slice3A_53 = vector.extract_strided_slice %get3A_7 {offsets = [4, 0], sizes = [1, 1024], strides = [1, 1]} : vector<8x1024xf32> to vector<1x1024xf32>
      %squeeze3A_54 = vector.shape_cast %slice3A_53 : vector<1x1024xf32> to vector<1024xf32>
      %broadcast_in_dim3A_55 = vector.shape_cast %squeeze3A_54 : vector<1024xf32> to vector<1x1024xf32>
      %add3A_56 = vector.broadcast %broadcast_in_dim3A_55 : vector<1x1024xf32> to vector<256x1024xf32>
      %add3A_57 = arith.addf %dot_general3A_52, %add3A_56 : vector<256x1024xf32>
      %tanh3A_58 = math.tanh %add3A_57 : vector<256x1024xf32>
      %get3A_59 = arith.constant 0 : index
      %get3A_60 = arith.constant 0 : index
      %get3A_61 = vector.load %arg8[%get3A_59, %get3A_60] : memref<1024x1024xf32, #tpu.memory_space<vmem>>, vector<1024x1024xf32>
      %dot_general3A_62 = arith.constant dense<0.000000e+00> : vector<256x1024xf32>
      %dot_general3A_63 = tpu.matmul %tanh3A_58, %get3A_61, %dot_general3A_62 {dimension_numbers = #tpu.dot_dimension_numbers<[1], [0], [0], [1], [0, 0, 1, 1], [], []>, transpose_lhs_hint = false} : vector<256x1024xf32>, vector<1024x1024xf32>, vector<256x1024xf32> -> vector<256x1024xf32>
      %add3A_64 = arith.addf %tanh3A_47, %dot_general3A_63 : vector<256x1024xf32>
      %slice3A_65 = vector.extract_strided_slice %get3A_7 {offsets = [5, 0], sizes = [1, 1024], strides = [1, 1]} : vector<8x1024xf32> to vector<1x1024xf32>
      %squeeze3A_66 = vector.shape_cast %slice3A_65 : vector<1x1024xf32> to vector<1024xf32>
      %broadcast_in_dim3A_67 = vector.shape_cast %squeeze3A_66 : vector<1024xf32> to vector<1x1024xf32>
      %add3A_68 = vector.broadcast %broadcast_in_dim3A_67 : vector<1x1024xf32> to vector<256x1024xf32>
      %add3A_69 = arith.addf %add3A_64, %add3A_68 : vector<256x1024xf32>
      %tanh3A_70 = math.tanh %add3A_69 : vector<256x1024xf32>
      %get3A_71 = arith.constant 0 : index
      %get3A_72 = arith.constant 0 : index
      %get3A_73 = vector.load %arg9[%get3A_71, %get3A_72] : memref<1024x1024xf32, #tpu.memory_space<vmem>>, vector<1024x1024xf32>
      %dot_general3A_74 = arith.constant dense<0.000000e+00> : vector<256x1024xf32>
      %dot_general3A_75 = tpu.matmul %tanh3A_70, %get3A_73, %dot_general3A_74 {dimension_numbers = #tpu.dot_dimension_numbers<[1], [0], [0], [1], [0, 0, 1, 1], [], []>, transpose_lhs_hint = false} : vector<256x1024xf32>, vector<1024x1024xf32>, vector<256x1024xf32> -> vector<256x1024xf32>
      %slice3A_76 = vector.extract_strided_slice %get3A_7 {offsets = [6, 0], sizes = [1, 1024], strides = [1, 1]} : vector<8x1024xf32> to vector<1x1024xf32>
      %squeeze3A_77 = vector.shape_cast %slice3A_76 : vector<1x1024xf32> to vector<1024xf32>
      %broadcast_in_dim3A_78 = vector.shape_cast %squeeze3A_77 : vector<1024xf32> to vector<1x1024xf32>
      %add3A_79 = vector.broadcast %broadcast_in_dim3A_78 : vector<1x1024xf32> to vector<256x1024xf32>
      %add3A_80 = arith.addf %dot_general3A_75, %add3A_79 : vector<256x1024xf32>
      %tanh3A_81 = math.tanh %add3A_80 : vector<256x1024xf32>
      %get3A_82 = arith.constant 0 : index
      %get3A_83 = arith.constant 0 : index
      %get3A_84 = vector.load %arg10[%get3A_82, %get3A_83] : memref<1024x1024xf32, #tpu.memory_space<vmem>>, vector<1024x1024xf32>
      %dot_general3A_85 = arith.constant dense<0.000000e+00> : vector<256x1024xf32>
      %dot_general3A_86 = tpu.matmul %tanh3A_81, %get3A_84, %dot_general3A_85 {dimension_numbers = #tpu.dot_dimension_numbers<[1], [0], [0], [1], [0, 0, 1, 1], [], []>, transpose_lhs_hint = false} : vector<256x1024xf32>, vector<1024x1024xf32>, vector<256x1024xf32> -> vector<256x1024xf32>
      %add3A_87 = arith.addf %tanh3A_70, %dot_general3A_86 : vector<256x1024xf32>
      %slice3A_88 = vector.extract_strided_slice %get3A_7 {offsets = [7, 0], sizes = [1, 1024], strides = [1, 1]} : vector<8x1024xf32> to vector<1x1024xf32>
      %squeeze3A_89 = vector.shape_cast %slice3A_88 : vector<1x1024xf32> to vector<1024xf32>
      %broadcast_in_dim3A_90 = vector.shape_cast %squeeze3A_89 : vector<1024xf32> to vector<1x1024xf32>
      %add3A_91 = vector.broadcast %broadcast_in_dim3A_90 : vector<1x1024xf32> to vector<256x1024xf32>
      %add3A_92 = arith.addf %add3A_87, %add3A_91 : vector<256x1024xf32>
      %swap3A = arith.constant 0 : index
      %swap3A_93 = arith.constant 0 : index
      %swap3A_94 = vector.load %arg13[%swap3A, %swap3A_93] : memref<256x1024xf32, #tpu.memory_space<vmem>>, vector<256x1024xf32>
      tpu.vector_store %arg13[%swap3A, %swap3A_93], %add3A_92 {strides = array<i32>} : memref<256x1024xf32, #tpu.memory_space<vmem>>, vector<256x1024xf32>,
    } else {
    }
    return
  }
  func.func @transform_0(%arg0: i32, %arg1: memref<1xi32, #tpu.memory_space<smem>>) -> (i32, i32) {
    %get3A = arith.constant 0 : index
    %get3A_0 = memref.load %arg1[%get3A] : memref<1xi32, #tpu.memory_space<smem>>
    %sub3A = arith.constant 1 : i32
    %sub3A_1 = arith.subi %get3A_0, %sub3A : i32
    %max3A = arith.constant 0 : i32
    %max3A_2 = arith.maxsi %sub3A_1, %max3A : i32
    %jit3A = arith.constant 0 : i32
    %max3A_3 = arith.maxsi %jit3A, %arg0 : i32
    %min3A = arith.minsi %max3A_2, %max3A_3 : i32
    %add3A = arith.constant 0 : i32
    %add3A_4 = arith.addi %min3A, %add3A : i32
    %c0_i32 = arith.constant 0 : i32
    %c0_i32_5 = arith.constant 0 : i32
    return %add3A_4, %c0_i32 : i32, i32
  }
  func.func @transform_1(%arg0: i32, %arg1: memref<1xi32, #tpu.memory_space<smem>>) -> (i32, i32) {
    %c0_i32 = arith.constant 0 : i32
    %c0_i32_0 = arith.constant 0 : i32
    %c0_i32_1 = arith.constant 0 : i32
    return %c0_i32, %c0_i32_0 : i32, i32
  }
  func.func @transform_2(%arg0: i32, %arg1: memref<1xi32, #tpu.memory_space<smem>>) -> (i32, i32) {
    %c0_i32 = arith.constant 0 : i32
    %c0_i32_0 = arith.constant 0 : i32
    %c0_i32_1 = arith.constant 0 : i32
    return %c0_i32, %c0_i32_0 : i32, i32
  }
  func.func @transform_3(%arg0: i32, %arg1: memref<1xi32, #tpu.memory_space<smem>>) -> (i32, i32) {
    %c0_i32 = arith.constant 0 : i32
    %c0_i32_0 = arith.constant 0 : i32
    %c0_i32_1 = arith.constant 0 : i32
    return %c0_i32, %c0_i32_0 : i32, i32
  }
  func.func @transform_4(%arg0: i32, %arg1: memref<1xi32, #tpu.memory_space<smem>>) -> (i32, i32) {
    %c0_i32 = arith.constant 0 : i32
    %c0_i32_0 = arith.constant 0 : i32
    %c0_i32_1 = arith.constant 0 : i32
    return %c0_i32, %c0_i32_0 : i32, i32
  }
  func.func @transform_5(%arg0: i32, %arg1: memref<1xi32, #tpu.memory_space<smem>>) -> (i32, i32) {
    %c0_i32 = arith.constant 0 : i32
    %c0_i32_0 = arith.constant 0 : i32
    %c0_i32_1 = arith.constant 0 : i32
    return %c0_i32, %c0_i32_0 : i32, i32
  }
  func.func @transform_6(%arg0: i32, %arg1: memref<1xi32, #tpu.memory_space<smem>>) -> (i32, i32) {
    %c0_i32 = arith.constant 0 : i32
    %c0_i32_0 = arith.constant 0 : i32
    %c0_i32_1 = arith.constant 0 : i32
    return %c0_i32, %c0_i32_0 : i32, i32
  }
  func.func @transform_7(%arg0: i32, %arg1: memref<1xi32, #tpu.memory_space<smem>>) -> (i32, i32) {
    %c0_i32 = arith.constant 0 : i32
    %c0_i32_0 = arith.constant 0 : i32
    %c0_i32_1 = arith.constant 0 : i32
    return %c0_i32, %c0_i32_0 : i32, i32
  }
  func.func @transform_8(%arg0: i32, %arg1: memref<1xi32, #tpu.memory_space<smem>>) -> (i32, i32) {
    %c0_i32 = arith.constant 0 : i32
    %c0_i32_0 = arith.constant 0 : i32
    %c0_i32_1 = arith.constant 0 : i32
    return %c0_i32, %c0_i32_0 : i32, i32
  }
  func.func @transform_9(%arg0: i32, %arg1: memref<1xi32, #tpu.memory_space<smem>>) -> (i32, i32) {
    %c0_i32 = arith.constant 0 : i32
    %c0_i32_0 = arith.constant 0 : i32
    %c0_i32_1 = arith.constant 0 : i32
    return %c0_i32, %c0_i32_0 : i32, i32
  }
  func.func @transform_10(%arg0: i32, %arg1: memref<1xi32, #tpu.memory_space<smem>>) -> (i32, i32) {
    %c0_i32 = arith.constant 0 : i32
    %c0_i32_0 = arith.constant 0 : i32
    %c0_i32_1 = arith.constant 0 : i32
    return %c0_i32, %c0_i32_0 : i32, i32
  }
  func.func @transform_11(%arg0: i32, %arg1: memref<1xi32, #tpu.memory_space<smem>>) -> (i32, i32) {
    %get3A = arith.constant 0 : index
    %get3A_0 = memref.load %arg1[%get3A] : memref<1xi32, #tpu.memory_space<smem>>
    %sub3A = arith.constant 1 : i32
    %sub3A_1 = arith.subi %get3A_0, %sub3A : i32
    %max3A = arith.constant 0 : i32
    %max3A_2 = arith.maxsi %sub3A_1, %max3A : i32
    %jit3A = arith.constant 0 : i32
    %max3A_3 = arith.maxsi %jit3A, %arg0 : i32
    %min3A = arith.minsi %max3A_2, %max3A_3 : i32
    %add3A = arith.constant 0 : i32
    %add3A_4 = arith.addi %min3A, %add3A : i32
    %c0_i32 = arith.constant 0 : i32
    %c0_i32_5 = arith.constant 0 : i32
    return %add3A_4, %c0_i32 : i32, i32
  }
}

module attributes {stable_mosaic.version = 14 : i64} {
  func.func @_expert_body(%arg0: i32, %arg1: memref<1xi32, #tpu.memory_space<smem>>, %arg2: memref<256x512xf32, #tpu.memory_space<vmem>>, %arg3: memref<512x1024xf32, #tpu.memory_space<vmem>>, %arg4: memref<1024x1024xf32, #tpu.memory_space<vmem>>, %arg5: memref<512x1024xf32, #tpu.memory_space<vmem>>, %arg6: memref<1024x1024xf32, #tpu.memory_space<vmem>>, %arg7: memref<1024x1024xf32, #tpu.memory_space<vmem>>, %arg8: memref<1024x1024xf32, #tpu.memory_space<vmem>>, %arg9: memref<1024x1024xf32, #tpu.memory_space<vmem>>, %arg10: memref<1024x1024xf32, #tpu.memory_space<vmem>>, %arg11: memref<1024x1024xf32, #tpu.memory_space<vmem>>, %arg12: memref<9x1024xf32, #tpu.memory_space<vmem>>, %arg13: memref<8x1024xf32, #tpu.memory_space<vmem>>, %arg14: memref<256x1024xf32, #tpu.memory_space<vmem>>) attributes {dimension_semantics = [#tpu.dimension_semantics<arbitrary>], iteration_bounds = array<i64: 17>, scalar_prefetch = 1 : i64, scratch_operands = 0 : i64, tpu.core_type = #tpu.core_type<tc>, window_params = [{transform_indices = @transform_0, window_bounds = array<i64: 256, 512>}, {pipeline_mode = #tpu.pipeline_mode<synchronous>, transform_indices = @transform_1, window_bounds = array<i64: 512, 1024>}, {pipeline_mode = #tpu.pipeline_mode<synchronous>, transform_indices = @transform_2, window_bounds = array<i64: 1024, 1024>}, {pipeline_mode = #tpu.pipeline_mode<synchronous>, transform_indices = @transform_3, window_bounds = array<i64: 512, 1024>}, {pipeline_mode = #tpu.pipeline_mode<synchronous>, transform_indices = @transform_4, window_bounds = array<i64: 1024, 1024>}, {pipeline_mode = #tpu.pipeline_mode<synchronous>, transform_indices = @transform_5, window_bounds = array<i64: 1024, 1024>}, {pipeline_mode = #tpu.pipeline_mode<synchronous>, transform_indices = @transform_6, window_bounds = array<i64: 1024, 1024>}, {pipeline_mode = #tpu.pipeline_mode<synchronous>, transform_indices = @transform_7, window_bounds = array<i64: 1024, 1024>}, {pipeline_mode = #tpu.pipeline_mode<synchronous>, transform_indices = @transform_8, window_bounds = array<i64: 1024, 1024>}, {pipeline_mode = #tpu.pipeline_mode<synchronous>, transform_indices = @transform_9, window_bounds = array<i64: 1024, 1024>}, {pipeline_mode = #tpu.pipeline_mode<synchronous>, transform_indices = @transform_10, window_bounds = array<i64: 9, 1024>}, {transform_indices = @transform_11, window_bounds = array<i64: 8, 1024>}, {transform_indices = @transform_12, window_bounds = array<i64: 256, 1024>}]} {
    %get3A = arith.constant 0 : index
    %get3A_0 = memref.load %arg1[%get3A] : memref<1xi32, #tpu.memory_space<smem>>
    %lt3A = arith.cmpi slt, %arg0, %get3A_0 : i32
    %convert_element_type3A = arith.extui %lt3A : i1 to i32
    %cond3A = arith.constant 0 : i32
    %cond3A_1 = arith.cmpi ne, %convert_element_type3A, %cond3A : i32
    scf.if %cond3A_1 {
      %get3A_2 = arith.constant 0 : index
      %get3A_3 = arith.constant 0 : index
      %get3A_4 = vector.load %arg2[%get3A_2, %get3A_3] : memref<256x512xf32, #tpu.memory_space<vmem>>, vector<256x512xf32>
      %get3A_5 = arith.constant 0 : index
      %get3A_6 = arith.constant 0 : index
      %get3A_7 = vector.load %arg12[%get3A_5, %get3A_6] : memref<9x1024xf32, #tpu.memory_space<vmem>>, vector<9x1024xf32>
      %get3A_8 = arith.constant 0 : index
      %get3A_9 = arith.constant 0 : index
      %get3A_10 = vector.load %arg3[%get3A_8, %get3A_9] : memref<512x1024xf32, #tpu.memory_space<vmem>>, vector<512x1024xf32>
      %dot_general3A = arith.constant dense<0.000000e+00> : vector<256x1024xf32>
      %dot_general3A_11 = tpu.matmul %get3A_4, %get3A_10, %dot_general3A {dimension_numbers = #tpu.dot_dimension_numbers<[1], [0], [0], [1], [0, 0, 1, 1], [], []>, transpose_lhs_hint = false} : vector<256x512xf32>, vector<512x1024xf32>, vector<256x1024xf32> -> vector<256x1024xf32>
      %slice3A = vector.extract_strided_slice %get3A_7 {offsets = [0, 0], sizes = [1, 1024], strides = [1, 1]} : vector<9x1024xf32> to vector<1x1024xf32>
      %squeeze3A = vector.shape_cast %slice3A : vector<1x1024xf32> to vector<1024xf32>
      %broadcast_in_dim3A = vector.shape_cast %squeeze3A : vector<1024xf32> to vector<1x1024xf32>
      %add3A = vector.broadcast %broadcast_in_dim3A : vector<1x1024xf32> to vector<256x1024xf32>
      %add3A_12 = arith.addf %dot_general3A_11, %add3A : vector<256x1024xf32>
      %tanh3A = math.tanh %add3A_12 : vector<256x1024xf32>
      %get3A_13 = arith.constant 0 : index
      %get3A_14 = arith.constant 0 : index
      %get3A_15 = vector.load %arg4[%get3A_13, %get3A_14] : memref<1024x1024xf32, #tpu.memory_space<vmem>>, vector<1024x1024xf32>
      %dot_general3A_16 = arith.constant dense<0.000000e+00> : vector<256x1024xf32>
      %dot_general3A_17 = tpu.matmul %tanh3A, %get3A_15, %dot_general3A_16 {dimension_numbers = #tpu.dot_dimension_numbers<[1], [0], [0], [1], [0, 0, 1, 1], [], []>, transpose_lhs_hint = false} : vector<256x1024xf32>, vector<1024x1024xf32>, vector<256x1024xf32> -> vector<256x1024xf32>
      %slice3A_18 = vector.extract_strided_slice %get3A_7 {offsets = [1, 0], sizes = [1, 1024], strides = [1, 1]} : vector<9x1024xf32> to vector<1x1024xf32>
      %squeeze3A_19 = vector.shape_cast %slice3A_18 : vector<1x1024xf32> to vector<1024xf32>
      %broadcast_in_dim3A_20 = vector.shape_cast %squeeze3A_19 : vector<1024xf32> to vector<1x1024xf32>
      %add3A_21 = vector.broadcast %broadcast_in_dim3A_20 : vector<1x1024xf32> to vector<256x1024xf32>
      %add3A_22 = arith.addf %dot_general3A_17, %add3A_21 : vector<256x1024xf32>
      %get3A_23 = arith.constant 0 : index
      %get3A_24 = arith.constant 0 : index
      %get3A_25 = vector.load %arg5[%get3A_23, %get3A_24] : memref<512x1024xf32, #tpu.memory_space<vmem>>, vector<512x1024xf32>
      %dot_general3A_26 = arith.constant dense<0.000000e+00> : vector<256x1024xf32>
      %dot_general3A_27 = tpu.matmul %get3A_4, %get3A_25, %dot_general3A_26 {dimension_numbers = #tpu.dot_dimension_numbers<[1], [0], [0], [1], [0, 0, 1, 1], [], []>, transpose_lhs_hint = false} : vector<256x512xf32>, vector<512x1024xf32>, vector<256x1024xf32> -> vector<256x1024xf32>
      %slice3A_28 = vector.extract_strided_slice %get3A_7 {offsets = [2, 0], sizes = [1, 1024], strides = [1, 1]} : vector<9x1024xf32> to vector<1x1024xf32>
      %squeeze3A_29 = vector.shape_cast %slice3A_28 : vector<1x1024xf32> to vector<1024xf32>
      %broadcast_in_dim3A_30 = vector.shape_cast %squeeze3A_29 : vector<1024xf32> to vector<1x1024xf32>
      %add3A_31 = vector.broadcast %broadcast_in_dim3A_30 : vector<1x1024xf32> to vector<256x1024xf32>
      %add3A_32 = arith.addf %dot_general3A_27, %add3A_31 : vector<256x1024xf32>
      %add3A_33 = arith.addf %add3A_32, %add3A_22 : vector<256x1024xf32>
      %tanh3A_34 = math.tanh %add3A_33 : vector<256x1024xf32>
      %get3A_35 = arith.constant 0 : index
      %get3A_36 = arith.constant 0 : index
      %get3A_37 = vector.load %arg6[%get3A_35, %get3A_36] : memref<1024x1024xf32, #tpu.memory_space<vmem>>, vector<1024x1024xf32>
      %dot_general3A_38 = arith.constant dense<0.000000e+00> : vector<256x1024xf32>
      %dot_general3A_39 = tpu.matmul %tanh3A_34, %get3A_37, %dot_general3A_38 {dimension_numbers = #tpu.dot_dimension_numbers<[1], [0], [0], [1], [0, 0, 1, 1], [], []>, transpose_lhs_hint = false} : vector<256x1024xf32>, vector<1024x1024xf32>, vector<256x1024xf32> -> vector<256x1024xf32>
      %slice3A_40 = vector.extract_strided_slice %get3A_7 {offsets = [3, 0], sizes = [1, 1024], strides = [1, 1]} : vector<9x1024xf32> to vector<1x1024xf32>
      %squeeze3A_41 = vector.shape_cast %slice3A_40 : vector<1x1024xf32> to vector<1024xf32>
      %broadcast_in_dim3A_42 = vector.shape_cast %squeeze3A_41 : vector<1024xf32> to vector<1x1024xf32>
      %add3A_43 = vector.broadcast %broadcast_in_dim3A_42 : vector<1x1024xf32> to vector<256x1024xf32>
      %add3A_44 = arith.addf %dot_general3A_39, %add3A_43 : vector<256x1024xf32>
      %tanh3A_45 = math.tanh %add3A_44 : vector<256x1024xf32>
      %get3A_46 = arith.constant 0 : index
      %get3A_47 = arith.constant 0 : index
      %get3A_48 = vector.load %arg7[%get3A_46, %get3A_47] : memref<1024x1024xf32, #tpu.memory_space<vmem>>, vector<1024x1024xf32>
      %dot_general3A_49 = arith.constant dense<0.000000e+00> : vector<256x1024xf32>
      %dot_general3A_50 = tpu.matmul %tanh3A_45, %get3A_48, %dot_general3A_49 {dimension_numbers = #tpu.dot_dimension_numbers<[1], [0], [0], [1], [0, 0, 1, 1], [], []>, transpose_lhs_hint = false} : vector<256x1024xf32>, vector<1024x1024xf32>, vector<256x1024xf32> -> vector<256x1024xf32>
      %add3A_51 = arith.addf %tanh3A_34, %dot_general3A_50 : vector<256x1024xf32>
      %slice3A_52 = vector.extract_strided_slice %get3A_7 {offsets = [4, 0], sizes = [1, 1024], strides = [1, 1]} : vector<9x1024xf32> to vector<1x1024xf32>
      %squeeze3A_53 = vector.shape_cast %slice3A_52 : vector<1x1024xf32> to vector<1024xf32>
      %broadcast_in_dim3A_54 = vector.shape_cast %squeeze3A_53 : vector<1024xf32> to vector<1x1024xf32>
      %add3A_55 = vector.broadcast %broadcast_in_dim3A_54 : vector<1x1024xf32> to vector<256x1024xf32>
      %add3A_56 = arith.addf %add3A_51, %add3A_55 : vector<256x1024xf32>
      %tanh3A_57 = math.tanh %add3A_56 : vector<256x1024xf32>
      %get3A_58 = arith.constant 0 : index
      %get3A_59 = arith.constant 0 : index
      %get3A_60 = vector.load %arg8[%get3A_58, %get3A_59] : memref<1024x1024xf32, #tpu.memory_space<vmem>>, vector<1024x1024xf32>
      %dot_general3A_61 = arith.constant dense<0.000000e+00> : vector<256x1024xf32>
      %dot_general3A_62 = tpu.matmul %tanh3A_57, %get3A_60, %dot_general3A_61 {dimension_numbers = #tpu.dot_dimension_numbers<[1], [0], [0], [1], [0, 0, 1, 1], [], []>, transpose_lhs_hint = false} : vector<256x1024xf32>, vector<1024x1024xf32>, vector<256x1024xf32> -> vector<256x1024xf32>
      %slice3A_63 = vector.extract_strided_slice %get3A_7 {offsets = [5, 0], sizes = [1, 1024], strides = [1, 1]} : vector<9x1024xf32> to vector<1x1024xf32>
      %squeeze3A_64 = vector.shape_cast %slice3A_63 : vector<1x1024xf32> to vector<1024xf32>
      %broadcast_in_dim3A_65 = vector.shape_cast %squeeze3A_64 : vector<1024xf32> to vector<1x1024xf32>
      %add3A_66 = vector.broadcast %broadcast_in_dim3A_65 : vector<1x1024xf32> to vector<256x1024xf32>
      %add3A_67 = arith.addf %dot_general3A_62, %add3A_66 : vector<256x1024xf32>
      %tanh3A_68 = math.tanh %add3A_67 : vector<256x1024xf32>
      %get3A_69 = arith.constant 0 : index
      %get3A_70 = arith.constant 0 : index
      %get3A_71 = vector.load %arg9[%get3A_69, %get3A_70] : memref<1024x1024xf32, #tpu.memory_space<vmem>>, vector<1024x1024xf32>
      %dot_general3A_72 = arith.constant dense<0.000000e+00> : vector<256x1024xf32>
      %dot_general3A_73 = tpu.matmul %tanh3A_68, %get3A_71, %dot_general3A_72 {dimension_numbers = #tpu.dot_dimension_numbers<[1], [0], [0], [1], [0, 0, 1, 1], [], []>, transpose_lhs_hint = false} : vector<256x1024xf32>, vector<1024x1024xf32>, vector<256x1024xf32> -> vector<256x1024xf32>
      %add3A_74 = arith.addf %tanh3A_57, %dot_general3A_73 : vector<256x1024xf32>
      %slice3A_75 = vector.extract_strided_slice %get3A_7 {offsets = [6, 0], sizes = [1, 1024], strides = [1, 1]} : vector<9x1024xf32> to vector<1x1024xf32>
      %squeeze3A_76 = vector.shape_cast %slice3A_75 : vector<1x1024xf32> to vector<1024xf32>
      %broadcast_in_dim3A_77 = vector.shape_cast %squeeze3A_76 : vector<1024xf32> to vector<1x1024xf32>
      %add3A_78 = vector.broadcast %broadcast_in_dim3A_77 : vector<1x1024xf32> to vector<256x1024xf32>
      %add3A_79 = arith.addf %add3A_74, %add3A_78 : vector<256x1024xf32>
      %tanh3A_80 = math.tanh %add3A_79 : vector<256x1024xf32>
      %get3A_81 = arith.constant 0 : index
      %get3A_82 = arith.constant 0 : index
      %get3A_83 = vector.load %arg10[%get3A_81, %get3A_82] : memref<1024x1024xf32, #tpu.memory_space<vmem>>, vector<1024x1024xf32>
      %dot_general3A_84 = arith.constant dense<0.000000e+00> : vector<256x1024xf32>
      %dot_general3A_85 = tpu.matmul %tanh3A_80, %get3A_83, %dot_general3A_84 {dimension_numbers = #tpu.dot_dimension_numbers<[1], [0], [0], [1], [0, 0, 1, 1], [], []>, transpose_lhs_hint = false} : vector<256x1024xf32>, vector<1024x1024xf32>, vector<256x1024xf32> -> vector<256x1024xf32>
      %slice3A_86 = vector.extract_strided_slice %get3A_7 {offsets = [7, 0], sizes = [1, 1024], strides = [1, 1]} : vector<9x1024xf32> to vector<1x1024xf32>
      %squeeze3A_87 = vector.shape_cast %slice3A_86 : vector<1x1024xf32> to vector<1024xf32>
      %broadcast_in_dim3A_88 = vector.shape_cast %squeeze3A_87 : vector<1024xf32> to vector<1x1024xf32>
      %add3A_89 = vector.broadcast %broadcast_in_dim3A_88 : vector<1x1024xf32> to vector<256x1024xf32>
      %add3A_90 = arith.addf %dot_general3A_85, %add3A_89 : vector<256x1024xf32>
      %tanh3A_91 = math.tanh %add3A_90 : vector<256x1024xf32>
      %get3A_92 = arith.constant 0 : index
      %get3A_93 = arith.constant 0 : index
      %get3A_94 = vector.load %arg11[%get3A_92, %get3A_93] : memref<1024x1024xf32, #tpu.memory_space<vmem>>, vector<1024x1024xf32>
      %dot_general3A_95 = arith.constant dense<0.000000e+00> : vector<256x1024xf32>
      %dot_general3A_96 = tpu.matmul %tanh3A_91, %get3A_94, %dot_general3A_95 {dimension_numbers = #tpu.dot_dimension_numbers<[1], [0], [0], [1], [0, 0, 1, 1], [], []>, transpose_lhs_hint = false} : vector<256x1024xf32>, vector<1024x1024xf32>, vector<256x1024xf32> -> vector<256x1024xf32>
      %add3A_97 = arith.addf %tanh3A_80, %dot_general3A_96 : vector<256x1024xf32>
      %slice3A_98 = vector.extract_strided_slice %get3A_7 {offsets = [8, 0], sizes = [1, 1024], strides = [1, 1]} : vector<9x1024xf32> to vector<1x1024xf32>
      %squeeze3A_99 = vector.shape_cast %slice3A_98 : vector<1x1024xf32> to vector<1024xf32>
      %broadcast_in_dim3A_100 = vector.shape_cast %squeeze3A_99 : vector<1024xf32> to vector<1x1024xf32>
      %add3A_101 = vector.broadcast %broadcast_in_dim3A_100 : vector<1x1024xf32> to vector<256x1024xf32>
      %add3A_102 = arith.addf %add3A_97, %add3A_101 : vector<256x1024xf32>
      %swap3A = arith.constant 0 : index
      %swap3A_103 = arith.constant 0 : index
      %swap3A_104 = vector.load %arg14[%swap3A, %swap3A_103] : memref<256x1024xf32, #tpu.memory_space<vmem>>, vector<256x1024xf32>
      tpu.vector_store %arg14[%swap3A, %swap3A_103], %add3A_102 {strides = array<i32>} : memref<256x1024xf32, #tpu.memory_space<vmem>>, vector<256x1024xf32>,
    } else {
    }
    return
  }
  func.func @transform_0(%arg0: i32, %arg1: memref<1xi32, #tpu.memory_space<smem>>) -> (i32, i32) {
    %get3A = arith.constant 0 : index
    %get3A_0 = memref.load %arg1[%get3A] : memref<1xi32, #tpu.memory_space<smem>>
    %sub3A = arith.constant 1 : i32
    %sub3A_1 = arith.subi %get3A_0, %sub3A : i32
    %max3A = arith.constant 0 : i32
    %max3A_2 = arith.maxsi %sub3A_1, %max3A : i32
    %jit3A = arith.constant 0 : i32
    %max3A_3 = arith.maxsi %jit3A, %arg0 : i32
    %min3A = arith.minsi %max3A_2, %max3A_3 : i32
    %add3A = arith.constant 34 : i32
    %add3A_4 = arith.addi %min3A, %add3A : i32
    %c0_i32 = arith.constant 0 : i32
    %c0_i32_5 = arith.constant 0 : i32
    return %add3A_4, %c0_i32 : i32, i32
  }
  func.func @transform_1(%arg0: i32, %arg1: memref<1xi32, #tpu.memory_space<smem>>) -> (i32, i32) {
    %c0_i32 = arith.constant 0 : i32
    %c0_i32_0 = arith.constant 0 : i32
    %c0_i32_1 = arith.constant 0 : i32
    return %c0_i32, %c0_i32_0 : i32, i32
  }
  func.func @transform_2(%arg0: i32, %arg1: memref<1xi32, #tpu.memory_space<smem>>) -> (i32, i32) {
    %c0_i32 = arith.constant 0 : i32
    %c0_i32_0 = arith.constant 0 : i32
    %c0_i32_1 = arith.constant 0 : i32
    return %c0_i32, %c0_i32_0 : i32, i32
  }
  func.func @transform_3(%arg0: i32, %arg1: memref<1xi32, #tpu.memory_space<smem>>) -> (i32, i32) {
    %c0_i32 = arith.constant 0 : i32
    %c0_i32_0 = arith.constant 0 : i32
    %c0_i32_1 = arith.constant 0 : i32
    return %c0_i32, %c0_i32_0 : i32, i32
  }
  func.func @transform_4(%arg0: i32, %arg1: memref<1xi32, #tpu.memory_space<smem>>) -> (i32, i32) {
    %c0_i32 = arith.constant 0 : i32
    %c0_i32_0 = arith.constant 0 : i32
    %c0_i32_1 = arith.constant 0 : i32
    return %c0_i32, %c0_i32_0 : i32, i32
  }
  func.func @transform_5(%arg0: i32, %arg1: memref<1xi32, #tpu.memory_space<smem>>) -> (i32, i32) {
    %c0_i32 = arith.constant 0 : i32
    %c0_i32_0 = arith.constant 0 : i32
    %c0_i32_1 = arith.constant 0 : i32
    return %c0_i32, %c0_i32_0 : i32, i32
  }
  func.func @transform_6(%arg0: i32, %arg1: memref<1xi32, #tpu.memory_space<smem>>) -> (i32, i32) {
    %c0_i32 = arith.constant 0 : i32
    %c0_i32_0 = arith.constant 0 : i32
    %c0_i32_1 = arith.constant 0 : i32
    return %c0_i32, %c0_i32_0 : i32, i32
  }
  func.func @transform_7(%arg0: i32, %arg1: memref<1xi32, #tpu.memory_space<smem>>) -> (i32, i32) {
    %c0_i32 = arith.constant 0 : i32
    %c0_i32_0 = arith.constant 0 : i32
    %c0_i32_1 = arith.constant 0 : i32
    return %c0_i32, %c0_i32_0 : i32, i32
  }
  func.func @transform_8(%arg0: i32, %arg1: memref<1xi32, #tpu.memory_space<smem>>) -> (i32, i32) {
    %c0_i32 = arith.constant 0 : i32
    %c0_i32_0 = arith.constant 0 : i32
    %c0_i32_1 = arith.constant 0 : i32
    return %c0_i32, %c0_i32_0 : i32, i32
  }
  func.func @transform_9(%arg0: i32, %arg1: memref<1xi32, #tpu.memory_space<smem>>) -> (i32, i32) {
    %c0_i32 = arith.constant 0 : i32
    %c0_i32_0 = arith.constant 0 : i32
    %c0_i32_1 = arith.constant 0 : i32
    return %c0_i32, %c0_i32_0 : i32, i32
  }
  func.func @transform_10(%arg0: i32, %arg1: memref<1xi32, #tpu.memory_space<smem>>) -> (i32, i32) {
    %c0_i32 = arith.constant 0 : i32
    %c0_i32_0 = arith.constant 0 : i32
    %c0_i32_1 = arith.constant 0 : i32
    return %c0_i32, %c0_i32_0 : i32, i32
  }
  func.func @transform_11(%arg0: i32, %arg1: memref<1xi32, #tpu.memory_space<smem>>) -> (i32, i32) {
    %c0_i32 = arith.constant 0 : i32
    %c0_i32_0 = arith.constant 0 : i32
    %c0_i32_1 = arith.constant 0 : i32
    return %c0_i32, %c0_i32_0 : i32, i32
  }
  func.func @transform_12(%arg0: i32, %arg1: memref<1xi32, #tpu.memory_space<smem>>) -> (i32, i32) {
    %get3A = arith.constant 0 : index
    %get3A_0 = memref.load %arg1[%get3A] : memref<1xi32, #tpu.memory_space<smem>>
    %sub3A = arith.constant 1 : i32
    %sub3A_1 = arith.subi %get3A_0, %sub3A : i32
    %max3A = arith.constant 0 : i32
    %max3A_2 = arith.maxsi %sub3A_1, %max3A : i32
    %jit3A = arith.constant 0 : i32
    %max3A_3 = arith.maxsi %jit3A, %arg0 : i32
    %min3A = arith.minsi %max3A_2, %max3A_3 : i32
    %add3A = arith.constant 34 : i32
    %add3A_4 = arith.addi %min3A, %add3A : i32
    %c0_i32 = arith.constant 0 : i32
    %c0_i32_5 = arith.constant 0 : i32
    return %add3A_4, %c0_i32 : i32, i32
  }
}

</mosaic_0001>

<sc_bundles>
// kernel: kernel.11.cloned.1.call-start
scs
__scs_entry_jumppad:
0x0: {  	(pc) =	sbr.rel $0x88, $3  }
0x1: {  	(tag) =	ssettag $0x0;
	lr =	simm.s32 $0x1  }
0x2: {  	[smem:$0x3F64] =	sst lr;
	_ =	strace $0xD0000000  }
0x3: {  	_ = 	snop  }
0x4: {  	_ = 	snop  }
0x5: {  	_ = 	snop  }
0x6: {  	_ = 	snop  }
0x7: {  	_ = 	snop  }
__scs_overlays_trampoline_lowered:
0x8: {  	[smem:$0x3F73] =	sst s0  }
0x9: {  	[smem:$0x3F74] =	sst s1  }
0xa: {  	[smem:$0x3F75] =	sst s2  }
0xb: {  	[smem:$0x3F76] =	sst s3  }
0xc: {  	[smem:$0x3F77] =	sst s4  }
0xd: {  	[smem:$0x3F78] =	sst s5  }
0xe: {  	[smem:$0x3F79] =	sst s6  }
0xf: {  	[smem:$0x3F7A] =	sst s7  }
0x10: {  	[smem:$0x3F7B] =	sst s8  }
0x11: {  	[smem:$0x3F7C] =	sst s9;
	s0 =	simm.s32 @!p0 $0x0  }
0x12: {  	s1 =	sld [smem:$0x3F62];
	s0 =	simm.s32 @p0 $0x1  }
0x13: {  	[smem:$0x3F7D] =	sst s0;
	s0 =	simm.s32 @!p1 $0x0  }
0x14: {  	s2 =	sld [smem:$0x3F61];
	s0 =	simm.s32 @p1 $0x1  }
0x15: {  	[smem:$0x3F7E] =	sst s0;
	s0 =	simm.s32 @!p2 $0x0  }
0x16: {  	s3 =	sld [smem:$0x3FDB];
	s0 =	simm.s32 @p2 $0x1  }
0x17: {  	s4 =	simm.s32 $0x1BF5;
	[smem:$0x3F80] =	sst s0  }
0x18: {  	s0 =	sld [smem:$0x3F63];
	_ =	swait.ge [sflag:s4], $0x0  }
0x19: {  	s7 =	sld [smem:$0x3F64]  }
0x1a: {  	s8 =	sadd.s32 $0xFFFFE003, lr  }
0x1b: {  	s9 =	sadd.s32 $0xFFFFFEF7, lr;
	s5 =	simm.s32 $0xFFFFFFFF;
	p2 =	slt.u32 s8, $0xFFFFF086  }
0x1c: {  	p1 =	slt.u32 s9, $0xF7A;
	s5 =	simm.s32 @!p2 $0x0  }
0x1d: {  	s5 =	simm.s32 @p1 $0x1;
	p0 =	seq.s32 s7, s2  }
0x1e: {  	s7 =	smul.u32 @!p0 $0xF7A, s2;
	p2 =	seq.s32 @!p0 s5, $0x0  }
0x1f: {  	s9 =	smul.u32 $0xF7A, s1;
	s8 =	simm.s32 @!p0 $0x1BF5;
	p2 =	por !p2, p0  }
0x20: {  	[sflag:s8] =	ssyncset.s32 @!p0 $0xFFFFF086;
	s6 =	sadd.s32 @!p0 s3, s7;
	s7 =	simm.s32 @!p0 $0x108  }
0x21: {  	s3 =	sadd.s32 s3, s9;
	s6 =	sadd.s32 @!p0 $0x88, s6;
	s7 =	simm.s32 @p2 $0x1082  }
0x22: {  	[simem:s7], [sflag:s8] =	dma.local @!p0 [hbm:s6], $0xF7A  }
0x23: {  	s9 =	sor.u32 $0xD0000000, s2;
	s6 =	simm.s32 $0x108;
	_ =	swait.ge @!p0 [sflag:s8], $0x0  }
0x24: {  	s3 =	sadd.s32 $0x88, s3;
	s6 =	simm.s32 @!p1 $0x1082;
	[sflag:s4] =	ssyncset.s32 $0xFFFFF086  }
0x25: {  	[simem:s6], [sflag:s4] =	dma.local [hbm:s3], $0xF7A  }
0x26: {  	[smem:$0x3F64] =	sst s1;
	(tag) =	ssettag s2;
	_ =	strace s9  }
0x27: {  	s1 =	sld [smem:$0x3F74]  }
0x28: {  	s2 =	sld [smem:$0x3F75]  }
0x29: {  	s4 =	sld [smem:$0x3F77]  }
0x2a: {  	p0 =	seq.s32 s5, $0x0;
	s5 =	sld [smem:$0x3F78]  }
0x2b: {  	s6 =	sld [smem:$0x3F79]  }
0x2c: {  	s7 =	sld [smem:$0x3F7A]  }
0x2d: {  	s3 =	simm.s32 $0x108;
	s8 =	sld [smem:$0x3F7B]  }
0x2e: {  	s3 =	simm.s32 @!p0 $0x1082;
	s9 =	sld [smem:$0x3F7C]  }
0x2f: {  	lr =	sadd.s32 s0, s3;
	s0 =	sld [smem:$0x3F73]  }
0x30: {  	s3 =	sld [smem:$0x3F76]  }
0x31: {  	[smem:$0x3F7F] =	sst s10  }
0x32: {  	s10 =	sld [smem:$0x3F7D];
	_ =	sdelay $0x3  }
0x33: {  	p0 =	seq.s32 s10, $0x1;
	s10 =	sld [smem:$0x3F7F];
	_ =	sdelay $0x3  }
0x34: {  	[smem:$0x3F7F] =	sst s10  }
0x35: {  	s10 =	sld [smem:$0x3F7E];
	_ =	sdelay $0x3  }
0x36: {  	p1 =	seq.s32 s10, $0x1;
	s10 =	sld [smem:$0x3F7F];
	_ =	sdelay $0x3  }
0x37: {  	[smem:$0x3F7F] =	sst s10  }
0x38: {  	s10 =	sld [smem:$0x3F80]  }
0x39: {  	_ = 	snop;
	(pc) =	sbr.ind lr, $3  }
0x3a: {  	_ = 	snop  }
0x3b: {  	_ = 	snop  }
0x3c: {  	p2 =	seq.s32 s10, $0x1;
	s10 =	sld [smem:$0x3F7F]  }
0x3d: {  	_ =	shalt  }
0x3e: {  	_ =	shalt  }
0x3f: {  	_ =	shalt  }
0x40: {  	_ =	shalt  }
0x41: {  	_ =	shalt  }
0x42: {  	_ =	shalt  }
0x43: {  	_ =	shalt  }
0x44: {  	_ =	shalt  }
0x45: {  	_ =	shalt  }
0x46: {  	_ =	shalt  }
0x47: {  	_ =	shalt  }
0x48: {  	_ =	shalt  }
0x49: {  	_ =	shalt  }
0x4a: {  	_ =	shalt  }
0x4b: {  	_ =	shalt  }
0x4c: {  	_ =	shalt  }
0x4d: {  	_ =	shalt  }
0x4e: {  	_ =	shalt  }
0x4f: {  	_ =	shalt  }
0x50: {  	_ =	shalt  }
0x51: {  	_ =	shalt  }
0x52: {  	_ =	shalt  }
0x53: {  	_ =	shalt  }
0x54: {  	_ =	shalt  }
0x55: {  	_ =	shalt  }
0x56: {  	_ =	shalt  }
0x57: {  	_ =	shalt  }
0x58: {  	_ =	shalt  }
0x59: {  	_ =	shalt  }
0x5a: {  	_ =	shalt  }
0x5b: {  	_ =	shalt  }
0x5c: {  	_ =	shalt  }
0x5d: {  	_ =	shalt  }
0x5e: {  	_ =	shalt  }
0x5f: {  	_ =	shalt  }
0x60: {  	_ =	shalt  }
0x61: {  	_ =	shalt  }
0x62: {  	_ =	shalt  }
0x63: {  	_ =	shalt  }
0x64: {  	_ =	shalt  }
0x65: {  	_ =	shalt  }
0x66: {  	_ =	shalt  }
0x67: {  	_ =	shalt  }
0x68: {  	_ =	shalt  }
0x69: {  	_ =	shalt  }
0x6a: {  	_ =	shalt  }
0x6b: {  	_ =	shalt  }
0x6c: {  	_ =	shalt  }
0x6d: {  	_ =	shalt  }
0x6e: {  	_ =	shalt  }
0x6f: {  	_ =	shalt  }
0x70: {  	_ =	shalt  }
0x71: {  	_ =	shalt  }
0x72: {  	_ =	shalt  }
0x73: {  	_ =	shalt  }
0x74: {  	_ =	shalt  }
0x75: {  	_ =	shalt  }
0x76: {  	_ =	shalt  }
0x77: {  	_ =	shalt  }
0x78: {  	_ =	shalt  }
0x79: {  	_ =	shalt  }
0x7a: {  	_ =	shalt  }
0x7b: {  	_ =	shalt  }
0x7c: {  	_ =	shalt  }
0x7d: {  	_ =	shalt  }
0x7e: {  	_ =	shalt  }
0x7f: {  	_ =	shalt  }
0x80: {  	_ =	shalt  }
0x81: {  	_ =	shalt  }
0x82: {  	_ =	shalt  }
0x83: {  	_ =	shalt  }
0x84: {  	_ =	shalt  }
0x85: {  	_ =	shalt  }
0x86: {  	_ =	shalt  }
0x87: {  	_ =	shalt  }
.Lfunc_end0:
.L_simem_size_0:
called_computation.1_lowered:
.L_overlay_start_0:
0x88: {  	s2 =	sld [smem:$0x3FD9]  }
0x89: {  	s3 =	sld [smem:$0x3FFE];
	_ =	sdelay $0x1  }
0x8a: {  	s1 =	srdreg.scid  }
0x8b: {  	s0 =	sand.u32 $0x1, s1  }
0x8c: {  	s17 =	sshll.u32 s0, $0xA;
	s2 =	sadd.s32 s3, s2  }
0x8d: {  	s2 =	sadd.s32 s2, s17  }
0x8e: {  	[smem:$0x3F8B] =	sst s2  }
0x8f: {  	_ = 	snop  }
0x90: {  	s2 =	sld [smem:$0x3FD0];
	(tm) =	ssettm $0x1  }
0x91: {  	s18 =	sld [smem:$0x3FFB];
	_ =	sdelay $0x3  }
0x92: {  	_ =	strace s18  }
0x93: {  	s3 =	sld [smem:$0x3FFC];
	_ =	sdelay $0x3  }
0x94: {  	_ =	strace s3  }
0x95: {  	s3 =	sld [smem:$0x3FFD];
	_ =	sdelay $0x3  }
0x96: {  	_ =	strace s3  }
0x97: {  	_ =	strace $0x8FFFFFFF  }
0x98: {  	s19 =	sld [smem:$0x3FDB];
	_ =	sdelay $0x1  }
0x99: {  	s4 =	simm.s32 $_scs_section_size  }
0x9a: {  	s5 =	simm.s32 $_size__tile_overlayer_lowered;
	s6 =	simm.s32 $_tile_overlayer_lowered  }
0x9b: {  	s22 =	simm.s32 $0x1BFF;
	s21 =	sshll.u32 s6, $0x1;
	s3 =	sadd.s32 s4, s19  }
0x9c: {  	s7 =	simm.s32 $0x0;
	s20 =	sshll.u32 s5, $0x1;
	s5 =	sadd.s32 s21, s3  }
0x9d: {  	[timem:s7], [sflag:s22] =	dma.local [hbm:s5], s20  }
0x9e: {  	_ =	swait.ge [sflag:s22], s20  }
0x9f: {  	s4 =	ssub.s32 $0x0, s20;
	[sflag:s22] =	ssyncset.done $0x0  }
0xa0: {  	[sflag:s22] =	ssyncadd.s32 s4;
	_ =	sdelay $0x1  }
0xa1: {  	s23 =	simm.s32 $0x1B8B  }
0xa2: {  	_ =	swait.ge [sflag:s23], $0x1  }
0xa3: {  	[sflag:s23] =	ssyncset.done $0x0  }
0xa4: {  	s25 =	simm.s32 $0x1B8E;
	s24 =	sld [smem:$0x3FFE];
	[sflag:s23] =	ssyncadd.s32 $0xFFFFFFFF  }
0xa5: {  	s26 =	simm.s32 $execute0_lowered;
	[smem:$0x3FD2] =	sst s25  }
0xa6: {  	s5 =	sshll.u32 s26, $0x1;
	_ =	strace $0x80000049;
	[dreg:$0x1] =	wrdreg $0xFFFFFFFF  }
0xa7: {  	s28 =	simm.s32 $_size_execute0_lowered;
	s3 =	sadd.s32 s3, s5;
	[dreg:$0x0] =	wrdreg $0x0  }
0xa8: {  	s5 =	sshll.u32 s28, $0x1;
	[dreg:$0x2] =	wrdreg s3  }
0xa9: {  	[dreg:$0x3] =	wrdreg s5  }
0xaa: {  	[dreg:$0x4] =	wrdreg $0xC0  }
0xab: {  	_ =	task [dreg:s7], $0x5FFFF  }
0xac: {  	[dreg:$0x1] =	wrdreg $0xFFFFFFFF  }
0xad: {  	[dreg:$0x0] =	wrdreg $0x60  }
0xae: {  	[dreg:$0x2] =	wrdreg s24  }
0xaf: {  	[dreg:$0x3] =	wrdreg s2  }
0xb0: {  	[dreg:$0x4] =	wrdreg $0x9  }
0xb1: {  	_ =	task.clear_ibuf [dreg:s7], $0x5FFFF;
	_ =	strace $0x90000049  }
0xb2: {  	s29 =	simm.s32 $0x9;
	_ =	strace $0x8000004B  }
0xb3: {  	_ =	swait.ge [sflag:s29], $0x1  }
0xb4: {  	[sflag:s29] =	ssyncadd.s32 $0xFFFFFFFF  }
0xb5: {  	_ =	strace $0x9000004B  }
0xb6: {  	_ =	sfence  }
0xb7: {  	s30 =	sld [smem:$0x0];
	_ =	sdelay $0x2  }
0xb8: {  	s31 =	sshll.u32 s1, $0xD;
	s1 =	sshrl.u32 s1, $0x2  }
0xb9: {  	s3 =	sand.u32 $0x4000, s31;
	s1 =	sadd.s32 s1, s30  }
0xba: {  	s0 =	sor.u32 s3, s0;
	s1 =	sshll.u32 s1, $0x11  }
0xbb: {  	s0 =	sor.u32 s1, s0  }
0xbc: {  	s0 =	sadd.s32 $0x8F2B, s0  }
0xbd: {  	[sflag:s0] =	ssyncadd.remote.s32 $0x1  }
0xbe: {  	_ =	sfence.sel $0xFFFF  }
0xbf: {  	[dreg:$0x0] =	wrdreg $0xFFFFFFFF;
	(pc) =	sbr.abs _section_cstart, $3  }
0xc0: {  	[dreg:$0x1] =	wrdreg $0xFFFFFFFF  }
0xc1: {  	_ =	task.clear_ibuf [dreg:s7], $0x2FFFF;
	_ =	strace $0x9FFFFFFF  }
0xc2: {  	(tm) =	ssettm $0x7FFFFFFF  }
0xc3: {  	_ =	shalt  }
tec
execute0_lowered:
.L_overlay_start_1:
0x0: {  	(tag) =	ssettag $0x1  }
0x1: {  	s0 =	rddreg [dreg:$0x0]  }
0x2: {  	s1 =	rddreg [dreg:$0x1]  }
0x3: {  	s2 =	srdreg.scid;
	s4 =	stileid.u32;
	s18 =	simm.s32 $0x1  }
0x4: {  	s20 =	simm.s32 $0x880;
	s21 =	simm.s32 $0x1080;
	s28 =	simm.s32 $0x4080  }
0x5: {  	s29 =	simm.s32 $0x4880;
	s30 =	simm.s32 $0x5080;
	s31 =	simm.s32 $0x5880  }
0x6: {  	s11 =	simm.s32 $0x7880;
	s12 =	simm.s32 $0x8080;
	s13 =	simm.s32 $0x8880  }
0x7: {  	s14 =	simm.s32 $0x9080;
	s15 =	simm.s32 $0x9880;
	s16 =	simm.s32 $0xA080  }
0x8: {  	s17 =	simm.s32 $0xA880;
	s3 =	sand.u32 $0x1, s2;
	s2 =	simm.s32 $0x0  }
0x9: {  	s4 =	sshll.u32 s4, $0x8;
	s6 =	sadd.s32 $0x7000, s0;
	s5 =	sshll.u32 s3, $0x7  }
0xa: {  	[smem:$0x7FF] =	sst s2;
	s22 =	ssub.s32 $0x2, s3;
	s3 =	sadd.s32 $0x7600, s0  }
0xb: {  	s5 =	sor.u32 s5, s4;
	_ =	strace $0x8000004A;
	s7 =	sshrl.u32 s22, $0x1  }
0xc: {  	s4 =	sadd.s32 $0x7700, s0;
	s23 =	sshrl.u32 s5, $0x3;
	s7 =	ssub.s32 s22, s7  }
0xd: {  	s24 =	sshll.u32 s5, $0x7;
	s9 =	sor.u32 $0x40, s5;
	s5 =	sadd.s32 $0x7800, s0  }
0xe: {  	s22 =	simm.s32 $0x1880;
	s8 =	sadd.s32 s6, s23;
	s10 =	sshrl.u32 s9, $0x3  }
0xf: {  	s9 =	sshll.u32 s9, $0x7;
	s7 =	smax.u32 s7, $0x1;
	s23 =	simm.s32 $0x2080  }
0x10: {  	[dreg:$0x3] =	wrdreg s8;
	s8 =	sadd.s32 s1, s24;
	s25 =	sadd.s32 s6, s10  }
0x11: {  	s6 =	sadd.s32 $0x7900, s0;
	s26 =	sadd.s32 s1, s9;
	[dreg:$0x4] =	wrdreg s8  }
0x12: {  	v2 =	vlaneseq.u32;
	s0 =	simm.s32 $0x80;
	s24 =	simm.s32 $0x2880;
	[dreg:$0x5] =	wrdreg s25  }
0x13: {  	vm0 =	vmmov $0xffff;
	v1 =	vshrl.u32 v2, $0x3;
	s10 =	simm.s32 $0x7080;
	s9 =	simm.s32 $0xB080;
	[dreg:$0x6] =	wrdreg s26  }
0x14: {  	v0 =	vand.u32 $0x7, v2;
	v2 =	vor.u32 $0x8, v2;
	v1 =	vmul.u32 $0x8, v1;
	s8 =	simm.s32 $0x2;
	s25 =	simm.s32 $0x3080;
	s26 =	simm.s32 $0x3880  }
.LBB2_1:
0x15: {  	s19 =	rddreg [dreg:$0x3]  }
0x16: {  	[tilespmem:s2], [sflag:$0x2] =	stream.linear.gather [hbm4b:s19+s2], $0x40, $0x38;
	[tilespmem:$0x10080] =	vst v63  }
0x17: {  	_ =	swait.ge [sflag:s8], $0x40  }
0x18: {  	[sflag:s8] =	ssyncset.done $0x0  }
0x19: {  	[sflag:s8] =	ssyncadd.s32 $0xFFFFFFC0  }
0x1a: {  	v3 =	vld [tilespmem:$0x0];
	_ =	sdelay $0x4  }
0x1b: {  	v4 =	vshll.u32 v3, $0x3  }
0x1c: {  	v3 =	vand.u32 $0x7, v3;
	v4 =	vand.u32 $0xFFFFFFC0, v4  }
0x1d: {  	v3 =	vor.u32 v3, v4  }
0x1e: {  	v4 =	vperm.xlane v3, v0;
	_ =	sdelay $0x1  }
0x1f: {  	v4 =	vadd.s32 v1, v4;
	_ =	sdelay $0x4  }
0x20: {  	[tilespmem:s0], [sflag:$0x1] =	stream.indirect_vreg.gather [hbm4b:s3+s2], $0x80, v4, vm0, $0xb8;
	[tilespmem:$0x10080] =	vst v63  }
0x21: {  	v3 =	vperm.xlane v3, v2  }
0x22: {  	[tilespmem:s20], [sflag:$0x1] =	stream.indirect_vreg.gather [hbm4b:s4+s2], $0x80, v4, vm0, $0xb8;
	[tilespmem:$0x10080] =	vst v63  }
0x23: {  	v3 =	vadd.s32 v1, v3  }
0x24: {  	[tilespmem:s21], [sflag:$0x1] =	stream.indirect_vreg.gather [hbm4b:s5+s2], $0x80, v4, vm0, $0xb8;
	[tilespmem:$0x10080] =	vst v63  }
0x25: {  	_ = 	snop  }
0x26: {  	[tilespmem:s22], [sflag:$0x1] =	stream.indirect_vreg.gather [hbm4b:s6+s2], $0x80, v4, vm0, $0xb8;
	[tilespmem:$0x10080] =	vst v63  }
0x27: {  	_ = 	snop  }
0x28: {  	[tilespmem:s23], [sflag:$0x1] =	stream.indirect_vreg.gather [hbm4b:s3+s2], $0x80, v3, vm0, $0xb8;
	[tilespmem:$0x10080] =	vst v63  }
0x29: {  	_ = 	snop  }
0x2a: {  	[tilespmem:s24], [sflag:$0x1] =	stream.indirect_vreg.gather [hbm4b:s4+s2], $0x80, v3, vm0, $0xb8;
	[tilespmem:$0x10080] =	vst v63  }
0x2b: {  	_ = 	snop  }
0x2c: {  	[tilespmem:s25], [sflag:$0x1] =	stream.indirect_vreg.gather [hbm4b:s5+s2], $0x80, v3, vm0, $0xb8;
	[tilespmem:$0x10080] =	vst v63  }
0x2d: {  	_ = 	snop  }
0x2e: {  	[tilespmem:s26], [sflag:$0x1] =	stream.indirect_vreg.gather [hbm4b:s6+s2], $0x80, v3, vm0, $0xb8;
	[tilespmem:$0x10080] =	vst v63  }
0x2f: {  	v3 =	vld [tilespmem:$0x10];
	_ =	sdelay $0x4  }
0x30: {  	v57 =	vshll.u32 v3, $0x3  }
0x31: {  	v3 =	vand.u32 $0x7, v3;
	v4 =	vand.u32 $0xFFFFFFC0, v57  }
0x32: {  	v3 =	vor.u32 v3, v4  }
0x33: {  	v4 =	vperm.xlane v3, v0;
	_ =	sdelay $0x1  }
0x34: {  	v4 =	vadd.s32 v1, v4;
	_ =	sdelay $0x4  }
0x35: {  	[tilespmem:s28], [sflag:$0x1] =	stream.indirect_vreg.gather [hbm4b:s3+s2], $0x80, v4, vm0, $0xb8;
	[tilespmem:$0x10080] =	vst v63  }
0x36: {  	v3 =	vperm.xlane v3, v2  }
0x37: {  	[tilespmem:s29], [sflag:$0x1] =	stream.indirect_vreg.gather [hbm4b:s4+s2], $0x80, v4, vm0, $0xb8;
	[tilespmem:$0x10080] =	vst v63  }
0x38: {  	v3 =	vadd.s32 v1, v3  }
0x39: {  	[tilespmem:s30], [sflag:$0x1] =	stream.indirect_vreg.gather [hbm4b:s5+s2], $0x80, v4, vm0, $0xb8;
	[tilespmem:$0x10080] =	vst v63  }
0x3a: {  	_ = 	snop  }
0x3b: {  	[tilespmem:s31], [sflag:$0x1] =	stream.indirect_vreg.gather [hbm4b:s6+s2], $0x80, v4, vm0, $0xb8;
	[tilespmem:$0x10080] =	vst v63  }
0x3c: {  	s1 =	simm.s32 $0x6080  }
0x3d: {  	[tilespmem:s1], [sflag:$0x1] =	stream.indirect_vreg.gather [hbm4b:s3+s2], $0x80, v3, vm0, $0xb8;
	[tilespmem:$0x10080] =	vst v63  }
0x3e: {  	s1 =	simm.s32 $0x6880  }
0x3f: {  	[tilespmem:s1], [sflag:$0x1] =	stream.indirect_vreg.gather [hbm4b:s4+s2], $0x80, v3, vm0, $0xb8;
	[tilespmem:$0x10080] =	vst v63  }
0x40: {  	_ = 	snop  }
0x41: {  	[tilespmem:s10], [sflag:$0x1] =	stream.indirect_vreg.gather [hbm4b:s5+s2], $0x80, v3, vm0, $0xb8;
	[tilespmem:$0x10080] =	vst v63  }
0x42: {  	_ = 	snop  }
0x43: {  	[tilespmem:s11], [sflag:$0x1] =	stream.indirect_vreg.gather [hbm4b:s6+s2], $0x80, v3, vm0, $0xb8;
	[tilespmem:$0x10080] =	vst v63  }
0x44: {  	v3 =	vld [tilespmem:$0x20];
	_ =	sdelay $0x4  }
0x45: {  	v58 =	vshll.u32 v3, $0x3  }
0x46: {  	v3 =	vand.u32 $0x7, v3;
	v4 =	vand.u32 $0xFFFFFFC0, v58  }
0x47: {  	v3 =	vor.u32 v3, v4  }
0x48: {  	v4 =	vperm.xlane v3, v0;
	_ =	sdelay $0x1  }
0x49: {  	v4 =	vadd.s32 v1, v4;
	_ =	sdelay $0x4  }
0x4a: {  	[tilespmem:s12], [sflag:$0x1] =	stream.indirect_vreg.gather [hbm4b:s3+s2], $0x80, v4, vm0, $0xb8;
	[tilespmem:$0x10080] =	vst v63  }
0x4b: {  	v3 =	vperm.xlane v3, v2  }
0x4c: {  	[tilespmem:s13], [sflag:$0x1] =	stream.indirect_vreg.gather [hbm4b:s4+s2], $0x80, v4, vm0, $0xb8;
	[tilespmem:$0x10080] =	vst v63  }
0x4d: {  	v3 =	vadd.s32 v1, v3  }
0x4e: {  	[tilespmem:s14], [sflag:$0x1] =	stream.indirect_vreg.gather [hbm4b:s5+s2], $0x80, v4, vm0, $0xb8;
	[tilespmem:$0x10080] =	vst v63  }
0x4f: {  	_ = 	snop  }
0x50: {  	[tilespmem:s15], [sflag:$0x1] =	stream.indirect_vreg.gather [hbm4b:s6+s2], $0x80, v4, vm0, $0xb8;
	[tilespmem:$0x10080] =	vst v63  }
0x51: {  	_ = 	snop  }
0x52: {  	[tilespmem:s16], [sflag:$0x1] =	stream.indirect_vreg.gather [hbm4b:s3+s2], $0x80, v3, vm0, $0xb8;
	[tilespmem:$0x10080] =	vst v63  }
0x53: {  	_ = 	snop  }
0x54: {  	[tilespmem:s17], [sflag:$0x1] =	stream.indirect_vreg.gather [hbm4b:s4+s2], $0x80, v3, vm0, $0xb8;
	[tilespmem:$0x10080] =	vst v63  }
0x55: {  	_ = 	snop  }
0x56: {  	[tilespmem:s9], [sflag:$0x1] =	stream.indirect_vreg.gather [hbm4b:s5+s2], $0x80, v3, vm0, $0xb8;
	[tilespmem:$0x10080] =	vst v63  }
0x57: {  	s19 =	simm.s32 $0xB880  }
0x58: {  	[tilespmem:s19], [sflag:$0x1] =	stream.indirect_vreg.gather [hbm4b:s6+s2], $0x80, v3, vm0, $0xb8;
	[tilespmem:$0x10080] =	vst v63  }
0x59: {  	v3 =	vld [tilespmem:$0x30];
	_ =	sdelay $0x4  }
0x5a: {  	v59 =	vshll.u32 v3, $0x3  }
0x5b: {  	v3 =	vand.u32 $0x7, v3;
	v4 =	vand.u32 $0xFFFFFFC0, v59  }
0x5c: {  	v3 =	vor.u32 v3, v4  }
0x5d: {  	v4 =	vperm.xlane v3, v0;
	_ =	sdelay $0x1  }
0x5e: {  	v4 =	vadd.s32 v1, v4;
	_ =	sdelay $0x3  }
0x5f: {  	s19 =	simm.s32 $0xC080  }
0x60: {  	[tilespmem:s19], [sflag:$0x1] =	stream.indirect_vreg.gather [hbm4b:s3+s2], $0x80, v4, vm0, $0xb8;
	[tilespmem:$0x10080] =	vst v63  }
0x61: {  	v3 =	vperm.xlane v3, v2;
	s19 =	simm.s32 $0xC880  }
0x62: {  	[tilespmem:s19], [sflag:$0x1] =	stream.indirect_vreg.gather [hbm4b:s4+s2], $0x80, v4, vm0, $0xb8;
	[tilespmem:$0x10080] =	vst v63  }
0x63: {  	v3 =	vadd.s32 v1, v3;
	s19 =	simm.s32 $0xD080  }
0x64: {  	[tilespmem:s19], [sflag:$0x1] =	stream.indirect_vreg.gather [hbm4b:s5+s2], $0x80, v4, vm0, $0xb8;
	[tilespmem:$0x10080] =	vst v63  }
0x65: {  	s19 =	simm.s32 $0xD880  }
0x66: {  	[tilespmem:s19], [sflag:$0x1] =	stream.indirect_vreg.gather [hbm4b:s6+s2], $0x80, v4, vm0, $0xb8;
	[tilespmem:$0x10080] =	vst v63  }
0x67: {  	s19 =	simm.s32 $0xE080  }
0x68: {  	[tilespmem:s19], [sflag:$0x1] =	stream.indirect_vreg.gather [hbm4b:s3+s2], $0x80, v3, vm0, $0xb8;
	[tilespmem:$0x10080] =	vst v63  }
0x69: {  	s19 =	simm.s32 $0xE880  }
0x6a: {  	[tilespmem:s19], [sflag:$0x1] =	stream.indirect_vreg.gather [hbm4b:s4+s2], $0x80, v3, vm0, $0xb8;
	[tilespmem:$0x10080] =	vst v63  }
0x6b: {  	s19 =	simm.s32 $0xF080  }
0x6c: {  	[tilespmem:s19], [sflag:$0x1] =	stream.indirect_vreg.gather [hbm4b:s5+s2], $0x80, v3, vm0, $0xb8;
	[tilespmem:$0x10080] =	vst v63  }
0x6d: {  	s19 =	simm.s32 $0xF880  }
0x6e: {  	[tilespmem:s19], [sflag:$0x1] =	stream.indirect_vreg.gather [hbm4b:s6+s2], $0x80, v3, vm0, $0xb8;
	[tilespmem:$0x10080] =	vst v63  }
0x6f: {  	_ =	swait.ge [sflag:s18], $0x10000  }
0x70: {  	[sflag:s18] =	ssyncset.done $0x0  }
0x71: {  	s19 =	rddreg [dreg:$0x4];
	[sflag:s18] =	ssyncadd.s32 $0xFFFF0000  }
0x72: {  	[hbm4b:s19+s2] =	stream.linear.scatter [tilespmem:s0], [sflag:$0x2], $0x10000, $0x38;
	[tilespmem:$0x10080] =	vst v63  }
0x73: {  	_ =	swait.ge [sflag:s8], $0x10000  }
0x74: {  	[sflag:s8] =	ssyncset.done $0x0  }
0x75: {  	s19 =	rddreg [dreg:$0x5];
	[sflag:s8] =	ssyncadd.s32 $0xFFFF0000  }
0x76: {  	[tilespmem:s2], [sflag:$0x2] =	stream.linear.gather [hbm4b:s19+s2], $0x40, $0x38;
	[tilespmem:$0x10080] =	vst v63  }
0x77: {  	_ =	swait.ge [sflag:s8], $0x40  }
0x78: {  	[sflag:s8] =	ssyncset.done $0x0  }
0x79: {  	[sflag:s8] =	ssyncadd.s32 $0xFFFFFFC0  }
0x7a: {  	v3 =	vld [tilespmem:$0x0];
	_ =	sdelay $0x4  }
0x7b: {  	v60 =	vshll.u32 v3, $0x3  }
0x7c: {  	v3 =	vand.u32 $0x7, v3;
	v4 =	vand.u32 $0xFFFFFFC0, v60  }
0x7d: {  	v3 =	vor.u32 v3, v4  }
0x7e: {  	v4 =	vperm.xlane v3, v0;
	_ =	sdelay $0x1  }
0x7f: {  	v4 =	vadd.s32 v1, v4;
	_ =	sdelay $0x4  }
0x80: {  	[tilespmem:s0], [sflag:$0x1] =	stream.indirect_vreg.gather [hbm4b:s3+s2], $0x80, v4, vm0, $0xb8;
	[tilespmem:$0x10080] =	vst v63  }
0x81: {  	v3 =	vperm.xlane v3, v2  }
0x82: {  	[tilespmem:s20], [sflag:$0x1] =	stream.indirect_vreg.gather [hbm4b:s4+s2], $0x80, v4, vm0, $0xb8;
	[tilespmem:$0x10080] =	vst v63  }
0x83: {  	v3 =	vadd.s32 v1, v3  }
0x84: {  	[tilespmem:s21], [sflag:$0x1] =	stream.indirect_vreg.gather [hbm4b:s5+s2], $0x80, v4, vm0, $0xb8;
	[tilespmem:$0x10080] =	vst v63  }
0x85: {  	_ = 	snop  }
0x86: {  	[tilespmem:s22], [sflag:$0x1] =	stream.indirect_vreg.gather [hbm4b:s6+s2], $0x80, v4, vm0, $0xb8;
	[tilespmem:$0x10080] =	vst v63  }
0x87: {  	_ = 	snop  }
0x88: {  	[tilespmem:s23], [sflag:$0x1] =	stream.indirect_vreg.gather [hbm4b:s3+s2], $0x80, v3, vm0, $0xb8;
	[tilespmem:$0x10080] =	vst v63  }
0x89: {  	_ = 	snop  }
0x8a: {  	[tilespmem:s24], [sflag:$0x1] =	stream.indirect_vreg.gather [hbm4b:s4+s2], $0x80, v3, vm0, $0xb8;
	[tilespmem:$0x10080] =	vst v63  }
0x8b: {  	_ = 	snop  }
0x8c: {  	[tilespmem:s25], [sflag:$0x1] =	stream.indirect_vreg.gather [hbm4b:s5+s2], $0x80, v3, vm0, $0xb8;
	[tilespmem:$0x10080] =	vst v63  }
0x8d: {  	_ = 	snop  }
0x8e: {  	[tilespmem:s26], [sflag:$0x1] =	stream.indirect_vreg.gather [hbm4b:s6+s2], $0x80, v3, vm0, $0xb8;
	[tilespmem:$0x10080] =	vst v63  }
0x8f: {  	v3 =	vld [tilespmem:$0x10];
	_ =	sdelay $0x4  }
0x90: {  	v61 =	vshll.u32 v3, $0x3  }
0x91: {  	v3 =	vand.u32 $0x7, v3;
	v4 =	vand.u32 $0xFFFFFFC0, v61  }
0x92: {  	v3 =	vor.u32 v3, v4  }
0x93: {  	v4 =	vperm.xlane v3, v0;
	_ =	sdelay $0x1  }
0x94: {  	v4 =	vadd.s32 v1, v4;
	_ =	sdelay $0x4  }
0x95: {  	[tilespmem:s28], [sflag:$0x1] =	stream.indirect_vreg.gather [hbm4b:s3+s2], $0x80, v4, vm0, $0xb8;
	[tilespmem:$0x10080] =	vst v63  }
0x96: {  	v3 =	vperm.xlane v3, v2  }
0x97: {  	[tilespmem:s29], [sflag:$0x1] =	stream.indirect_vreg.gather [hbm4b:s4+s2], $0x80, v4, vm0, $0xb8;
	[tilespmem:$0x10080] =	vst v63  }
0x98: {  	v3 =	vadd.s32 v1, v3  }
0x99: {  	[tilespmem:s30], [sflag:$0x1] =	stream.indirect_vreg.gather [hbm4b:s5+s2], $0x80, v4, vm0, $0xb8;
	[tilespmem:$0x10080] =	vst v63  }
0x9a: {  	_ = 	snop  }
0x9b: {  	[tilespmem:s31], [sflag:$0x1] =	stream.indirect_vreg.gather [hbm4b:s6+s2], $0x80, v4, vm0, $0xb8;
	[tilespmem:$0x10080] =	vst v63  }
0x9c: {  	s19 =	simm.s32 $0x6080  }
0x9d: {  	[tilespmem:s19], [sflag:$0x1] =	stream.indirect_vreg.gather [hbm4b:s3+s2], $0x80, v3, vm0, $0xb8;
	[tilespmem:$0x10080] =	vst v63  }
0x9e: {  	_ = 	snop  }
0x9f: {  	[tilespmem:s1], [sflag:$0x1] =	stream.indirect_vreg.gather [hbm4b:s4+s2], $0x80, v3, vm0, $0xb8;
	[tilespmem:$0x10080] =	vst v63  }
0xa0: {  	_ = 	snop  }
0xa1: {  	[tilespmem:s10], [sflag:$0x1] =	stream.indirect_vreg.gather [hbm4b:s5+s2], $0x80, v3, vm0, $0xb8;
	[tilespmem:$0x10080] =	vst v63  }
0xa2: {  	_ = 	snop  }
0xa3: {  	[tilespmem:s11], [sflag:$0x1] =	stream.indirect_vreg.gather [hbm4b:s6+s2], $0x80, v3, vm0, $0xb8;
	[tilespmem:$0x10080] =	vst v63  }
0xa4: {  	v3 =	vld [tilespmem:$0x20];
	_ =	sdelay $0x4  }
0xa5: {  	v62 =	vshll.u32 v3, $0x3  }
0xa6: {  	v3 =	vand.u32 $0x7, v3;
	v4 =	vand.u32 $0xFFFFFFC0, v62  }
0xa7: {  	v3 =	vor.u32 v3, v4  }
0xa8: {  	v4 =	vperm.xlane v3, v0;
	_ =	sdelay $0x1  }
0xa9: {  	v4 =	vadd.s32 v1, v4;
	_ =	sdelay $0x4  }
0xaa: {  	[tilespmem:s12], [sflag:$0x1] =	stream.indirect_vreg.gather [hbm4b:s3+s2], $0x80, v4, vm0, $0xb8;
	[tilespmem:$0x10080] =	vst v63  }
0xab: {  	v3 =	vperm.xlane v3, v2  }
0xac: {  	[tilespmem:s13], [sflag:$0x1] =	stream.indirect_vreg.gather [hbm4b:s4+s2], $0x80, v4, vm0, $0xb8;
	[tilespmem:$0x10080] =	vst v63  }
0xad: {  	v3 =	vadd.s32 v1, v3  }
0xae: {  	[tilespmem:s14], [sflag:$0x1] =	stream.indirect_vreg.gather [hbm4b:s5+s2], $0x80, v4, vm0, $0xb8;
	[tilespmem:$0x10080] =	vst v63  }
0xaf: {  	_ = 	snop  }
0xb0: {  	[tilespmem:s15], [sflag:$0x1] =	stream.indirect_vreg.gather [hbm4b:s6+s2], $0x80, v4, vm0, $0xb8;
	[tilespmem:$0x10080] =	vst v63  }
0xb1: {  	_ = 	snop  }
0xb2: {  	[tilespmem:s16], [sflag:$0x1] =	stream.indirect_vreg.gather [hbm4b:s3+s2], $0x80, v3, vm0, $0xb8;
	[tilespmem:$0x10080] =	vst v63  }
0xb3: {  	_ = 	snop  }
0xb4: {  	[tilespmem:s17], [sflag:$0x1] =	stream.indirect_vreg.gather [hbm4b:s4+s2], $0x80, v3, vm0, $0xb8;
	[tilespmem:$0x10080] =	vst v63  }
0xb5: {  	_ = 	snop  }
0xb6: {  	[tilespmem:s9], [sflag:$0x1] =	stream.indirect_vreg.gather [hbm4b:s5+s2], $0x80, v3, vm0, $0xb8;
	[tilespmem:$0x10080] =	vst v63  }
0xb7: {  	s19 =	simm.s32 $0xB880  }
0xb8: {  	[tilespmem:s19], [sflag:$0x1] =	stream.indirect_vreg.gather [hbm4b:s6+s2], $0x80, v3, vm0, $0xb8;
	[tilespmem:$0x10080] =	vst v63  }
0xb9: {  	v3 =	vld [tilespmem:$0x30];
	_ =	sdelay $0x4  }
0xba: {  	v63 =	vshll.u32 v3, $0x3  }
0xbb: {  	v3 =	vand.u32 $0x7, v3;
	v4 =	vand.u32 $0xFFFFFFC0, v63  }
0xbc: {  	v3 =	vor.u32 v3, v4  }
0xbd: {  	v4 =	vperm.xlane v3, v0;
	_ =	sdelay $0x1  }
0xbe: {  	v4 =	vadd.s32 v1, v4;
	_ =	sdelay $0x3  }
0xbf: {  	s19 =	simm.s32 $0xC080  }
0xc0: {  	[tilespmem:s19], [sflag:$0x1] =	stream.indirect_vreg.gather [hbm4b:s3+s2], $0x80, v4, vm0, $0xb8;
	[tilespmem:$0x10080] =	vst v63  }
0xc1: {  	v3 =	vperm.xlane v3, v2;
	s19 =	simm.s32 $0xC880  }
0xc2: {  	[tilespmem:s19], [sflag:$0x1] =	stream.indirect_vreg.gather [hbm4b:s4+s2], $0x80, v4, vm0, $0xb8;
	[tilespmem:$0x10080] =	vst v63  }
0xc3: {  	v3 =	vadd.s32 v1, v3;
	s19 =	simm.s32 $0xD080  }
0xc4: {  	[tilespmem:s19], [sflag:$0x1] =	stream.indirect_vreg.gather [hbm4b:s5+s2], $0x80, v4, vm0, $0xb8;
	[tilespmem:$0x10080] =	vst v63  }
0xc5: {  	s19 =	simm.s32 $0xD880  }
0xc6: {  	[tilespmem:s19], [sflag:$0x1] =	stream.indirect_vreg.gather [hbm4b:s6+s2], $0x80, v4, vm0, $0xb8;
	[tilespmem:$0x10080] =	vst v63  }
0xc7: {  	s19 =	simm.s32 $0xE080  }
0xc8: {  	[tilespmem:s19], [sflag:$0x1] =	stream.indirect_vreg.gather [hbm4b:s3+s2], $0x80, v3, vm0, $0xb8;
	[tilespmem:$0x10080] =	vst v63  }
0xc9: {  	s19 =	simm.s32 $0xE880  }
0xca: {  	[tilespmem:s19], [sflag:$0x1] =	stream.indirect_vreg.gather [hbm4b:s4+s2], $0x80, v3, vm0, $0xb8;
	[tilespmem:$0x10080] =	vst v63  }
0xcb: {  	s19 =	simm.s32 $0xF080  }
0xcc: {  	[tilespmem:s19], [sflag:$0x1] =	stream.indirect_vreg.gather [hbm4b:s5+s2], $0x80, v3, vm0, $0xb8;
	[tilespmem:$0x10080] =	vst v63  }
0xcd: {  	s19 =	simm.s32 $0xF880  }
0xce: {  	[tilespmem:s19], [sflag:$0x1] =	stream.indirect_vreg.gather [hbm4b:s6+s2], $0x80, v3, vm0, $0xb8;
	[tilespmem:$0x10080] =	vst v63  }
0xcf: {  	_ =	swait.ge [sflag:s18], $0x10000  }
0xd0: {  	p0 =	sne.s32 s7, $0x1;
	[sflag:s18] =	ssyncset.done $0x0  }
.Ltmp0:
0xd1: {  	s1 =	rddreg [dreg:$0x6];
	[sflag:s18] =	ssyncadd.s32 $0xFFFF0000;
	(pc) =	sbr.rel @p0 .LBB2_1-.Ltmp0, $4  }
0xd2: {  	[hbm4b:s1+s2] =	stream.linear.scatter [tilespmem:s0], [sflag:$0x2], $0x10000, $0x38;
	[tilespmem:$0x10080] =	vst v63  }
0xd3: {  	_ =	swait.ge [sflag:s8], $0x10000  }
0xd4: {  	[sflag:s8] =	ssyncset.done $0x0  }
0xd5: {  	s7 =	sadd.s32 $0xFFFFFFFF, s7;
	[sflag:s8] =	ssyncadd.s32 $0xFFFF0000  }
0xd6: {  	_ =	sfence.sel $0x180000  }
0xd7: {  	[bflag:$0x0] =	sbarrier.arrive $0xFFFF  }
0xd8: {  	_ =	strace $0x9000004A  }
0xd9: {  	s0 =	stileid.u32;
	[bflag:$0x2] =	sbarrier.arrive $0xFFFF  }
0xda: {  	p0 =	sne.s32 s0, $0x0;
	s0 =	rddreg [dreg:$0x2]  }
0xdb: {  	s0 =	sadd.s32 @!p0 $0x100000, s0  }
0xdc: {  	[sflag:s0] =	ssyncadd.tile.s32 @!p0 $0x1;
	_ =	shalt  }
.Lfunc_end2:
_tile_overlayer_lowered:
.L_overlay_start_2:
0xdd: {  	(tag) =	ssettag $0x2  }
0xde: {  	s0 =	rddreg [dreg:$0x0];
	s2 =	stileid.u32  }
0xdf: {  	s1 =	rddreg [dreg:$0x1];
	p0 =	sne.s32 s2, $0x0  }
0xe0: {  	s3 =	rddreg [dreg:$0x2];
	[bflag:$0x3] =	sbarrier.arrive $0xFFFF;
	s2 =	simm.s32 @!p0 $0x1C02  }
0xe1: {  	[timem:s3], [sflag:s2] =	dma.local @!p0 [hbm:s0], s1  }
0xe2: {  	s0 =	simm.s32 @!p0 $0x2  }
0xe3: {  	_ =	swait.ge @!p0 [sflag:s0], s1  }
0xe4: {  	s1 =	ssub.s32 @!p0 $0x0, s1;
	[sflag:s0] =	ssyncset.done @!p0 $0x0  }
0xe5: {  	[sflag:s0] =	ssyncadd.s32 @!p0 s1  }
0xe6: {  	[bflag:$0x3] =	sbarrier.arrive $0xFFFF  }
0xe7: {  	_ =	shalt  }

// kernel: kernel.8.cloned.1.call-start
scs
__scs_entry_jumppad:
0x0: {  	(pc) =	sbr.rel $0x88, $3  }
0x1: {  	(tag) =	ssettag $0x0;
	lr =	simm.s32 $0x1  }
0x2: {  	[smem:$0x3F64] =	sst lr;
	_ =	strace $0xD0000000  }
0x3: {  	_ = 	snop  }
0x4: {  	_ = 	snop  }
0x5: {  	_ = 	snop  }
0x6: {  	_ = 	snop  }
0x7: {  	_ = 	snop  }
__scs_overlays_trampoline_lowered:
0x8: {  	[smem:$0x3F73] =	sst s0  }
0x9: {  	[smem:$0x3F74] =	sst s1  }
0xa: {  	[smem:$0x3F75] =	sst s2  }
0xb: {  	[smem:$0x3F76] =	sst s3  }
0xc: {  	[smem:$0x3F77] =	sst s4  }
0xd: {  	[smem:$0x3F78] =	sst s5  }
0xe: {  	[smem:$0x3F79] =	sst s6  }
0xf: {  	[smem:$0x3F7A] =	sst s7  }
0x10: {  	[smem:$0x3F7B] =	sst s8  }
0x11: {  	[smem:$0x3F7C] =	sst s9;
	s0 =	simm.s32 @!p0 $0x0  }
0x12: {  	s1 =	sld [smem:$0x3F62];
	s0 =	simm.s32 @p0 $0x1  }
0x13: {  	[smem:$0x3F7D] =	sst s0;
	s0 =	simm.s32 @!p1 $0x0  }
0x14: {  	s2 =	sld [smem:$0x3F61];
	s0 =	simm.s32 @p1 $0x1  }
0x15: {  	[smem:$0x3F7E] =	sst s0;
	s0 =	simm.s32 @!p2 $0x0  }
0x16: {  	s3 =	sld [smem:$0x3FDB];
	s0 =	simm.s32 @p2 $0x1  }
0x17: {  	s4 =	simm.s32 $0x1BF5;
	[smem:$0x3F80] =	sst s0  }
0x18: {  	s0 =	sld [smem:$0x3F63];
	_ =	swait.ge [sflag:s4], $0x0  }
0x19: {  	s7 =	sld [smem:$0x3F64]  }
0x1a: {  	s8 =	sadd.s32 $0xFFFFE003, lr  }
0x1b: {  	s9 =	sadd.s32 $0xFFFFFEF7, lr;
	s5 =	simm.s32 $0xFFFFFFFF;
	p2 =	slt.u32 s8, $0xFFFFF086  }
0x1c: {  	p1 =	slt.u32 s9, $0xF7A;
	s5 =	simm.s32 @!p2 $0x0  }
0x1d: {  	s5 =	simm.s32 @p1 $0x1;
	p0 =	seq.s32 s7, s2  }
0x1e: {  	s7 =	smul.u32 @!p0 $0xF7A, s2;
	p2 =	seq.s32 @!p0 s5, $0x0  }
0x1f: {  	s9 =	smul.u32 $0xF7A, s1;
	s8 =	simm.s32 @!p0 $0x1BF5;
	p2 =	por !p2, p0  }
0x20: {  	[sflag:s8] =	ssyncset.s32 @!p0 $0xFFFFF086;
	s6 =	sadd.s32 @!p0 s3, s7;
	s7 =	simm.s32 @!p0 $0x108  }
0x21: {  	s3 =	sadd.s32 s3, s9;
	s6 =	sadd.s32 @!p0 $0x88, s6;
	s7 =	simm.s32 @p2 $0x1082  }
0x22: {  	[simem:s7], [sflag:s8] =	dma.local @!p0 [hbm:s6], $0xF7A  }
0x23: {  	s9 =	sor.u32 $0xD0000000, s2;
	s6 =	simm.s32 $0x108;
	_ =	swait.ge @!p0 [sflag:s8], $0x0  }
0x24: {  	s3 =	sadd.s32 $0x88, s3;
	s6 =	simm.s32 @!p1 $0x1082;
	[sflag:s4] =	ssyncset.s32 $0xFFFFF086  }
0x25: {  	[simem:s6], [sflag:s4] =	dma.local [hbm:s3], $0xF7A  }
0x26: {  	[smem:$0x3F64] =	sst s1;
	(tag) =	ssettag s2;
	_ =	strace s9  }
0x27: {  	s1 =	sld [smem:$0x3F74]  }
0x28: {  	s2 =	sld [smem:$0x3F75]  }
0x29: {  	s4 =	sld [smem:$0x3F77]  }
0x2a: {  	p0 =	seq.s32 s5, $0x0;
	s5 =	sld [smem:$0x3F78]  }
0x2b: {  	s6 =	sld [smem:$0x3F79]  }
0x2c: {  	s7 =	sld [smem:$0x3F7A]  }
0x2d: {  	s3 =	simm.s32 $0x108;
	s8 =	sld [smem:$0x3F7B]  }
0x2e: {  	s3 =	simm.s32 @!p0 $0x1082;
	s9 =	sld [smem:$0x3F7C]  }
0x2f: {  	lr =	sadd.s32 s0, s3;
	s0 =	sld [smem:$0x3F73]  }
0x30: {  	s3 =	sld [smem:$0x3F76]  }
0x31: {  	[smem:$0x3F7F] =	sst s10  }
0x32: {  	s10 =	sld [smem:$0x3F7D];
	_ =	sdelay $0x3  }
0x33: {  	p0 =	seq.s32 s10, $0x1;
	s10 =	sld [smem:$0x3F7F];
	_ =	sdelay $0x3  }
0x34: {  	[smem:$0x3F7F] =	sst s10  }
0x35: {  	s10 =	sld [smem:$0x3F7E];
	_ =	sdelay $0x3  }
0x36: {  	p1 =	seq.s32 s10, $0x1;
	s10 =	sld [smem:$0x3F7F];
	_ =	sdelay $0x3  }
0x37: {  	[smem:$0x3F7F] =	sst s10  }
0x38: {  	s10 =	sld [smem:$0x3F80]  }
0x39: {  	_ = 	snop;
	(pc) =	sbr.ind lr, $3  }
0x3a: {  	_ = 	snop  }
0x3b: {  	_ = 	snop  }
0x3c: {  	p2 =	seq.s32 s10, $0x1;
	s10 =	sld [smem:$0x3F7F]  }
0x3d: {  	_ =	shalt  }
0x3e: {  	_ =	shalt  }
0x3f: {  	_ =	shalt  }
0x40: {  	_ =	shalt  }
0x41: {  	_ =	shalt  }
0x42: {  	_ =	shalt  }
0x43: {  	_ =	shalt  }
0x44: {  	_ =	shalt  }
0x45: {  	_ =	shalt  }
0x46: {  	_ =	shalt  }
0x47: {  	_ =	shalt  }
0x48: {  	_ =	shalt  }
0x49: {  	_ =	shalt  }
0x4a: {  	_ =	shalt  }
0x4b: {  	_ =	shalt  }
0x4c: {  	_ =	shalt  }
0x4d: {  	_ =	shalt  }
0x4e: {  	_ =	shalt  }
0x4f: {  	_ =	shalt  }
0x50: {  	_ =	shalt  }
0x51: {  	_ =	shalt  }
0x52: {  	_ =	shalt  }
0x53: {  	_ =	shalt  }
0x54: {  	_ =	shalt  }
0x55: {  	_ =	shalt  }
0x56: {  	_ =	shalt  }
0x57: {  	_ =	shalt  }
0x58: {  	_ =	shalt  }
0x59: {  	_ =	shalt  }
0x5a: {  	_ =	shalt  }
0x5b: {  	_ =	shalt  }
0x5c: {  	_ =	shalt  }
0x5d: {  	_ =	shalt  }
0x5e: {  	_ =	shalt  }
0x5f: {  	_ =	shalt  }
0x60: {  	_ =	shalt  }
0x61: {  	_ =	shalt  }
0x62: {  	_ =	shalt  }
0x63: {  	_ =	shalt  }
0x64: {  	_ =	shalt  }
0x65: {  	_ =	shalt  }
0x66: {  	_ =	shalt  }
0x67: {  	_ =	shalt  }
0x68: {  	_ =	shalt  }
0x69: {  	_ =	shalt  }
0x6a: {  	_ =	shalt  }
0x6b: {  	_ =	shalt  }
0x6c: {  	_ =	shalt  }
0x6d: {  	_ =	shalt  }
0x6e: {  	_ =	shalt  }
0x6f: {  	_ =	shalt  }
0x70: {  	_ =	shalt  }
0x71: {  	_ =	shalt  }
0x72: {  	_ =	shalt  }
0x73: {  	_ =	shalt  }
0x74: {  	_ =	shalt  }
0x75: {  	_ =	shalt  }
0x76: {  	_ =	shalt  }
0x77: {  	_ =	shalt  }
0x78: {  	_ =	shalt  }
0x79: {  	_ =	shalt  }
0x7a: {  	_ =	shalt  }
0x7b: {  	_ =	shalt  }
0x7c: {  	_ =	shalt  }
0x7d: {  	_ =	shalt  }
0x7e: {  	_ =	shalt  }
0x7f: {  	_ =	shalt  }
0x80: {  	_ =	shalt  }
0x81: {  	_ =	shalt  }
0x82: {  	_ =	shalt  }
0x83: {  	_ =	shalt  }
0x84: {  	_ =	shalt  }
0x85: {  	_ =	shalt  }
0x86: {  	_ =	shalt  }
0x87: {  	_ =	shalt  }
.Lfunc_end0:
.L_simem_size_0:
called_computation_lowered:
.L_overlay_start_0:
0x88: {  	s2 =	sld [smem:$0x3FD9]  }
0x89: {  	s3 =	sld [smem:$0x3FFE];
	_ =	sdelay $0x1  }
0x8a: {  	s1 =	srdreg.scid  }
0x8b: {  	s0 =	sand.u32 $0x1, s1  }
0x8c: {  	s17 =	sshll.u32 s0, $0xA;
	s2 =	sadd.s32 s3, s2  }
0x8d: {  	s2 =	sadd.s32 s2, s17  }
0x8e: {  	[smem:$0x3F8B] =	sst s2  }
0x8f: {  	_ = 	snop  }
0x90: {  	s2 =	sld [smem:$0x3FC8]  }
0x91: {  	s18 =	sld [smem:$0x3FC7]  }
0x92: {  	s4 =	sld [smem:$0x3FC6]  }
0x93: {  	s5 =	sld [smem:$0x3FC5]  }
0x94: {  	s6 =	sld [smem:$0x3FC4]  }
0x95: {  	s7 =	sld [smem:$0x3FC3]  }
0x96: {  	s8 =	sld [smem:$0x3FC2]  }
0x97: {  	s9 =	sld [smem:$0x3FC1]  }
0x98: {  	s10 =	sld [smem:$0x3FD0];
	(tm) =	ssettm $0x1  }
0x99: {  	s11 =	sld [smem:$0x3FFB];
	_ =	sdelay $0x3  }
0x9a: {  	_ =	strace s11  }
0x9b: {  	s11 =	sld [smem:$0x3FFC];
	_ =	sdelay $0x3  }
0x9c: {  	_ =	strace s11  }
0x9d: {  	s11 =	sld [smem:$0x3FFD];
	_ =	sdelay $0x3  }
0x9e: {  	_ =	strace s11  }
0x9f: {  	_ =	strace $0x8FFFFFFF  }
0xa0: {  	s19 =	sld [smem:$0x3FDB];
	_ =	sdelay $0x1  }
0xa1: {  	s12 =	simm.s32 $_scs_section_size  }
0xa2: {  	s13 =	simm.s32 $_size__tile_overlayer_lowered;
	s14 =	simm.s32 $_tile_overlayer_lowered  }
0xa3: {  	s22 =	simm.s32 $0x1BFF;
	s21 =	sshll.u32 s14, $0x1;
	s11 =	sadd.s32 s12, s19  }
0xa4: {  	s15 =	simm.s32 $0x0;
	s20 =	sshll.u32 s13, $0x1;
	s13 =	sadd.s32 s21, s11  }
0xa5: {  	[timem:s15], [sflag:s22] =	dma.local [hbm:s13], s20  }
0xa6: {  	_ =	swait.ge [sflag:s22], s20  }
0xa7: {  	s12 =	ssub.s32 $0x0, s20;
	[sflag:s22] =	ssyncset.done $0x0  }
0xa8: {  	[sflag:s22] =	ssyncadd.s32 s12;
	_ =	sdelay $0x1  }
0xa9: {  	s23 =	simm.s32 $0x1B8B  }
0xaa: {  	_ =	swait.ge [sflag:s23], $0x1  }
0xab: {  	[sflag:s23] =	ssyncset.done $0x0  }
0xac: {  	s25 =	simm.s32 $0x1B8E;
	s24 =	sld [smem:$0x3FFE];
	[sflag:s23] =	ssyncadd.s32 $0xFFFFFFFF  }
0xad: {  	s26 =	simm.s32 $execute0_lowered;
	[smem:$0x3FD2] =	sst s25  }
0xae: {  	s13 =	sshll.u32 s26, $0x1;
	_ =	strace $0x80000046;
	[dreg:$0x1] =	wrdreg $0xFFFFFFFF  }
0xaf: {  	s28 =	simm.s32 $_size_execute0_lowered;
	s11 =	sadd.s32 s11, s13;
	[dreg:$0x0] =	wrdreg $0x0  }
0xb0: {  	s13 =	sshll.u32 s28, $0x1;
	[dreg:$0x2] =	wrdreg s11  }
0xb1: {  	[dreg:$0x3] =	wrdreg s13  }
0xb2: {  	[dreg:$0x4] =	wrdreg $0xC0  }
0xb3: {  	_ =	task [dreg:s15], $0x5FFFF  }
0xb4: {  	[dreg:$0x1] =	wrdreg $0xFFFFFFFF  }
0xb5: {  	[dreg:$0x0] =	wrdreg $0x60  }
0xb6: {  	[dreg:$0x2] =	wrdreg s2  }
0xb7: {  	[dreg:$0x3] =	wrdreg s5  }
0xb8: {  	[dreg:$0x4] =	wrdreg s18  }
0xb9: {  	[dreg:$0x5] =	wrdreg s4  }
0xba: {  	[dreg:$0x6] =	wrdreg s10  }
0xbb: {  	[dreg:$0x7] =	wrdreg s24  }
0xbc: {  	[dreg:$0x8] =	wrdreg s6  }
0xbd: {  	[dreg:$0x9] =	wrdreg s7  }
0xbe: {  	[dreg:$0xa] =	wrdreg s8  }
0xbf: {  	[dreg:$0xb] =	wrdreg s9  }
0xc0: {  	[dreg:$0xc] =	wrdreg $0x9  }
0xc1: {  	_ =	task.clear_ibuf [dreg:s15], $0xDFFFF;
	_ =	strace $0x90000046  }
0xc2: {  	s29 =	simm.s32 $0x9;
	_ =	strace $0x80000048  }
0xc3: {  	_ =	swait.ge [sflag:s29], $0x1  }
0xc4: {  	[sflag:s29] =	ssyncadd.s32 $0xFFFFFFFF  }
0xc5: {  	_ =	strace $0x90000048  }
0xc6: {  	_ =	sfence  }
0xc7: {  	s30 =	sld [smem:$0x0];
	_ =	sdelay $0x2  }
0xc8: {  	s31 =	sshll.u32 s1, $0xD;
	s1 =	sshrl.u32 s1, $0x2  }
0xc9: {  	s3 =	sand.u32 $0x4000, s31;
	s1 =	sadd.s32 s1, s30  }
0xca: {  	s0 =	sor.u32 s3, s0;
	s1 =	sshll.u32 s1, $0x11  }
0xcb: {  	s0 =	sor.u32 s1, s0  }
0xcc: {  	s0 =	sadd.s32 $0x8F2B, s0  }
0xcd: {  	[sflag:s0] =	ssyncadd.remote.s32 $0x1  }
0xce: {  	_ =	sfence.sel $0xFFFF  }
0xcf: {  	[dreg:$0x0] =	wrdreg $0xFFFFFFFF;
	(pc) =	sbr.abs _section_cstart, $3  }
0xd0: {  	[dreg:$0x1] =	wrdreg $0xFFFFFFFF  }
0xd1: {  	_ =	task.clear_ibuf [dreg:s15], $0x2FFFF;
	_ =	strace $0x9FFFFFFF  }
0xd2: {  	(tm) =	ssettm $0x7FFFFFFF  }
0xd3: {  	_ =	shalt  }
tec
execute0_lowered:
.L_overlay_start_1:
0x0: {  	(tag) =	ssettag $0x1  }
0x1: {  	s0 =	rddreg [dreg:$0x0]  }
0x2: {  	s4 =	rddreg [dreg:$0x1]  }
0x3: {  	s8 =	rddreg [dreg:$0x2]  }
0x4: {  	s9 =	rddreg [dreg:$0x3]  }
0x5: {  	s6 =	rddreg [dreg:$0x4]  }
0x6: {  	s10 =	rddreg [dreg:$0x5]  }
0x7: {  	s2 =	rddreg [dreg:$0x7]  }
0x8: {  	s5 =	rddreg [dreg:$0x9]  }
0x9: {  	s7 =	srdreg.scid;
	s12 =	stileid.u32  }
0xa: {  	s30 =	simm.s32 $0x100;
	s31 =	simm.s32 $0x180;
	s28 =	simm.s32 $0x1A00  }
0xb: {  	[dreg:$0xb] =	wrdreg s5;
	s5 =	simm.s32 $0x0;
	s7 =	sand.u32 $0x1, s7  }
0xc: {  	s11 =	sshll.u32 s12, $0x1;
	s12 =	sshll.u32 s12, $0x9;
	s17 =	sadd.s32 $0x7600, s10  }
0xd: {  	[smem:$0x7FF] =	sst s5;
	s11 =	sor.u32 s7, s11;
	s7 =	ssub.s32 $0x2, s7  }
0xe: {  	s13 =	sshll.u32 s11, $0x5;
	s14 =	sshll.u32 s11, $0x1;
	_ =	strace $0x80000047  }
0xf: {  	s11 =	sshll.u32 s11, $0x4;
	s23 =	sshrl.u32 s7, $0x1;
	[dreg:$0x15] =	wrdreg s30  }
0x10: {  	[dreg:$0x16] =	wrdreg s31;
	s12 =	sor.u32 s13, s12;
	s16 =	sor.u32 $0x3301, s14  }
0x11: {  	s19 =	sadd.s32 s11, s10;
	s20 =	sadd.s32 s6, s11;
	s6 =	sadd.s32 $0x1A1600, s10  }
0x12: {  	s0 =	sadd.s32 s0, s11;
	s24 =	ssub.s32 s7, s23;
	s25 =	sadd.s32 s4, s11  }
0x13: {  	s7 =	sadd.s32 $0x1A1900, s10;
	s26 =	sadd.s32 s8, s11;
	[dreg:$0xe] =	wrdreg s20  }
0x14: {  	s8 =	sadd.s32 $0x1A1700, s10;
	s29 =	sadd.s32 s9, s11;
	[dreg:$0x11] =	wrdreg s0  }
0x15: {  	s9 =	sadd.s32 $0x1A1800, s10;
	s12 =	sand.u32 $0x1C60, s12;
	[dreg:$0x12] =	wrdreg s25  }
0x16: {  	s15 =	sshll.u32 s16, $0x4;
	s13 =	sshll.u32 s16, $0x7;
	[dreg:$0x13] =	wrdreg s26  }
0x17: {  	s21 =	sadd.s32 $0x7200, s19;
	s22 =	sadd.s32 $0x7400, s19;
	[dreg:$0x14] =	wrdreg s29  }
0x18: {  	s4 =	smax.u32 s24, $0x1;
	s20 =	simm.s32 $0x1;
	s12 =	sadd.s32 s12, s17  }
0x19: {  	s15 =	sand.u32 $0x70, s15;
	s13 =	sand.u32 $0x199C00, s13;
	[dreg:$0xf] =	wrdreg s21  }
0x1a: {  	v2 =	vlaneseq.u32;
	[dreg:$0x10] =	wrdreg s22;
	s12 =	sadd.s32 $0x198000, s12;
	s14 =	sadd.s32 s17, s15  }
0x1b: {  	vm0 =	vmmov $0xffff;
	v1 =	vshrl.u32 v2, $0x3;
	s26 =	simm.s32 $0x4200;
	[dreg:$0xc] =	wrdreg s12;
	s18 =	sadd.s32 s13, s14  }
0x1c: {  	v0 =	vand.u32 $0x7, v2;
	v2 =	vor.u32 $0x8, v2;
	v1 =	vmul.u32 $0x8, v1;
	s19 =	simm.s32 $0x7A00;
	s12 =	simm.s32 $0x3;
	[dreg:$0xd] =	wrdreg s18  }
.LBB2_1:
0x1d: {  	[dreg:$0x17] =	wrdreg s4  }
0x1e: {  	s29 =	rddreg [dreg:$0xb];
	s30 =	simm.s32 $0x10200  }
0x1f: {  	[tilespmem:s30], [sflag:$0x3] =	stream.linear.gather [hbm4b:s29+s5], $0x400, $0x38;
	[tilespmem:$0x10600] =	vst v63  }
0x20: {  	_ =	swait.ge [sflag:s12], $0x400  }
0x21: {  	s31 =	simm.s32 $0x80;
	[sflag:s12] =	ssyncset.done $0x0  }
0x22: {  	s14 =	simm.s32 $0x400;
	s13 =	rddreg [dreg:$0xc];
	[sflag:s12] =	ssyncadd.s32 $0xFFFFFC00  }
0x23: {  	[hbm4b:s13+s31] =	stream.strided.scatter [tilespmem:s30], [sflag:$0x3], $0x400, s14, s31, $0x38;
	[tilespmem:$0x10600] =	vst v63  }
0x24: {  	_ =	swait.ge [sflag:s12], $0x400  }
0x25: {  	[sflag:s12] =	ssyncset.done $0x0  }
0x26: {  	s15 =	rddreg [dreg:$0xd];
	[sflag:s12] =	ssyncadd.s32 $0xFFFFFC00  }
0x27: {  	[hbm4b:s15+s31] =	stream.strided.scatter [tilespmem:s30], [sflag:$0x3], $0x400, s14, s31, $0x38;
	[tilespmem:$0x10600] =	vst v63  }
0x28: {  	_ =	swait.ge [sflag:s12], $0x400  }
0x29: {  	[sflag:s12] =	ssyncset.done $0x0  }
0x2a: {  	s16 =	rddreg [dreg:$0xe];
	[sflag:s12] =	ssyncadd.s32 $0xFFFFFC00  }
0x2b: {  	[tilespmem:s31], [sflag:$0x3] =	stream.linear.gather [hbm4b:s16+s5], $0x80, $0x38;
	[tilespmem:$0x10600] =	vst v63  }
0x2c: {  	_ =	swait.ge [sflag:s12], $0x80  }
0x2d: {  	s17 =	rddreg [dreg:$0xf];
	[sflag:s12] =	ssyncset.done $0x0  }
0x2e: {  	s18 =	rddreg [dreg:$0x15];
	[sflag:s12] =	ssyncadd.s32 $0xFFFFFF80  }
0x2f: {  	[tilespmem:s18], [sflag:$0x3] =	stream.linear.gather [hbm4b:s17+s5], $0x80, $0x38;
	[tilespmem:$0x10600] =	vst v63  }
0x30: {  	_ =	swait.ge [sflag:s12], $0x80  }
0x31: {  	s21 =	rddreg [dreg:$0x10];
	[sflag:s12] =	ssyncset.done $0x0  }
0x32: {  	s22 =	rddreg [dreg:$0x16];
	[sflag:s12] =	ssyncadd.s32 $0xFFFFFF80  }
0x33: {  	[tilespmem:s22], [sflag:$0x3] =	stream.linear.gather [hbm4b:s21+s5], $0x80, $0x38;
	[tilespmem:$0x10600] =	vst v63  }
0x34: {  	_ =	swait.ge [sflag:s12], $0x80  }
0x35: {  	[sflag:s12] =	ssyncset.done $0x0  }
0x36: {  	s23 =	rddreg [dreg:$0x11];
	[sflag:s12] =	ssyncadd.s32 $0xFFFFFF80  }
0x37: {  	[tilespmem:s5], [sflag:$0x3] =	stream.linear.gather [hbm4b:s23+s5], $0x80, $0x38;
	[tilespmem:$0x10600] =	vst v63  }
0x38: {  	_ =	swait.ge [sflag:s12], $0x80  }
0x39: {  	[sflag:s12] =	ssyncset.done $0x0  }
0x3a: {  	[sflag:s12] =	ssyncadd.s32 $0xFFFFFF80  }
0x3b: {  	v3 =	vld [tilespmem:$0x0];
	_ =	sdelay $0x4  }
0x3c: {  	v4 =	vshll.u32 v3, $0x1  }
0x3d: {  	v3 =	vand.u32 $0x7, v3;
	v4 =	vand.u32 $0xFFFFFFF0, v4  }
0x3e: {  	v3 =	vor.u32 v3, v4  }
0x3f: {  	v4 =	vperm.xlane v3, v0;
	_ =	sdelay $0x1  }
0x40: {  	v3 =	vperm.xlane v3, v2;
	v4 =	vadd.s32 v1, v4;
	_ =	sdelay $0x1  }
0x41: {  	v3 =	vadd.s32 v1, v3;
	_ =	sdelay $0x1  }
0x42: {  	s24 =	simm.s32 $0x200;
	s1 =	rddreg [dreg:$0x6]  }
0x43: {  	[tilespmem:s24], [sflag:$0x1] =	stream.indirect_vreg.gather [hbm4b:s1+s5], $0x80, v4, vm0, $0xb8;
	[tilespmem:$0x10600] =	vst v63  }
0x44: {  	s0 =	simm.s32 $0xA00  }
0x45: {  	[tilespmem:s0], [sflag:$0x1] =	stream.indirect_vreg.gather [hbm4b:s1+s5], $0x80, v3, vm0, $0xb8;
	[tilespmem:$0x10600] =	vst v63  }
0x46: {  	v3 =	vld [tilespmem:$0x10];
	_ =	sdelay $0x4  }
0x47: {  	v49 =	vshll.u32 v3, $0x1  }
0x48: {  	v3 =	vand.u32 $0x7, v3;
	v4 =	vand.u32 $0xFFFFFFF0, v49  }
0x49: {  	v3 =	vor.u32 v3, v4  }
0x4a: {  	v4 =	vperm.xlane v3, v0;
	_ =	sdelay $0x1  }
0x4b: {  	v3 =	vperm.xlane v3, v2;
	v4 =	vadd.s32 v1, v4;
	_ =	sdelay $0x1  }
0x4c: {  	v3 =	vadd.s32 v1, v3;
	_ =	sdelay $0x1  }
0x4d: {  	s25 =	simm.s32 $0x1200  }
0x4e: {  	[tilespmem:s25], [sflag:$0x1] =	stream.indirect_vreg.gather [hbm4b:s1+s5], $0x80, v4, vm0, $0xb8;
	[tilespmem:$0x10600] =	vst v63  }
0x4f: {  	s29 =	simm.s32 $0x1A00  }
0x50: {  	[tilespmem:s29], [sflag:$0x1] =	stream.indirect_vreg.gather [hbm4b:s1+s5], $0x80, v3, vm0, $0xb8;
	[tilespmem:$0x10600] =	vst v63  }
0x51: {  	v3 =	vld [tilespmem:$0x20];
	_ =	sdelay $0x4  }
0x52: {  	v50 =	vshll.u32 v3, $0x1  }
0x53: {  	v3 =	vand.u32 $0x7, v3;
	v4 =	vand.u32 $0xFFFFFFF0, v50  }
0x54: {  	v3 =	vor.u32 v3, v4  }
0x55: {  	v4 =	vperm.xlane v3, v0;
	_ =	sdelay $0x1  }
0x56: {  	v3 =	vperm.xlane v3, v2;
	v4 =	vadd.s32 v1, v4;
	_ =	sdelay $0x1  }
0x57: {  	v3 =	vadd.s32 v1, v3;
	_ =	sdelay $0x1  }
0x58: {  	s30 =	simm.s32 $0x2200  }
0x59: {  	[tilespmem:s30], [sflag:$0x1] =	stream.indirect_vreg.gather [hbm4b:s1+s5], $0x80, v4, vm0, $0xb8;
	[tilespmem:$0x10600] =	vst v63  }
0x5a: {  	s31 =	simm.s32 $0x2A00  }
0x5b: {  	[tilespmem:s31], [sflag:$0x1] =	stream.indirect_vreg.gather [hbm4b:s1+s5], $0x80, v3, vm0, $0xb8;
	[tilespmem:$0x10600] =	vst v63  }
0x5c: {  	v3 =	vld [tilespmem:$0x30];
	_ =	sdelay $0x4  }
0x5d: {  	v51 =	vshll.u32 v3, $0x1  }
0x5e: {  	v3 =	vand.u32 $0x7, v3;
	v4 =	vand.u32 $0xFFFFFFF0, v51  }
0x5f: {  	v3 =	vor.u32 v3, v4  }
0x60: {  	v4 =	vperm.xlane v3, v0;
	_ =	sdelay $0x1  }
0x61: {  	v3 =	vperm.xlane v3, v2;
	v4 =	vadd.s32 v1, v4;
	_ =	sdelay $0x1  }
0x62: {  	v3 =	vadd.s32 v1, v3;
	_ =	sdelay $0x1  }
0x63: {  	s11 =	simm.s32 $0x3200  }
0x64: {  	[tilespmem:s11], [sflag:$0x1] =	stream.indirect_vreg.gather [hbm4b:s1+s5], $0x80, v4, vm0, $0xb8;
	[tilespmem:$0x10600] =	vst v63  }
0x65: {  	s13 =	simm.s32 $0x3A00  }
0x66: {  	[tilespmem:s13], [sflag:$0x1] =	stream.indirect_vreg.gather [hbm4b:s1+s5], $0x80, v3, vm0, $0xb8;
	[tilespmem:$0x10600] =	vst v63  }
0x67: {  	v3 =	vld [tilespmem:$0x40];
	_ =	sdelay $0x4  }
0x68: {  	v52 =	vshll.u32 v3, $0x1  }
0x69: {  	v3 =	vand.u32 $0x7, v3;
	v4 =	vand.u32 $0xFFFFFFF0, v52  }
0x6a: {  	v3 =	vor.u32 v3, v4  }
0x6b: {  	v4 =	vperm.xlane v3, v0;
	_ =	sdelay $0x1  }
0x6c: {  	v3 =	vperm.xlane v3, v2;
	v4 =	vadd.s32 v1, v4;
	_ =	sdelay $0x1  }
0x6d: {  	v3 =	vadd.s32 v1, v3;
	_ =	sdelay $0x1  }
0x6e: {  	s14 =	simm.s32 $0x4200  }
0x6f: {  	[tilespmem:s14], [sflag:$0x1] =	stream.indirect_vreg.gather [hbm4b:s1+s5], $0x80, v4, vm0, $0xb8;
	[tilespmem:$0x10600] =	vst v63  }
0x70: {  	s15 =	simm.s32 $0x4A00  }
0x71: {  	[tilespmem:s15], [sflag:$0x1] =	stream.indirect_vreg.gather [hbm4b:s1+s5], $0x80, v3, vm0, $0xb8;
	[tilespmem:$0x10600] =	vst v63  }
0x72: {  	v3 =	vld [tilespmem:$0x50];
	_ =	sdelay $0x4  }
0x73: {  	v53 =	vshll.u32 v3, $0x1  }
0x74: {  	v3 =	vand.u32 $0x7, v3;
	v4 =	vand.u32 $0xFFFFFFF0, v53  }
0x75: {  	v3 =	vor.u32 v3, v4  }
0x76: {  	v4 =	vperm.xlane v3, v0;
	_ =	sdelay $0x1  }
0x77: {  	v3 =	vperm.xlane v3, v2;
	v4 =	vadd.s32 v1, v4;
	_ =	sdelay $0x1  }
0x78: {  	v3 =	vadd.s32 v1, v3;
	_ =	sdelay $0x1  }
0x79: {  	s16 =	simm.s32 $0x5200  }
0x7a: {  	[tilespmem:s16], [sflag:$0x1] =	stream.indirect_vreg.gather [hbm4b:s1+s5], $0x80, v4, vm0, $0xb8;
	[tilespmem:$0x10600] =	vst v63  }
0x7b: {  	s23 =	simm.s32 $0x5A00  }
0x7c: {  	[tilespmem:s23], [sflag:$0x1] =	stream.indirect_vreg.gather [hbm4b:s1+s5], $0x80, v3, vm0, $0xb8;
	[tilespmem:$0x10600] =	vst v63  }
0x7d: {  	v3 =	vld [tilespmem:$0x60];
	_ =	sdelay $0x4  }
0x7e: {  	v54 =	vshll.u32 v3, $0x1  }
0x7f: {  	v3 =	vand.u32 $0x7, v3;
	v4 =	vand.u32 $0xFFFFFFF0, v54  }
0x80: {  	v3 =	vor.u32 v3, v4  }
0x81: {  	v4 =	vperm.xlane v3, v0;
	_ =	sdelay $0x1  }
0x82: {  	v3 =	vperm.xlane v3, v2;
	v4 =	vadd.s32 v1, v4;
	_ =	sdelay $0x1  }
0x83: {  	v3 =	vadd.s32 v1, v3;
	_ =	sdelay $0x1  }
0x84: {  	s24 =	simm.s32 $0x6200  }
0x85: {  	[tilespmem:s24], [sflag:$0x1] =	stream.indirect_vreg.gather [hbm4b:s1+s5], $0x80, v4, vm0, $0xb8;
	[tilespmem:$0x10600] =	vst v63  }
0x86: {  	s29 =	simm.s32 $0x6A00  }
0x87: {  	[tilespmem:s29], [sflag:$0x1] =	stream.indirect_vreg.gather [hbm4b:s1+s5], $0x80, v3, vm0, $0xb8;
	[tilespmem:$0x10600] =	vst v63  }
0x88: {  	v3 =	vld [tilespmem:$0x70];
	_ =	sdelay $0x4  }
0x89: {  	v55 =	vshll.u32 v3, $0x1  }
0x8a: {  	v3 =	vand.u32 $0x7, v3;
	v4 =	vand.u32 $0xFFFFFFF0, v55  }
0x8b: {  	v3 =	vor.u32 v3, v4  }
0x8c: {  	v4 =	vperm.xlane v3, v0;
	_ =	sdelay $0x1  }
0x8d: {  	v3 =	vperm.xlane v3, v2;
	v4 =	vadd.s32 v1, v4;
	_ =	sdelay $0x1  }
0x8e: {  	v3 =	vadd.s32 v1, v3;
	_ =	sdelay $0x1  }
0x8f: {  	s30 =	simm.s32 $0x7200  }
0x90: {  	[tilespmem:s30], [sflag:$0x1] =	stream.indirect_vreg.gather [hbm4b:s1+s5], $0x80, v4, vm0, $0xb8;
	[tilespmem:$0x10600] =	vst v63  }
0x91: {  	s31 =	simm.s32 $0x7A00  }
0x92: {  	[tilespmem:s31], [sflag:$0x1] =	stream.indirect_vreg.gather [hbm4b:s1+s5], $0x80, v3, vm0, $0xb8;
	[tilespmem:$0x10600] =	vst v63  }
0x93: {  	_ =	swait.ge [sflag:s20], $0x8000  }
0x94: {  	[sflag:s20] =	ssyncset.done $0x0  }
0x95: {  	[sflag:s20] =	ssyncadd.s32 $0xFFFF8000  }
0x96: {  	v3 =	vld [tilespmem:$0x80];
	_ =	sdelay $0x4  }
0x97: {  	v56 =	vshll.u32 v3, $0x3  }
0x98: {  	v3 =	vand.u32 $0x7, v3;
	v4 =	vand.u32 $0xFFFFFFC0, v56  }
0x99: {  	v3 =	vor.u32 v3, v4  }
0x9a: {  	v4 =	vperm.xlane v3, v0;
	_ =	sdelay $0x1  }
0x9b: {  	v3 =	vperm.xlane v3, v2;
	v4 =	vadd.s32 v1, v4;
	_ =	sdelay $0x1  }
0x9c: {  	v3 =	vadd.s32 v1, v3;
	_ =	sdelay $0x1  }
0x9d: {  	s3 =	simm.s32 $0x200  }
0x9e: {  	[hbm4b:s6+s5] =	stream.indirect_vreg.scatter [tilespmem:s3], [sflag:$0x2], $0x80, v4, vm0, $0xb8;
	[tilespmem:$0x10600] =	vst v63  }
0x9f: {  	s0 =	simm.s32 $0xA00  }
0xa0: {  	[hbm4b:s6+s5] =	stream.indirect_vreg.scatter [tilespmem:s0], [sflag:$0x2], $0x80, v3, vm0, $0xb8;
	[tilespmem:$0x10600] =	vst v63  }
0xa1: {  	v3 =	vld [tilespmem:$0x90];
	_ =	sdelay $0x4  }
0xa2: {  	v57 =	vshll.u32 v3, $0x3  }
0xa3: {  	v3 =	vand.u32 $0x7, v3;
	v4 =	vand.u32 $0xFFFFFFC0, v57  }
0xa4: {  	v3 =	vor.u32 v3, v4  }
0xa5: {  	v4 =	vperm.xlane v3, v0;
	_ =	sdelay $0x1  }
0xa6: {  	v3 =	vperm.xlane v3, v2;
	v4 =	vadd.s32 v1, v4;
	_ =	sdelay $0x1  }
0xa7: {  	v3 =	vadd.s32 v1, v3;
	_ =	sdelay $0x1  }
0xa8: {  	s25 =	simm.s32 $0x1200  }
0xa9: {  	[hbm4b:s6+s5] =	stream.indirect_vreg.scatter [tilespmem:s25], [sflag:$0x2], $0x80, v4, vm0, $0xb8;
	[tilespmem:$0x10600] =	vst v63  }
0xaa: {  	s17 =	simm.s32 $0x1A00  }
0xab: {  	[hbm4b:s6+s5] =	stream.indirect_vreg.scatter [tilespmem:s17], [sflag:$0x2], $0x80, v3, vm0, $0xb8;
	[tilespmem:$0x10600] =	vst v63  }
0xac: {  	v3 =	vld [tilespmem:$0xA0];
	_ =	sdelay $0x4  }
0xad: {  	v58 =	vshll.u32 v3, $0x3  }
0xae: {  	v3 =	vand.u32 $0x7, v3;
	v4 =	vand.u32 $0xFFFFFFC0, v58  }
0xaf: {  	v3 =	vor.u32 v3, v4  }
0xb0: {  	v4 =	vperm.xlane v3, v0;
	_ =	sdelay $0x1  }
0xb1: {  	v3 =	vperm.xlane v3, v2;
	v4 =	vadd.s32 v1, v4;
	_ =	sdelay $0x1  }
0xb2: {  	v3 =	vadd.s32 v1, v3;
	_ =	sdelay $0x1  }
0xb3: {  	s10 =	simm.s32 $0x2200  }
0xb4: {  	[hbm4b:s6+s5] =	stream.indirect_vreg.scatter [tilespmem:s10], [sflag:$0x2], $0x80, v4, vm0, $0xb8;
	[tilespmem:$0x10600] =	vst v63  }
0xb5: {  	s18 =	simm.s32 $0x2A00  }
0xb6: {  	[hbm4b:s6+s5] =	stream.indirect_vreg.scatter [tilespmem:s18], [sflag:$0x2], $0x80, v3, vm0, $0xb8;
	[tilespmem:$0x10600] =	vst v63  }
0xb7: {  	v3 =	vld [tilespmem:$0xB0];
	_ =	sdelay $0x4  }
0xb8: {  	v59 =	vshll.u32 v3, $0x3  }
0xb9: {  	v3 =	vand.u32 $0x7, v3;
	v4 =	vand.u32 $0xFFFFFFC0, v59  }
0xba: {  	v3 =	vor.u32 v3, v4  }
0xbb: {  	v4 =	vperm.xlane v3, v0;
	_ =	sdelay $0x1  }
0xbc: {  	v3 =	vperm.xlane v3, v2;
	v4 =	vadd.s32 v1, v4;
	_ =	sdelay $0x1  }
0xbd: {  	v3 =	vadd.s32 v1, v3;
	_ =	sdelay $0x1  }
0xbe: {  	s11 =	simm.s32 $0x3200  }
0xbf: {  	[hbm4b:s6+s5] =	stream.indirect_vreg.scatter [tilespmem:s11], [sflag:$0x2], $0x80, v4, vm0, $0xb8;
	[tilespmem:$0x10600] =	vst v63  }
0xc0: {  	s21 =	simm.s32 $0x3A00  }
0xc1: {  	[hbm4b:s6+s5] =	stream.indirect_vreg.scatter [tilespmem:s21], [sflag:$0x2], $0x80, v3, vm0, $0xb8;
	[tilespmem:$0x10600] =	vst v63  }
0xc2: {  	v3 =	vld [tilespmem:$0xC0];
	_ =	sdelay $0x4  }
0xc3: {  	v60 =	vshll.u32 v3, $0x3  }
0xc4: {  	v3 =	vand.u32 $0x7, v3;
	v4 =	vand.u32 $0xFFFFFFC0, v60  }
0xc5: {  	v3 =	vor.u32 v3, v4  }
0xc6: {  	v4 =	vperm.xlane v3, v0;
	_ =	sdelay $0x1  }
0xc7: {  	v3 =	vperm.xlane v3, v2;
	v4 =	vadd.s32 v1, v4;
	_ =	sdelay $0x1  }
0xc8: {  	v3 =	vadd.s32 v1, v3;
	_ =	sdelay $0x1  }
0xc9: {  	s13 =	simm.s32 $0x4200  }
0xca: {  	[hbm4b:s6+s5] =	stream.indirect_vreg.scatter [tilespmem:s13], [sflag:$0x2], $0x80, v4, vm0, $0xb8;
	[tilespmem:$0x10600] =	vst v63  }
0xcb: {  	s22 =	simm.s32 $0x4A00  }
0xcc: {  	[hbm4b:s6+s5] =	stream.indirect_vreg.scatter [tilespmem:s22], [sflag:$0x2], $0x80, v3, vm0, $0xb8;
	[tilespmem:$0x10600] =	vst v63  }
0xcd: {  	v3 =	vld [tilespmem:$0xD0];
	_ =	sdelay $0x4  }
0xce: {  	v61 =	vshll.u32 v3, $0x3  }
0xcf: {  	v3 =	vand.u32 $0x7, v3;
	v4 =	vand.u32 $0xFFFFFFC0, v61  }
0xd0: {  	v3 =	vor.u32 v3, v4  }
0xd1: {  	v4 =	vperm.xlane v3, v0;
	_ =	sdelay $0x1  }
0xd2: {  	v3 =	vperm.xlane v3, v2;
	v4 =	vadd.s32 v1, v4;
	_ =	sdelay $0x1  }
0xd3: {  	v3 =	vadd.s32 v1, v3;
	_ =	sdelay $0x1  }
0xd4: {  	s14 =	simm.s32 $0x5200  }
0xd5: {  	[hbm4b:s6+s5] =	stream.indirect_vreg.scatter [tilespmem:s14], [sflag:$0x2], $0x80, v4, vm0, $0xb8;
	[tilespmem:$0x10600] =	vst v63  }
0xd6: {  	s23 =	simm.s32 $0x5A00  }
0xd7: {  	[hbm4b:s6+s5] =	stream.indirect_vreg.scatter [tilespmem:s23], [sflag:$0x2], $0x80, v3, vm0, $0xb8;
	[tilespmem:$0x10600] =	vst v63  }
0xd8: {  	v3 =	vld [tilespmem:$0xE0];
	_ =	sdelay $0x4  }
0xd9: {  	v62 =	vshll.u32 v3, $0x3  }
0xda: {  	v3 =	vand.u32 $0x7, v3;
	v4 =	vand.u32 $0xFFFFFFC0, v62  }
0xdb: {  	v3 =	vor.u32 v3, v4  }
0xdc: {  	v4 =	vperm.xlane v3, v0;
	_ =	sdelay $0x1  }
0xdd: {  	v3 =	vperm.xlane v3, v2;
	v4 =	vadd.s32 v1, v4;
	_ =	sdelay $0x1  }
0xde: {  	v3 =	vadd.s32 v1, v3;
	_ =	sdelay $0x1  }
0xdf: {  	s15 =	simm.s32 $0x6200  }
0xe0: {  	[hbm4b:s6+s5] =	stream.indirect_vreg.scatter [tilespmem:s15], [sflag:$0x2], $0x80, v4, vm0, $0xb8;
	[tilespmem:$0x10600] =	vst v63  }
0xe1: {  	s24 =	simm.s32 $0x6A00  }
0xe2: {  	[hbm4b:s6+s5] =	stream.indirect_vreg.scatter [tilespmem:s24], [sflag:$0x2], $0x80, v3, vm0, $0xb8;
	[tilespmem:$0x10600] =	vst v63  }
0xe3: {  	v3 =	vld [tilespmem:$0xF0];
	_ =	sdelay $0x4  }
0xe4: {  	v63 =	vshll.u32 v3, $0x3  }
0xe5: {  	v3 =	vand.u32 $0x7, v3;
	v4 =	vand.u32 $0xFFFFFFC0, v63  }
0xe6: {  	v3 =	vor.u32 v3, v4  }
0xe7: {  	v4 =	vperm.xlane v3, v0;
	_ =	sdelay $0x1  }
0xe8: {  	v3 =	vperm.xlane v3, v2;
	v4 =	vadd.s32 v1, v4;
	_ =	sdelay $0x1  }
0xe9: {  	v3 =	vadd.s32 v1, v3;
	_ =	sdelay $0x1  }
0xea: {  	s16 =	simm.s32 $0x7200  }
0xeb: {  	[hbm4b:s6+s5] =	stream.indirect_vreg.scatter [tilespmem:s16], [sflag:$0x2], $0x80, v4, vm0, $0xb8;
	[tilespmem:$0x10600] =	vst v63  }
0xec: {  	s1 =	simm.s32 $0x7A00  }
0xed: {  	[hbm4b:s6+s5] =	stream.indirect_vreg.scatter [tilespmem:s1], [sflag:$0x2], $0x80, v3, vm0, $0xb8;
	[tilespmem:$0x10600] =	vst v63  }
0xee: {  	s25 =	rddreg [dreg:$0x12]  }
0xef: {  	[tilespmem:s5], [sflag:$0x3] =	stream.linear.gather [hbm4b:s25+s5], $0x80, $0x38;
	[tilespmem:$0x10600] =	vst v63  }
0xf0: {  	_ =	swait.ge [sflag:s12], $0x80  }
0xf1: {  	[sflag:s12] =	ssyncset.done $0x0  }
0xf2: {  	[sflag:s12] =	ssyncadd.s32 $0xFFFFFF80  }
0xf3: {  	v3 =	vld [tilespmem:$0x0];
	_ =	sdelay $0x4  }
0xf4: {  	v8 =	vshll.u32 v3, $0x1  }
0xf5: {  	v3 =	vand.u32 $0x7, v3;
	v4 =	vand.u32 $0xFFFFFFF0, v8  }
0xf6: {  	v3 =	vor.u32 v3, v4  }
0xf7: {  	v4 =	vperm.xlane v3, v0;
	_ =	sdelay $0x1  }
0xf8: {  	v3 =	vperm.xlane v3, v2;
	v4 =	vadd.s32 v1, v4;
	_ =	sdelay $0x1  }
0xf9: {  	v3 =	vadd.s32 v1, v3;
	_ =	sdelay $0x1  }
0xfa: {  	s30 =	simm.s32 $0x8200;
	s29 =	rddreg [dreg:$0x8]  }
0xfb: {  	[tilespmem:s30], [sflag:$0x1] =	stream.indirect_vreg.gather [hbm4b:s29+s5], $0x80, v4, vm0, $0xb8;
	[tilespmem:$0x10600] =	vst v63  }
0xfc: {  	s31 =	simm.s32 $0x8A00  }
0xfd: {  	[tilespmem:s31], [sflag:$0x1] =	stream.indirect_vreg.gather [hbm4b:s29+s5], $0x80, v3, vm0, $0xb8;
	[tilespmem:$0x10600] =	vst v63  }
0xfe: {  	v3 =	vld [tilespmem:$0x10];
	_ =	sdelay $0x4  }
0xff: {  	v9 =	vshll.u32 v3, $0x1  }
0x100: {  	v3 =	vand.u32 $0x7, v3;
	v4 =	vand.u32 $0xFFFFFFF0, v9  }
0x101: {  	v3 =	vor.u32 v3, v4  }
0x102: {  	v4 =	vperm.xlane v3, v0;
	_ =	sdelay $0x1  }
0x103: {  	v3 =	vperm.xlane v3, v2;
	v4 =	vadd.s32 v1, v4;
	_ =	sdelay $0x1  }
0x104: {  	v3 =	vadd.s32 v1, v3;
	_ =	sdelay $0x1  }
0x105: {  	s3 =	simm.s32 $0x9200  }
0x106: {  	[tilespmem:s3], [sflag:$0x1] =	stream.indirect_vreg.gather [hbm4b:s29+s5], $0x80, v4, vm0, $0xb8;
	[tilespmem:$0x10600] =	vst v63  }
0x107: {  	s4 =	simm.s32 $0x9A00  }
0x108: {  	[tilespmem:s4], [sflag:$0x1] =	stream.indirect_vreg.gather [hbm4b:s29+s5], $0x80, v3, vm0, $0xb8;
	[tilespmem:$0x10600] =	vst v63  }
0x109: {  	v3 =	vld [tilespmem:$0x20];
	_ =	sdelay $0x4  }
0x10a: {  	v10 =	vshll.u32 v3, $0x1  }
0x10b: {  	v3 =	vand.u32 $0x7, v3;
	v4 =	vand.u32 $0xFFFFFFF0, v10  }
0x10c: {  	v3 =	vor.u32 v3, v4  }
0x10d: {  	v4 =	vperm.xlane v3, v0;
	_ =	sdelay $0x1  }
0x10e: {  	v3 =	vperm.xlane v3, v2;
	v4 =	vadd.s32 v1, v4;
	_ =	sdelay $0x1  }
0x10f: {  	v3 =	vadd.s32 v1, v3;
	_ =	sdelay $0x1  }
0x110: {  	s10 =	simm.s32 $0xA200  }
0x111: {  	[tilespmem:s10], [sflag:$0x1] =	stream.indirect_vreg.gather [hbm4b:s29+s5], $0x80, v4, vm0, $0xb8;
	[tilespmem:$0x10600] =	vst v63  }
0x112: {  	s11 =	simm.s32 $0xAA00  }
0x113: {  	[tilespmem:s11], [sflag:$0x1] =	stream.indirect_vreg.gather [hbm4b:s29+s5], $0x80, v3, vm0, $0xb8;
	[tilespmem:$0x10600] =	vst v63  }
0x114: {  	v3 =	vld [tilespmem:$0x30];
	_ =	sdelay $0x4  }
0x115: {  	v11 =	vshll.u32 v3, $0x1  }
0x116: {  	v3 =	vand.u32 $0x7, v3;
	v4 =	vand.u32 $0xFFFFFFF0, v11  }
0x117: {  	v3 =	vor.u32 v3, v4  }
0x118: {  	v4 =	vperm.xlane v3, v0;
	_ =	sdelay $0x1  }
0x119: {  	v3 =	vperm.xlane v3, v2;
	v4 =	vadd.s32 v1, v4;
	_ =	sdelay $0x1  }
0x11a: {  	v3 =	vadd.s32 v1, v3;
	_ =	sdelay $0x1  }
0x11b: {  	s13 =	simm.s32 $0xB200  }
0x11c: {  	[tilespmem:s13], [sflag:$0x1] =	stream.indirect_vreg.gather [hbm4b:s29+s5], $0x80, v4, vm0, $0xb8;
	[tilespmem:$0x10600] =	vst v63  }
0x11d: {  	s14 =	simm.s32 $0xBA00  }
0x11e: {  	[tilespmem:s14], [sflag:$0x1] =	stream.indirect_vreg.gather [hbm4b:s29+s5], $0x80, v3, vm0, $0xb8;
	[tilespmem:$0x10600] =	vst v63  }
0x11f: {  	v3 =	vld [tilespmem:$0x40];
	_ =	sdelay $0x4  }
0x120: {  	v12 =	vshll.u32 v3, $0x1  }
0x121: {  	v3 =	vand.u32 $0x7, v3;
	v4 =	vand.u32 $0xFFFFFFF0, v12  }
0x122: {  	v3 =	vor.u32 v3, v4  }
0x123: {  	v4 =	vperm.xlane v3, v0;
	_ =	sdelay $0x1  }
0x124: {  	v3 =	vperm.xlane v3, v2;
	v4 =	vadd.s32 v1, v4;
	_ =	sdelay $0x1  }
0x125: {  	v3 =	vadd.s32 v1, v3;
	_ =	sdelay $0x1  }
0x126: {  	s15 =	simm.s32 $0xC200  }
0x127: {  	[tilespmem:s15], [sflag:$0x1] =	stream.indirect_vreg.gather [hbm4b:s29+s5], $0x80, v4, vm0, $0xb8;
	[tilespmem:$0x10600] =	vst v63  }
0x128: {  	s16 =	simm.s32 $0xCA00  }
0x129: {  	[tilespmem:s16], [sflag:$0x1] =	stream.indirect_vreg.gather [hbm4b:s29+s5], $0x80, v3, vm0, $0xb8;
	[tilespmem:$0x10600] =	vst v63  }
0x12a: {  	v3 =	vld [tilespmem:$0x50];
	_ =	sdelay $0x4  }
0x12b: {  	v13 =	vshll.u32 v3, $0x1  }
0x12c: {  	v3 =	vand.u32 $0x7, v3;
	v4 =	vand.u32 $0xFFFFFFF0, v13  }
0x12d: {  	v3 =	vor.u32 v3, v4  }
0x12e: {  	v4 =	vperm.xlane v3, v0;
	_ =	sdelay $0x1  }
0x12f: {  	v3 =	vperm.xlane v3, v2;
	v4 =	vadd.s32 v1, v4;
	_ =	sdelay $0x1  }
0x130: {  	v3 =	vadd.s32 v1, v3;
	_ =	sdelay $0x1  }
0x131: {  	s17 =	simm.s32 $0xD200  }
0x132: {  	[tilespmem:s17], [sflag:$0x1] =	stream.indirect_vreg.gather [hbm4b:s29+s5], $0x80, v4, vm0, $0xb8;
	[tilespmem:$0x10600] =	vst v63  }
0x133: {  	s24 =	simm.s32 $0xDA00  }
0x134: {  	[tilespmem:s24], [sflag:$0x1] =	stream.indirect_vreg.gather [hbm4b:s29+s5], $0x80, v3, vm0, $0xb8;
	[tilespmem:$0x10600] =	vst v63  }
0x135: {  	v3 =	vld [tilespmem:$0x60];
	_ =	sdelay $0x4  }
0x136: {  	v14 =	vshll.u32 v3, $0x1  }
0x137: {  	v3 =	vand.u32 $0x7, v3;
	v4 =	vand.u32 $0xFFFFFFF0, v14  }
0x138: {  	v3 =	vor.u32 v3, v4  }
0x139: {  	v4 =	vperm.xlane v3, v0;
	_ =	sdelay $0x1  }
0x13a: {  	v3 =	vperm.xlane v3, v2;
	v4 =	vadd.s32 v1, v4;
	_ =	sdelay $0x1  }
0x13b: {  	v3 =	vadd.s32 v1, v3;
	_ =	sdelay $0x1  }
0x13c: {  	s21 =	simm.s32 $0xE200  }
0x13d: {  	[tilespmem:s21], [sflag:$0x1] =	stream.indirect_vreg.gather [hbm4b:s29+s5], $0x80, v4, vm0, $0xb8;
	[tilespmem:$0x10600] =	vst v63  }
0x13e: {  	s22 =	simm.s32 $0xEA00  }
0x13f: {  	[tilespmem:s22], [sflag:$0x1] =	stream.indirect_vreg.gather [hbm4b:s29+s5], $0x80, v3, vm0, $0xb8;
	[tilespmem:$0x10600] =	vst v63  }
0x140: {  	v3 =	vld [tilespmem:$0x70];
	_ =	sdelay $0x4  }
0x141: {  	v15 =	vshll.u32 v3, $0x1  }
0x142: {  	v3 =	vand.u32 $0x7, v3;
	v4 =	vand.u32 $0xFFFFFFF0, v15  }
0x143: {  	v3 =	vor.u32 v3, v4  }
0x144: {  	v4 =	vperm.xlane v3, v0;
	_ =	sdelay $0x1  }
0x145: {  	v3 =	vperm.xlane v3, v2;
	v4 =	vadd.s32 v1, v4;
	_ =	sdelay $0x1  }
0x146: {  	v3 =	vadd.s32 v1, v3;
	_ =	sdelay $0x1  }
0x147: {  	s23 =	simm.s32 $0xF200  }
0x148: {  	[tilespmem:s23], [sflag:$0x1] =	stream.indirect_vreg.gather [hbm4b:s29+s5], $0x80, v4, vm0, $0xb8;
	[tilespmem:$0x10600] =	vst v63  }
0x149: {  	s24 =	simm.s32 $0xFA00  }
0x14a: {  	[tilespmem:s24], [sflag:$0x1] =	stream.indirect_vreg.gather [hbm4b:s29+s5], $0x80, v3, vm0, $0xb8;
	[tilespmem:$0x10600] =	vst v63  }
0x14b: {  	_ =	swait.ge [sflag:s20], $0x8000  }
0x14c: {  	[sflag:s20] =	ssyncset.done $0x0  }
0x14d: {  	[sflag:s20] =	ssyncadd.s32 $0xFFFF8000  }
0x14e: {  	v3 =	vld [tilespmem:$0x100];
	_ =	sdelay $0x4  }
0x14f: {  	v16 =	vshll.u32 v3, $0x3  }
0x150: {  	v3 =	vand.u32 $0x7, v3;
	v4 =	vand.u32 $0xFFFFFFC0, v16  }
0x151: {  	v3 =	vor.u32 v3, v4  }
0x152: {  	v4 =	vperm.xlane v3, v0;
	_ =	sdelay $0x1  }
0x153: {  	v3 =	vperm.xlane v3, v2;
	v4 =	vadd.s32 v1, v4;
	_ =	sdelay $0x1  }
0x154: {  	v3 =	vadd.s32 v1, v3;
	_ =	sdelay $0x2  }
0x155: {  	[hbm4b:s7+s5] =	stream.indirect_vreg.scatter [tilespmem:s30], [sflag:$0x2], $0x80, v4, vm0, $0xb8;
	[tilespmem:$0x10600] =	vst v63  }
0x156: {  	_ = 	snop  }
0x157: {  	[hbm4b:s7+s5] =	stream.indirect_vreg.scatter [tilespmem:s31], [sflag:$0x2], $0x80, v3, vm0, $0xb8;
	[tilespmem:$0x10600] =	vst v63  }
0x158: {  	v3 =	vld [tilespmem:$0x110];
	_ =	sdelay $0x4  }
0x159: {  	v17 =	vshll.u32 v3, $0x3  }
0x15a: {  	v3 =	vand.u32 $0x7, v3;
	v4 =	vand.u32 $0xFFFFFFC0, v17  }
0x15b: {  	v3 =	vor.u32 v3, v4  }
0x15c: {  	v4 =	vperm.xlane v3, v0;
	_ =	sdelay $0x1  }
0x15d: {  	v3 =	vperm.xlane v3, v2;
	v4 =	vadd.s32 v1, v4;
	_ =	sdelay $0x1  }
0x15e: {  	v3 =	vadd.s32 v1, v3;
	_ =	sdelay $0x1  }
0x15f: {  	s29 =	simm.s32 $0x9200  }
0x160: {  	[hbm4b:s7+s5] =	stream.indirect_vreg.scatter [tilespmem:s29], [sflag:$0x2], $0x80, v4, vm0, $0xb8;
	[tilespmem:$0x10600] =	vst v63  }
0x161: {  	s1 =	simm.s32 $0x9A00  }
0x162: {  	[hbm4b:s7+s5] =	stream.indirect_vreg.scatter [tilespmem:s1], [sflag:$0x2], $0x80, v3, vm0, $0xb8;
	[tilespmem:$0x10600] =	vst v63  }
0x163: {  	v3 =	vld [tilespmem:$0x120];
	_ =	sdelay $0x4  }
0x164: {  	v18 =	vshll.u32 v3, $0x3  }
0x165: {  	v3 =	vand.u32 $0x7, v3;
	v4 =	vand.u32 $0xFFFFFFC0, v18  }
0x166: {  	v3 =	vor.u32 v3, v4  }
0x167: {  	v4 =	vperm.xlane v3, v0;
	_ =	sdelay $0x1  }
0x168: {  	v3 =	vperm.xlane v3, v2;
	v4 =	vadd.s32 v1, v4;
	_ =	sdelay $0x1  }
0x169: {  	v3 =	vadd.s32 v1, v3;
	_ =	sdelay $0x1  }
0x16a: {  	s3 =	simm.s32 $0xA200  }
0x16b: {  	[hbm4b:s7+s5] =	stream.indirect_vreg.scatter [tilespmem:s3], [sflag:$0x2], $0x80, v4, vm0, $0xb8;
	[tilespmem:$0x10600] =	vst v63  }
0x16c: {  	s4 =	simm.s32 $0xAA00  }
0x16d: {  	[hbm4b:s7+s5] =	stream.indirect_vreg.scatter [tilespmem:s4], [sflag:$0x2], $0x80, v3, vm0, $0xb8;
	[tilespmem:$0x10600] =	vst v63  }
0x16e: {  	v3 =	vld [tilespmem:$0x130];
	_ =	sdelay $0x4  }
0x16f: {  	v19 =	vshll.u32 v3, $0x3  }
0x170: {  	v3 =	vand.u32 $0x7, v3;
	v4 =	vand.u32 $0xFFFFFFC0, v19  }
0x171: {  	v3 =	vor.u32 v3, v4  }
0x172: {  	v4 =	vperm.xlane v3, v0;
	_ =	sdelay $0x1  }
0x173: {  	v3 =	vperm.xlane v3, v2;
	v4 =	vadd.s32 v1, v4;
	_ =	sdelay $0x1  }
0x174: {  	v3 =	vadd.s32 v1, v3;
	_ =	sdelay $0x1  }
0x175: {  	s10 =	simm.s32 $0xB200  }
0x176: {  	[hbm4b:s7+s5] =	stream.indirect_vreg.scatter [tilespmem:s10], [sflag:$0x2], $0x80, v4, vm0, $0xb8;
	[tilespmem:$0x10600] =	vst v63  }
0x177: {  	s11 =	simm.s32 $0xBA00  }
0x178: {  	[hbm4b:s7+s5] =	stream.indirect_vreg.scatter [tilespmem:s11], [sflag:$0x2], $0x80, v3, vm0, $0xb8;
	[tilespmem:$0x10600] =	vst v63  }
0x179: {  	v3 =	vld [tilespmem:$0x140];
	_ =	sdelay $0x4  }
0x17a: {  	v20 =	vshll.u32 v3, $0x3  }
0x17b: {  	v3 =	vand.u32 $0x7, v3;
	v4 =	vand.u32 $0xFFFFFFC0, v20  }
0x17c: {  	v3 =	vor.u32 v3, v4  }
0x17d: {  	v4 =	vperm.xlane v3, v0;
	_ =	sdelay $0x1  }
0x17e: {  	v3 =	vperm.xlane v3, v2;
	v4 =	vadd.s32 v1, v4;
	_ =	sdelay $0x1  }
0x17f: {  	v3 =	vadd.s32 v1, v3;
	_ =	sdelay $0x1  }
0x180: {  	s13 =	simm.s32 $0xC200  }
0x181: {  	[hbm4b:s7+s5] =	stream.indirect_vreg.scatter [tilespmem:s13], [sflag:$0x2], $0x80, v4, vm0, $0xb8;
	[tilespmem:$0x10600] =	vst v63  }
0x182: {  	s14 =	simm.s32 $0xCA00  }
0x183: {  	[hbm4b:s7+s5] =	stream.indirect_vreg.scatter [tilespmem:s14], [sflag:$0x2], $0x80, v3, vm0, $0xb8;
	[tilespmem:$0x10600] =	vst v63  }
0x184: {  	v3 =	vld [tilespmem:$0x150];
	_ =	sdelay $0x4  }
0x185: {  	v21 =	vshll.u32 v3, $0x3  }
0x186: {  	v3 =	vand.u32 $0x7, v3;
	v4 =	vand.u32 $0xFFFFFFC0, v21  }
0x187: {  	v3 =	vor.u32 v3, v4  }
0x188: {  	v4 =	vperm.xlane v3, v0;
	_ =	sdelay $0x1  }
0x189: {  	v3 =	vperm.xlane v3, v2;
	v4 =	vadd.s32 v1, v4;
	_ =	sdelay $0x1  }
0x18a: {  	v3 =	vadd.s32 v1, v3;
	_ =	sdelay $0x1  }
0x18b: {  	s18 =	simm.s32 $0xD200  }
0x18c: {  	[hbm4b:s7+s5] =	stream.indirect_vreg.scatter [tilespmem:s18], [sflag:$0x2], $0x80, v4, vm0, $0xb8;
	[tilespmem:$0x10600] =	vst v63  }
0x18d: {  	s25 =	simm.s32 $0xDA00  }
0x18e: {  	[hbm4b:s7+s5] =	stream.indirect_vreg.scatter [tilespmem:s25], [sflag:$0x2], $0x80, v3, vm0, $0xb8;
	[tilespmem:$0x10600] =	vst v63  }
0x18f: {  	v3 =	vld [tilespmem:$0x160];
	_ =	sdelay $0x4  }
0x190: {  	v22 =	vshll.u32 v3, $0x3  }
0x191: {  	v3 =	vand.u32 $0x7, v3;
	v4 =	vand.u32 $0xFFFFFFC0, v22  }
0x192: {  	v3 =	vor.u32 v3, v4  }
0x193: {  	v4 =	vperm.xlane v3, v0;
	_ =	sdelay $0x1  }
0x194: {  	v3 =	vperm.xlane v3, v2;
	v4 =	vadd.s32 v1, v4;
	_ =	sdelay $0x1  }
0x195: {  	v3 =	vadd.s32 v1, v3;
	_ =	sdelay $0x2  }
0x196: {  	[hbm4b:s7+s5] =	stream.indirect_vreg.scatter [tilespmem:s21], [sflag:$0x2], $0x80, v4, vm0, $0xb8;
	[tilespmem:$0x10600] =	vst v63  }
0x197: {  	_ = 	snop  }
0x198: {  	[hbm4b:s7+s5] =	stream.indirect_vreg.scatter [tilespmem:s22], [sflag:$0x2], $0x80, v3, vm0, $0xb8;
	[tilespmem:$0x10600] =	vst v63  }
0x199: {  	v3 =	vld [tilespmem:$0x170];
	_ =	sdelay $0x4  }
0x19a: {  	v23 =	vshll.u32 v3, $0x3  }
0x19b: {  	v3 =	vand.u32 $0x7, v3;
	v4 =	vand.u32 $0xFFFFFFC0, v23  }
0x19c: {  	v3 =	vor.u32 v3, v4  }
0x19d: {  	v4 =	vperm.xlane v3, v0;
	_ =	sdelay $0x1  }
0x19e: {  	v3 =	vperm.xlane v3, v2;
	v4 =	vadd.s32 v1, v4;
	_ =	sdelay $0x1  }
0x19f: {  	v3 =	vadd.s32 v1, v3;
	_ =	sdelay $0x2  }
0x1a0: {  	[hbm4b:s7+s5] =	stream.indirect_vreg.scatter [tilespmem:s23], [sflag:$0x2], $0x80, v4, vm0, $0xb8;
	[tilespmem:$0x10600] =	vst v63  }
0x1a1: {  	_ = 	snop  }
0x1a2: {  	[hbm4b:s7+s5] =	stream.indirect_vreg.scatter [tilespmem:s24], [sflag:$0x2], $0x80, v3, vm0, $0xb8;
	[tilespmem:$0x10600] =	vst v63  }
0x1a3: {  	v3 =	vld [tilespmem:$0x180];
	_ =	sdelay $0x4  }
0x1a4: {  	v24 =	vshll.u32 v3, $0x3  }
0x1a5: {  	v3 =	vand.u32 $0x7, v3;
	v4 =	vand.u32 $0xFFFFFFC0, v24  }
0x1a6: {  	v3 =	vor.u32 v3, v4  }
0x1a7: {  	v4 =	vperm.xlane v3, v0;
	_ =	sdelay $0x1  }
0x1a8: {  	v3 =	vperm.xlane v3, v2;
	v4 =	vadd.s32 v1, v4;
	_ =	sdelay $0x1  }
0x1a9: {  	v3 =	vadd.s32 v1, v3;
	_ =	sdelay $0x2  }
0x1aa: {  	[hbm4b:s8+s5] =	stream.indirect_vreg.scatter [tilespmem:s30], [sflag:$0x2], $0x80, v4, vm0, $0xb8;
	[tilespmem:$0x10600] =	vst v63  }
0x1ab: {  	_ = 	snop  }
0x1ac: {  	[hbm4b:s8+s5] =	stream.indirect_vreg.scatter [tilespmem:s31], [sflag:$0x2], $0x80, v3, vm0, $0xb8;
	[tilespmem:$0x10600] =	vst v63  }
0x1ad: {  	v3 =	vld [tilespmem:$0x190];
	_ =	sdelay $0x4  }
0x1ae: {  	v25 =	vshll.u32 v3, $0x3  }
0x1af: {  	v3 =	vand.u32 $0x7, v3;
	v4 =	vand.u32 $0xFFFFFFC0, v25  }
0x1b0: {  	v3 =	vor.u32 v3, v4  }
0x1b1: {  	v4 =	vperm.xlane v3, v0;
	_ =	sdelay $0x1  }
0x1b2: {  	v3 =	vperm.xlane v3, v2;
	v4 =	vadd.s32 v1, v4;
	_ =	sdelay $0x1  }
0x1b3: {  	v3 =	vadd.s32 v1, v3;
	_ =	sdelay $0x2  }
0x1b4: {  	[hbm4b:s8+s5] =	stream.indirect_vreg.scatter [tilespmem:s29], [sflag:$0x2], $0x80, v4, vm0, $0xb8;
	[tilespmem:$0x10600] =	vst v63  }
0x1b5: {  	_ = 	snop  }
0x1b6: {  	[hbm4b:s8+s5] =	stream.indirect_vreg.scatter [tilespmem:s1], [sflag:$0x2], $0x80, v3, vm0, $0xb8;
	[tilespmem:$0x10600] =	vst v63  }
0x1b7: {  	v3 =	vld [tilespmem:$0x1A0];
	_ =	sdelay $0x4  }
0x1b8: {  	v26 =	vshll.u32 v3, $0x3  }
0x1b9: {  	v3 =	vand.u32 $0x7, v3;
	v4 =	vand.u32 $0xFFFFFFC0, v26  }
0x1ba: {  	v3 =	vor.u32 v3, v4  }
0x1bb: {  	v4 =	vperm.xlane v3, v0;
	_ =	sdelay $0x1  }
0x1bc: {  	v3 =	vperm.xlane v3, v2;
	v4 =	vadd.s32 v1, v4;
	_ =	sdelay $0x1  }
0x1bd: {  	v3 =	vadd.s32 v1, v3;
	_ =	sdelay $0x2  }
0x1be: {  	[hbm4b:s8+s5] =	stream.indirect_vreg.scatter [tilespmem:s3], [sflag:$0x2], $0x80, v4, vm0, $0xb8;
	[tilespmem:$0x10600] =	vst v63  }
0x1bf: {  	_ = 	snop  }
0x1c0: {  	[hbm4b:s8+s5] =	stream.indirect_vreg.scatter [tilespmem:s4], [sflag:$0x2], $0x80, v3, vm0, $0xb8;
	[tilespmem:$0x10600] =	vst v63  }
0x1c1: {  	v3 =	vld [tilespmem:$0x1B0];
	_ =	sdelay $0x4  }
0x1c2: {  	v27 =	vshll.u32 v3, $0x3  }
0x1c3: {  	v3 =	vand.u32 $0x7, v3;
	v4 =	vand.u32 $0xFFFFFFC0, v27  }
0x1c4: {  	v3 =	vor.u32 v3, v4  }
0x1c5: {  	v4 =	vperm.xlane v3, v0;
	_ =	sdelay $0x1  }
0x1c6: {  	v3 =	vperm.xlane v3, v2;
	v4 =	vadd.s32 v1, v4;
	_ =	sdelay $0x1  }
0x1c7: {  	v3 =	vadd.s32 v1, v3;
	_ =	sdelay $0x2  }
0x1c8: {  	[hbm4b:s8+s5] =	stream.indirect_vreg.scatter [tilespmem:s10], [sflag:$0x2], $0x80, v4, vm0, $0xb8;
	[tilespmem:$0x10600] =	vst v63  }
0x1c9: {  	_ = 	snop  }
0x1ca: {  	[hbm4b:s8+s5] =	stream.indirect_vreg.scatter [tilespmem:s11], [sflag:$0x2], $0x80, v3, vm0, $0xb8;
	[tilespmem:$0x10600] =	vst v63  }
0x1cb: {  	v3 =	vld [tilespmem:$0x1C0];
	_ =	sdelay $0x4  }
0x1cc: {  	v28 =	vshll.u32 v3, $0x3  }
0x1cd: {  	v3 =	vand.u32 $0x7, v3;
	v4 =	vand.u32 $0xFFFFFFC0, v28  }
0x1ce: {  	v3 =	vor.u32 v3, v4  }
0x1cf: {  	v4 =	vperm.xlane v3, v0;
	_ =	sdelay $0x1  }
0x1d0: {  	v3 =	vperm.xlane v3, v2;
	v4 =	vadd.s32 v1, v4;
	_ =	sdelay $0x1  }
0x1d1: {  	v3 =	vadd.s32 v1, v3;
	_ =	sdelay $0x2  }
0x1d2: {  	[hbm4b:s8+s5] =	stream.indirect_vreg.scatter [tilespmem:s13], [sflag:$0x2], $0x80, v4, vm0, $0xb8;
	[tilespmem:$0x10600] =	vst v63  }
0x1d3: {  	_ = 	snop  }
0x1d4: {  	[hbm4b:s8+s5] =	stream.indirect_vreg.scatter [tilespmem:s14], [sflag:$0x2], $0x80, v3, vm0, $0xb8;
	[tilespmem:$0x10600] =	vst v63  }
0x1d5: {  	v3 =	vld [tilespmem:$0x1D0];
	_ =	sdelay $0x4  }
0x1d6: {  	v29 =	vshll.u32 v3, $0x3  }
0x1d7: {  	v3 =	vand.u32 $0x7, v3;
	v4 =	vand.u32 $0xFFFFFFC0, v29  }
0x1d8: {  	v3 =	vor.u32 v3, v4  }
0x1d9: {  	v4 =	vperm.xlane v3, v0;
	_ =	sdelay $0x1  }
0x1da: {  	v3 =	vperm.xlane v3, v2;
	v4 =	vadd.s32 v1, v4;
	_ =	sdelay $0x1  }
0x1db: {  	v3 =	vadd.s32 v1, v3;
	_ =	sdelay $0x2  }
0x1dc: {  	[hbm4b:s8+s5] =	stream.indirect_vreg.scatter [tilespmem:s18], [sflag:$0x2], $0x80, v4, vm0, $0xb8;
	[tilespmem:$0x10600] =	vst v63  }
0x1dd: {  	_ = 	snop  }
0x1de: {  	[hbm4b:s8+s5] =	stream.indirect_vreg.scatter [tilespmem:s25], [sflag:$0x2], $0x80, v3, vm0, $0xb8;
	[tilespmem:$0x10600] =	vst v63  }
0x1df: {  	v3 =	vld [tilespmem:$0x1E0];
	_ =	sdelay $0x4  }
0x1e0: {  	v30 =	vshll.u32 v3, $0x3  }
0x1e1: {  	v3 =	vand.u32 $0x7, v3;
	v4 =	vand.u32 $0xFFFFFFC0, v30  }
0x1e2: {  	v3 =	vor.u32 v3, v4  }
0x1e3: {  	v4 =	vperm.xlane v3, v0;
	_ =	sdelay $0x1  }
0x1e4: {  	v3 =	vperm.xlane v3, v2;
	v4 =	vadd.s32 v1, v4;
	_ =	sdelay $0x1  }
0x1e5: {  	v3 =	vadd.s32 v1, v3;
	_ =	sdelay $0x2  }
0x1e6: {  	[hbm4b:s8+s5] =	stream.indirect_vreg.scatter [tilespmem:s21], [sflag:$0x2], $0x80, v4, vm0, $0xb8;
	[tilespmem:$0x10600] =	vst v63  }
0x1e7: {  	_ = 	snop  }
0x1e8: {  	[hbm4b:s8+s5] =	stream.indirect_vreg.scatter [tilespmem:s22], [sflag:$0x2], $0x80, v3, vm0, $0xb8;
	[tilespmem:$0x10600] =	vst v63  }
0x1e9: {  	v3 =	vld [tilespmem:$0x1F0];
	_ =	sdelay $0x4  }
0x1ea: {  	v31 =	vshll.u32 v3, $0x3  }
0x1eb: {  	v3 =	vand.u32 $0x7, v3;
	v4 =	vand.u32 $0xFFFFFFC0, v31  }
0x1ec: {  	v3 =	vor.u32 v3, v4  }
0x1ed: {  	v4 =	vperm.xlane v3, v0;
	_ =	sdelay $0x1  }
0x1ee: {  	v3 =	vperm.xlane v3, v2;
	v4 =	vadd.s32 v1, v4;
	_ =	sdelay $0x1  }
0x1ef: {  	v3 =	vadd.s32 v1, v3;
	_ =	sdelay $0x2  }
0x1f0: {  	[hbm4b:s8+s5] =	stream.indirect_vreg.scatter [tilespmem:s23], [sflag:$0x2], $0x80, v4, vm0, $0xb8;
	[tilespmem:$0x10600] =	vst v63  }
0x1f1: {  	s0 =	simm.s32 $0x2  }
0x1f2: {  	[hbm4b:s8+s5] =	stream.indirect_vreg.scatter [tilespmem:s24], [sflag:$0x2], $0x80, v3, vm0, $0xb8;
	[tilespmem:$0x10600] =	vst v63  }
0x1f3: {  	_ =	swait.ge [sflag:s0], $0x8000  }
0x1f4: {  	[sflag:s0] =	ssyncset.done $0x0  }
0x1f5: {  	s3 =	rddreg [dreg:$0x13];
	[sflag:s0] =	ssyncadd.s32 $0xFFFF8000  }
0x1f6: {  	[tilespmem:s5], [sflag:$0x3] =	stream.linear.gather [hbm4b:s3+s5], $0x80, $0x38;
	[tilespmem:$0x10600] =	vst v63  }
0x1f7: {  	_ =	swait.ge [sflag:s12], $0x80  }
0x1f8: {  	[sflag:s12] =	ssyncset.done $0x0  }
0x1f9: {  	[sflag:s12] =	ssyncadd.s32 $0xFFFFFF80  }
0x1fa: {  	v3 =	vld [tilespmem:$0x0];
	_ =	sdelay $0x4  }
0x1fb: {  	v32 =	vshll.u32 v3, $0x1  }
0x1fc: {  	v3 =	vand.u32 $0x7, v3;
	v4 =	vand.u32 $0xFFFFFFF0, v32  }
0x1fd: {  	v3 =	vor.u32 v3, v4  }
0x1fe: {  	v4 =	vperm.xlane v3, v0;
	_ =	sdelay $0x1  }
0x1ff: {  	v3 =	vperm.xlane v3, v2;
	v4 =	vadd.s32 v1, v4;
	_ =	sdelay $0x1  }
0x200: {  	v3 =	vadd.s32 v1, v3;
	_ =	sdelay $0x1  }
0x201: {  	s29 =	simm.s32 $0x200  }
0x202: {  	[tilespmem:s29], [sflag:$0x1] =	stream.indirect_vreg.gather [hbm4b:s2+s5], $0x80, v4, vm0, $0xb8;
	[tilespmem:$0x10600] =	vst v63  }
0x203: {  	s17 =	simm.s32 $0xA00  }
0x204: {  	[tilespmem:s17], [sflag:$0x1] =	stream.indirect_vreg.gather [hbm4b:s2+s5], $0x80, v3, vm0, $0xb8;
	[tilespmem:$0x10600] =	vst v63  }
0x205: {  	v3 =	vld [tilespmem:$0x10];
	_ =	sdelay $0x4  }
0x206: {  	v33 =	vshll.u32 v3, $0x1  }
0x207: {  	v3 =	vand.u32 $0x7, v3;
	v4 =	vand.u32 $0xFFFFFFF0, v33  }
0x208: {  	v3 =	vor.u32 v3, v4  }
0x209: {  	v4 =	vperm.xlane v3, v0;
	_ =	sdelay $0x1  }
0x20a: {  	v3 =	vperm.xlane v3, v2;
	v4 =	vadd.s32 v1, v4;
	_ =	sdelay $0x1  }
0x20b: {  	v3 =	vadd.s32 v1, v3;
	_ =	sdelay $0x1  }
0x20c: {  	s18 =	simm.s32 $0x1200  }
0x20d: {  	[tilespmem:s18], [sflag:$0x1] =	stream.indirect_vreg.gather [hbm4b:s2+s5], $0x80, v4, vm0, $0xb8;
	[tilespmem:$0x10600] =	vst v63  }
0x20e: {  	_ = 	snop  }
0x20f: {  	[tilespmem:s28], [sflag:$0x1] =	stream.indirect_vreg.gather [hbm4b:s2+s5], $0x80, v3, vm0, $0xb8;
	[tilespmem:$0x10600] =	vst v63  }
0x210: {  	v3 =	vld [tilespmem:$0x20];
	_ =	sdelay $0x4  }
0x211: {  	v34 =	vshll.u32 v3, $0x1  }
0x212: {  	v3 =	vand.u32 $0x7, v3;
	v4 =	vand.u32 $0xFFFFFFF0, v34  }
0x213: {  	v3 =	vor.u32 v3, v4  }
0x214: {  	v4 =	vperm.xlane v3, v0;
	_ =	sdelay $0x1  }
0x215: {  	v3 =	vperm.xlane v3, v2;
	v4 =	vadd.s32 v1, v4;
	_ =	sdelay $0x1  }
0x216: {  	v3 =	vadd.s32 v1, v3;
	_ =	sdelay $0x1  }
0x217: {  	s10 =	simm.s32 $0x2200  }
0x218: {  	[tilespmem:s10], [sflag:$0x1] =	stream.indirect_vreg.gather [hbm4b:s2+s5], $0x80, v4, vm0, $0xb8;
	[tilespmem:$0x10600] =	vst v63  }
0x219: {  	s11 =	simm.s32 $0x2A00  }
0x21a: {  	[tilespmem:s11], [sflag:$0x1] =	stream.indirect_vreg.gather [hbm4b:s2+s5], $0x80, v3, vm0, $0xb8;
	[tilespmem:$0x10600] =	vst v63  }
0x21b: {  	v3 =	vld [tilespmem:$0x30];
	_ =	sdelay $0x4  }
0x21c: {  	v35 =	vshll.u32 v3, $0x1  }
0x21d: {  	v3 =	vand.u32 $0x7, v3;
	v4 =	vand.u32 $0xFFFFFFF0, v35  }
0x21e: {  	v3 =	vor.u32 v3, v4  }
0x21f: {  	v4 =	vperm.xlane v3, v0;
	_ =	sdelay $0x1  }
0x220: {  	v3 =	vperm.xlane v3, v2;
	v4 =	vadd.s32 v1, v4;
	_ =	sdelay $0x1  }
0x221: {  	v3 =	vadd.s32 v1, v3;
	_ =	sdelay $0x1  }
0x222: {  	s25 =	simm.s32 $0x3200  }
0x223: {  	[tilespmem:s25], [sflag:$0x1] =	stream.indirect_vreg.gather [hbm4b:s2+s5], $0x80, v4, vm0, $0xb8;
	[tilespmem:$0x10600] =	vst v63  }
0x224: {  	s13 =	simm.s32 $0x3A00  }
0x225: {  	[tilespmem:s13], [sflag:$0x1] =	stream.indirect_vreg.gather [hbm4b:s2+s5], $0x80, v3, vm0, $0xb8;
	[tilespmem:$0x10600] =	vst v63  }
0x226: {  	v3 =	vld [tilespmem:$0x40];
	_ =	sdelay $0x4  }
0x227: {  	v36 =	vshll.u32 v3, $0x1  }
0x228: {  	v3 =	vand.u32 $0x7, v3;
	v4 =	vand.u32 $0xFFFFFFF0, v36  }
0x229: {  	v3 =	vor.u32 v3, v4  }
0x22a: {  	v4 =	vperm.xlane v3, v0;
	_ =	sdelay $0x1  }
0x22b: {  	v3 =	vperm.xlane v3, v2;
	v4 =	vadd.s32 v1, v4;
	_ =	sdelay $0x1  }
0x22c: {  	v3 =	vadd.s32 v1, v3;
	_ =	sdelay $0x2  }
0x22d: {  	[tilespmem:s26], [sflag:$0x1] =	stream.indirect_vreg.gather [hbm4b:s2+s5], $0x80, v4, vm0, $0xb8;
	[tilespmem:$0x10600] =	vst v63  }
0x22e: {  	s14 =	simm.s32 $0x4A00  }
0x22f: {  	[tilespmem:s14], [sflag:$0x1] =	stream.indirect_vreg.gather [hbm4b:s2+s5], $0x80, v3, vm0, $0xb8;
	[tilespmem:$0x10600] =	vst v63  }
0x230: {  	v3 =	vld [tilespmem:$0x50];
	_ =	sdelay $0x4  }
0x231: {  	v37 =	vshll.u32 v3, $0x1  }
0x232: {  	v3 =	vand.u32 $0x7, v3;
	v4 =	vand.u32 $0xFFFFFFF0, v37  }
0x233: {  	v3 =	vor.u32 v3, v4  }
0x234: {  	v4 =	vperm.xlane v3, v0;
	_ =	sdelay $0x1  }
0x235: {  	v3 =	vperm.xlane v3, v2;
	v4 =	vadd.s32 v1, v4;
	_ =	sdelay $0x1  }
0x236: {  	v3 =	vadd.s32 v1, v3;
	_ =	sdelay $0x1  }
0x237: {  	s1 =	simm.s32 $0x5200  }
0x238: {  	[tilespmem:s1], [sflag:$0x1] =	stream.indirect_vreg.gather [hbm4b:s2+s5], $0x80, v4, vm0, $0xb8;
	[tilespmem:$0x10600] =	vst v63  }
0x239: {  	s15 =	simm.s32 $0x5A00  }
0x23a: {  	[tilespmem:s15], [sflag:$0x1] =	stream.indirect_vreg.gather [hbm4b:s2+s5], $0x80, v3, vm0, $0xb8;
	[tilespmem:$0x10600] =	vst v63  }
0x23b: {  	v3 =	vld [tilespmem:$0x60];
	_ =	sdelay $0x4  }
0x23c: {  	v38 =	vshll.u32 v3, $0x1  }
0x23d: {  	v3 =	vand.u32 $0x7, v3;
	v4 =	vand.u32 $0xFFFFFFF0, v38  }
0x23e: {  	v3 =	vor.u32 v3, v4  }
0x23f: {  	v4 =	vperm.xlane v3, v0;
	_ =	sdelay $0x1  }
0x240: {  	v3 =	vperm.xlane v3, v2;
	v4 =	vadd.s32 v1, v4;
	_ =	sdelay $0x1  }
0x241: {  	v3 =	vadd.s32 v1, v3;
	_ =	sdelay $0x1  }
0x242: {  	s3 =	simm.s32 $0x6200  }
0x243: {  	[tilespmem:s3], [sflag:$0x1] =	stream.indirect_vreg.gather [hbm4b:s2+s5], $0x80, v4, vm0, $0xb8;
	[tilespmem:$0x10600] =	vst v63  }
0x244: {  	s16 =	simm.s32 $0x6A00  }
0x245: {  	[tilespmem:s16], [sflag:$0x1] =	stream.indirect_vreg.gather [hbm4b:s2+s5], $0x80, v3, vm0, $0xb8;
	[tilespmem:$0x10600] =	vst v63  }
0x246: {  	v3 =	vld [tilespmem:$0x70];
	_ =	sdelay $0x4  }
0x247: {  	v39 =	vshll.u32 v3, $0x1  }
0x248: {  	v3 =	vand.u32 $0x7, v3;
	v4 =	vand.u32 $0xFFFFFFF0, v39  }
0x249: {  	v3 =	vor.u32 v3, v4  }
0x24a: {  	v4 =	vperm.xlane v3, v0;
	_ =	sdelay $0x1  }
0x24b: {  	v3 =	vperm.xlane v3, v2;
	v4 =	vadd.s32 v1, v4;
	_ =	sdelay $0x1  }
0x24c: {  	v3 =	vadd.s32 v1, v3;
	_ =	sdelay $0x1  }
0x24d: {  	s4 =	simm.s32 $0x7200  }
0x24e: {  	[tilespmem:s4], [sflag:$0x1] =	stream.indirect_vreg.gather [hbm4b:s2+s5], $0x80, v4, vm0, $0xb8;
	[tilespmem:$0x10600] =	vst v63  }
0x24f: {  	_ = 	snop  }
0x250: {  	[tilespmem:s19], [sflag:$0x1] =	stream.indirect_vreg.gather [hbm4b:s2+s5], $0x80, v3, vm0, $0xb8;
	[tilespmem:$0x10600] =	vst v63  }
0x251: {  	_ =	swait.ge [sflag:s20], $0x8000  }
0x252: {  	[sflag:s20] =	ssyncset.done $0x0  }
0x253: {  	[sflag:s20] =	ssyncadd.s32 $0xFFFF8000  }
0x254: {  	v3 =	vld [tilespmem:$0x100];
	_ =	sdelay $0x4  }
0x255: {  	v40 =	vshll.u32 v3, $0x3  }
0x256: {  	v3 =	vand.u32 $0x7, v3;
	v4 =	vand.u32 $0xFFFFFFC0, v40  }
0x257: {  	v3 =	vor.u32 v3, v4  }
0x258: {  	v4 =	vperm.xlane v3, v0;
	_ =	sdelay $0x1  }
0x259: {  	v3 =	vperm.xlane v3, v2;
	v4 =	vadd.s32 v1, v4;
	_ =	sdelay $0x1  }
0x25a: {  	v3 =	vadd.s32 v1, v3;
	_ =	sdelay $0x2  }
0x25b: {  	[hbm4b:s8+s5] =	stream.indirect_vreg.scatter [tilespmem:s29], [sflag:$0x2], $0x80, v4, vm0, $0xb8;
	[tilespmem:$0x10600] =	vst v63  }
0x25c: {  	_ = 	snop  }
0x25d: {  	[hbm4b:s8+s5] =	stream.indirect_vreg.scatter [tilespmem:s17], [sflag:$0x2], $0x80, v3, vm0, $0xb8;
	[tilespmem:$0x10600] =	vst v63  }
0x25e: {  	v3 =	vld [tilespmem:$0x110];
	_ =	sdelay $0x4  }
0x25f: {  	v41 =	vshll.u32 v3, $0x3  }
0x260: {  	v3 =	vand.u32 $0x7, v3;
	v4 =	vand.u32 $0xFFFFFFC0, v41  }
0x261: {  	v3 =	vor.u32 v3, v4  }
0x262: {  	v4 =	vperm.xlane v3, v0;
	_ =	sdelay $0x1  }
0x263: {  	v3 =	vperm.xlane v3, v2;
	v4 =	vadd.s32 v1, v4;
	_ =	sdelay $0x1  }
0x264: {  	v3 =	vadd.s32 v1, v3;
	_ =	sdelay $0x2  }
0x265: {  	[hbm4b:s8+s5] =	stream.indirect_vreg.scatter [tilespmem:s18], [sflag:$0x2], $0x80, v4, vm0, $0xb8;
	[tilespmem:$0x10600] =	vst v63  }
0x266: {  	_ = 	snop  }
0x267: {  	[hbm4b:s8+s5] =	stream.indirect_vreg.scatter [tilespmem:s28], [sflag:$0x2], $0x80, v3, vm0, $0xb8;
	[tilespmem:$0x10600] =	vst v63  }
0x268: {  	v3 =	vld [tilespmem:$0x120];
	_ =	sdelay $0x4  }
0x269: {  	v42 =	vshll.u32 v3, $0x3  }
0x26a: {  	v3 =	vand.u32 $0x7, v3;
	v4 =	vand.u32 $0xFFFFFFC0, v42  }
0x26b: {  	v3 =	vor.u32 v3, v4  }
0x26c: {  	v4 =	vperm.xlane v3, v0;
	_ =	sdelay $0x1  }
0x26d: {  	v3 =	vperm.xlane v3, v2;
	v4 =	vadd.s32 v1, v4;
	_ =	sdelay $0x1  }
0x26e: {  	v3 =	vadd.s32 v1, v3;
	_ =	sdelay $0x2  }
0x26f: {  	[hbm4b:s8+s5] =	stream.indirect_vreg.scatter [tilespmem:s10], [sflag:$0x2], $0x80, v4, vm0, $0xb8;
	[tilespmem:$0x10600] =	vst v63  }
0x270: {  	_ = 	snop  }
0x271: {  	[hbm4b:s8+s5] =	stream.indirect_vreg.scatter [tilespmem:s11], [sflag:$0x2], $0x80, v3, vm0, $0xb8;
	[tilespmem:$0x10600] =	vst v63  }
0x272: {  	v3 =	vld [tilespmem:$0x130];
	_ =	sdelay $0x4  }
0x273: {  	v43 =	vshll.u32 v3, $0x3  }
0x274: {  	v3 =	vand.u32 $0x7, v3;
	v4 =	vand.u32 $0xFFFFFFC0, v43  }
0x275: {  	v3 =	vor.u32 v3, v4  }
0x276: {  	v4 =	vperm.xlane v3, v0;
	_ =	sdelay $0x1  }
0x277: {  	v3 =	vperm.xlane v3, v2;
	v4 =	vadd.s32 v1, v4;
	_ =	sdelay $0x1  }
0x278: {  	v3 =	vadd.s32 v1, v3;
	_ =	sdelay $0x2  }
0x279: {  	[hbm4b:s8+s5] =	stream.indirect_vreg.scatter [tilespmem:s25], [sflag:$0x2], $0x80, v4, vm0, $0xb8;
	[tilespmem:$0x10600] =	vst v63  }
0x27a: {  	_ = 	snop  }
0x27b: {  	[hbm4b:s8+s5] =	stream.indirect_vreg.scatter [tilespmem:s13], [sflag:$0x2], $0x80, v3, vm0, $0xb8;
	[tilespmem:$0x10600] =	vst v63  }
0x27c: {  	v3 =	vld [tilespmem:$0x140];
	_ =	sdelay $0x4  }
0x27d: {  	v44 =	vshll.u32 v3, $0x3  }
0x27e: {  	v3 =	vand.u32 $0x7, v3;
	v4 =	vand.u32 $0xFFFFFFC0, v44  }
0x27f: {  	v3 =	vor.u32 v3, v4  }
0x280: {  	v4 =	vperm.xlane v3, v0;
	_ =	sdelay $0x1  }
0x281: {  	v3 =	vperm.xlane v3, v2;
	v4 =	vadd.s32 v1, v4;
	_ =	sdelay $0x1  }
0x282: {  	v3 =	vadd.s32 v1, v3;
	_ =	sdelay $0x2  }
0x283: {  	[hbm4b:s8+s5] =	stream.indirect_vreg.scatter [tilespmem:s26], [sflag:$0x2], $0x80, v4, vm0, $0xb8;
	[tilespmem:$0x10600] =	vst v63  }
0x284: {  	_ = 	snop  }
0x285: {  	[hbm4b:s8+s5] =	stream.indirect_vreg.scatter [tilespmem:s14], [sflag:$0x2], $0x80, v3, vm0, $0xb8;
	[tilespmem:$0x10600] =	vst v63  }
0x286: {  	v3 =	vld [tilespmem:$0x150];
	_ =	sdelay $0x4  }
0x287: {  	v45 =	vshll.u32 v3, $0x3  }
0x288: {  	v3 =	vand.u32 $0x7, v3;
	v4 =	vand.u32 $0xFFFFFFC0, v45  }
0x289: {  	v3 =	vor.u32 v3, v4  }
0x28a: {  	v4 =	vperm.xlane v3, v0;
	_ =	sdelay $0x1  }
0x28b: {  	v3 =	vperm.xlane v3, v2;
	v4 =	vadd.s32 v1, v4;
	_ =	sdelay $0x1  }
0x28c: {  	v3 =	vadd.s32 v1, v3;
	_ =	sdelay $0x2  }
0x28d: {  	[hbm4b:s8+s5] =	stream.indirect_vreg.scatter [tilespmem:s1], [sflag:$0x2], $0x80, v4, vm0, $0xb8;
	[tilespmem:$0x10600] =	vst v63  }
0x28e: {  	_ = 	snop  }
0x28f: {  	[hbm4b:s8+s5] =	stream.indirect_vreg.scatter [tilespmem:s15], [sflag:$0x2], $0x80, v3, vm0, $0xb8;
	[tilespmem:$0x10600] =	vst v63  }
0x290: {  	v3 =	vld [tilespmem:$0x160];
	_ =	sdelay $0x4  }
0x291: {  	v46 =	vshll.u32 v3, $0x3  }
0x292: {  	v3 =	vand.u32 $0x7, v3;
	v4 =	vand.u32 $0xFFFFFFC0, v46  }
0x293: {  	v3 =	vor.u32 v3, v4  }
0x294: {  	v4 =	vperm.xlane v3, v0;
	_ =	sdelay $0x1  }
0x295: {  	v3 =	vperm.xlane v3, v2;
	v4 =	vadd.s32 v1, v4;
	_ =	sdelay $0x1  }
0x296: {  	v3 =	vadd.s32 v1, v3;
	_ =	sdelay $0x2  }
0x297: {  	[hbm4b:s8+s5] =	stream.indirect_vreg.scatter [tilespmem:s3], [sflag:$0x2], $0x80, v4, vm0, $0xb8;
	[tilespmem:$0x10600] =	vst v63  }
0x298: {  	_ = 	snop  }
0x299: {  	[hbm4b:s8+s5] =	stream.indirect_vreg.scatter [tilespmem:s16], [sflag:$0x2], $0x80, v3, vm0, $0xb8;
	[tilespmem:$0x10600] =	vst v63  }
0x29a: {  	v3 =	vld [tilespmem:$0x170];
	_ =	sdelay $0x4  }
0x29b: {  	v47 =	vshll.u32 v3, $0x3  }
0x29c: {  	v3 =	vand.u32 $0x7, v3;
	v4 =	vand.u32 $0xFFFFFFC0, v47  }
0x29d: {  	v3 =	vor.u32 v3, v4  }
0x29e: {  	v4 =	vperm.xlane v3, v0;
	_ =	sdelay $0x1  }
0x29f: {  	v3 =	vperm.xlane v3, v2;
	v4 =	vadd.s32 v1, v4;
	_ =	sdelay $0x1  }
0x2a0: {  	v3 =	vadd.s32 v1, v3;
	_ =	sdelay $0x2  }
0x2a1: {  	[hbm4b:s8+s5] =	stream.indirect_vreg.scatter [tilespmem:s4], [sflag:$0x2], $0x80, v4, vm0, $0xb8;
	[tilespmem:$0x10600] =	vst v63  }
0x2a2: {  	_ = 	snop  }
0x2a3: {  	[hbm4b:s8+s5] =	stream.indirect_vreg.scatter [tilespmem:s19], [sflag:$0x2], $0x80, v3, vm0, $0xb8;
	[tilespmem:$0x10600] =	vst v63  }
0x2a4: {  	_ =	swait.ge [sflag:s0], $0x8000  }
0x2a5: {  	[sflag:s0] =	ssyncset.done $0x0  }
0x2a6: {  	[sflag:s0] =	ssyncadd.s32 $0xFFFF8000  }
0x2a7: {  	_ =	swait.ge [sflag:s0], $0x8000  }
0x2a8: {  	[sflag:s0] =	ssyncset.done $0x0  }
0x2a9: {  	s4 =	rddreg [dreg:$0x14];
	[sflag:s0] =	ssyncadd.s32 $0xFFFF8000  }
0x2aa: {  	[tilespmem:s5], [sflag:$0x3] =	stream.linear.gather [hbm4b:s4+s5], $0x80, $0x38;
	[tilespmem:$0x10600] =	vst v63  }
0x2ab: {  	_ =	swait.ge [sflag:s12], $0x80  }
0x2ac: {  	[sflag:s12] =	ssyncset.done $0x0  }
0x2ad: {  	[sflag:s12] =	ssyncadd.s32 $0xFFFFFF80  }
0x2ae: {  	v3 =	vld [tilespmem:$0x0];
	_ =	sdelay $0x4  }
0x2af: {  	v48 =	vshll.u32 v3, $0x1  }
0x2b0: {  	v3 =	vand.u32 $0x7, v3;
	v4 =	vand.u32 $0xFFFFFFF0, v48  }
0x2b1: {  	v3 =	vor.u32 v3, v4  }
0x2b2: {  	v4 =	vperm.xlane v3, v0;
	_ =	sdelay $0x1  }
0x2b3: {  	v3 =	vperm.xlane v3, v2;
	v4 =	vadd.s32 v1, v4;
	_ =	sdelay $0x1  }
0x2b4: {  	v3 =	vadd.s32 v1, v3;
	_ =	sdelay $0x2  }
0x2b5: {  	[tilespmem:s30], [sflag:$0x1] =	stream.indirect_vreg.gather [hbm4b:s2+s5], $0x80, v4, vm0, $0xb8;
	[tilespmem:$0x10600] =	vst v63  }
0x2b6: {  	_ = 	snop  }
0x2b7: {  	[tilespmem:s31], [sflag:$0x1] =	stream.indirect_vreg.gather [hbm4b:s2+s5], $0x80, v3, vm0, $0xb8;
	[tilespmem:$0x10600] =	vst v63  }
0x2b8: {  	v3 =	vld [tilespmem:$0x10];
	_ =	sdelay $0x4  }
0x2b9: {  	v49 =	vshll.u32 v3, $0x1  }
0x2ba: {  	v3 =	vand.u32 $0x7, v3;
	v4 =	vand.u32 $0xFFFFFFF0, v49  }
0x2bb: {  	v3 =	vor.u32 v3, v4  }
0x2bc: {  	v4 =	vperm.xlane v3, v0;
	_ =	sdelay $0x1  }
0x2bd: {  	v3 =	vperm.xlane v3, v2;
	v4 =	vadd.s32 v1, v4;
	_ =	sdelay $0x1  }
0x2be: {  	v3 =	vadd.s32 v1, v3;
	_ =	sdelay $0x1  }
0x2bf: {  	s10 =	simm.s32 $0x9200  }
0x2c0: {  	[tilespmem:s10], [sflag:$0x1] =	stream.indirect_vreg.gather [hbm4b:s2+s5], $0x80, v4, vm0, $0xb8;
	[tilespmem:$0x10600] =	vst v63  }
0x2c1: {  	s11 =	simm.s32 $0x9A00  }
0x2c2: {  	[tilespmem:s11], [sflag:$0x1] =	stream.indirect_vreg.gather [hbm4b:s2+s5], $0x80, v3, vm0, $0xb8;
	[tilespmem:$0x10600] =	vst v63  }
0x2c3: {  	v3 =	vld [tilespmem:$0x20];
	_ =	sdelay $0x4  }
0x2c4: {  	v50 =	vshll.u32 v3, $0x1  }
0x2c5: {  	v3 =	vand.u32 $0x7, v3;
	v4 =	vand.u32 $0xFFFFFFF0, v50  }
0x2c6: {  	v3 =	vor.u32 v3, v4  }
0x2c7: {  	v4 =	vperm.xlane v3, v0;
	_ =	sdelay $0x1  }
0x2c8: {  	v3 =	vperm.xlane v3, v2;
	v4 =	vadd.s32 v1, v4;
	_ =	sdelay $0x1  }
0x2c9: {  	v3 =	vadd.s32 v1, v3;
	_ =	sdelay $0x1  }
0x2ca: {  	s13 =	simm.s32 $0xA200  }
0x2cb: {  	[tilespmem:s13], [sflag:$0x1] =	stream.indirect_vreg.gather [hbm4b:s2+s5], $0x80, v4, vm0, $0xb8;
	[tilespmem:$0x10600] =	vst v63  }
0x2cc: {  	s14 =	simm.s32 $0xAA00  }
0x2cd: {  	[tilespmem:s14], [sflag:$0x1] =	stream.indirect_vreg.gather [hbm4b:s2+s5], $0x80, v3, vm0, $0xb8;
	[tilespmem:$0x10600] =	vst v63  }
0x2ce: {  	v3 =	vld [tilespmem:$0x30];
	_ =	sdelay $0x4  }
0x2cf: {  	v51 =	vshll.u32 v3, $0x1  }
0x2d0: {  	v3 =	vand.u32 $0x7, v3;
	v4 =	vand.u32 $0xFFFFFFF0, v51  }
0x2d1: {  	v3 =	vor.u32 v3, v4  }
0x2d2: {  	v4 =	vperm.xlane v3, v0;
	_ =	sdelay $0x1  }
0x2d3: {  	v3 =	vperm.xlane v3, v2;
	v4 =	vadd.s32 v1, v4;
	_ =	sdelay $0x1  }
0x2d4: {  	v3 =	vadd.s32 v1, v3;
	_ =	sdelay $0x1  }
0x2d5: {  	s15 =	simm.s32 $0xB200  }
0x2d6: {  	[tilespmem:s15], [sflag:$0x1] =	stream.indirect_vreg.gather [hbm4b:s2+s5], $0x80, v4, vm0, $0xb8;
	[tilespmem:$0x10600] =	vst v63  }
0x2d7: {  	s16 =	simm.s32 $0xBA00  }
0x2d8: {  	[tilespmem:s16], [sflag:$0x1] =	stream.indirect_vreg.gather [hbm4b:s2+s5], $0x80, v3, vm0, $0xb8;
	[tilespmem:$0x10600] =	vst v63  }
0x2d9: {  	v3 =	vld [tilespmem:$0x40];
	_ =	sdelay $0x4  }
0x2da: {  	v52 =	vshll.u32 v3, $0x1  }
0x2db: {  	v3 =	vand.u32 $0x7, v3;
	v4 =	vand.u32 $0xFFFFFFF0, v52  }
0x2dc: {  	v3 =	vor.u32 v3, v4  }
0x2dd: {  	v4 =	vperm.xlane v3, v0;
	_ =	sdelay $0x1  }
0x2de: {  	v3 =	vperm.xlane v3, v2;
	v4 =	vadd.s32 v1, v4;
	_ =	sdelay $0x1  }
0x2df: {  	v3 =	vadd.s32 v1, v3;
	_ =	sdelay $0x1  }
0x2e0: {  	s17 =	simm.s32 $0xC200  }
0x2e1: {  	[tilespmem:s17], [sflag:$0x1] =	stream.indirect_vreg.gather [hbm4b:s2+s5], $0x80, v4, vm0, $0xb8;
	[tilespmem:$0x10600] =	vst v63  }
0x2e2: {  	s18 =	simm.s32 $0xCA00  }
0x2e3: {  	[tilespmem:s18], [sflag:$0x1] =	stream.indirect_vreg.gather [hbm4b:s2+s5], $0x80, v3, vm0, $0xb8;
	[tilespmem:$0x10600] =	vst v63  }
0x2e4: {  	v3 =	vld [tilespmem:$0x50];
	_ =	sdelay $0x4  }
0x2e5: {  	v53 =	vshll.u32 v3, $0x1  }
0x2e6: {  	v3 =	vand.u32 $0x7, v3;
	v4 =	vand.u32 $0xFFFFFFF0, v53  }
0x2e7: {  	v3 =	vor.u32 v3, v4  }
0x2e8: {  	v4 =	vperm.xlane v3, v0;
	_ =	sdelay $0x1  }
0x2e9: {  	v3 =	vperm.xlane v3, v2;
	v4 =	vadd.s32 v1, v4;
	_ =	sdelay $0x1  }
0x2ea: {  	v3 =	vadd.s32 v1, v3;
	_ =	sdelay $0x1  }
0x2eb: {  	s25 =	simm.s32 $0xD200  }
0x2ec: {  	[tilespmem:s25], [sflag:$0x1] =	stream.indirect_vreg.gather [hbm4b:s2+s5], $0x80, v4, vm0, $0xb8;
	[tilespmem:$0x10600] =	vst v63  }
0x2ed: {  	s29 =	simm.s32 $0xDA00  }
0x2ee: {  	[tilespmem:s29], [sflag:$0x1] =	stream.indirect_vreg.gather [hbm4b:s2+s5], $0x80, v3, vm0, $0xb8;
	[tilespmem:$0x10600] =	vst v63  }
0x2ef: {  	v3 =	vld [tilespmem:$0x60];
	_ =	sdelay $0x4  }
0x2f0: {  	v54 =	vshll.u32 v3, $0x1  }
0x2f1: {  	v3 =	vand.u32 $0x7, v3;
	v4 =	vand.u32 $0xFFFFFFF0, v54  }
0x2f2: {  	v3 =	vor.u32 v3, v4  }
0x2f3: {  	v4 =	vperm.xlane v3, v0;
	_ =	sdelay $0x1  }
0x2f4: {  	v3 =	vperm.xlane v3, v2;
	v4 =	vadd.s32 v1, v4;
	_ =	sdelay $0x1  }
0x2f5: {  	v3 =	vadd.s32 v1, v3;
	_ =	sdelay $0x2  }
0x2f6: {  	[tilespmem:s21], [sflag:$0x1] =	stream.indirect_vreg.gather [hbm4b:s2+s5], $0x80, v4, vm0, $0xb8;
	[tilespmem:$0x10600] =	vst v63  }
0x2f7: {  	_ = 	snop  }
0x2f8: {  	[tilespmem:s22], [sflag:$0x1] =	stream.indirect_vreg.gather [hbm4b:s2+s5], $0x80, v3, vm0, $0xb8;
	[tilespmem:$0x10600] =	vst v63  }
0x2f9: {  	v3 =	vld [tilespmem:$0x70];
	_ =	sdelay $0x4  }
0x2fa: {  	v55 =	vshll.u32 v3, $0x1  }
0x2fb: {  	v3 =	vand.u32 $0x7, v3;
	v4 =	vand.u32 $0xFFFFFFF0, v55  }
0x2fc: {  	v3 =	vor.u32 v3, v4  }
0x2fd: {  	v4 =	vperm.xlane v3, v0;
	_ =	sdelay $0x1  }
0x2fe: {  	v3 =	vperm.xlane v3, v2;
	v4 =	vadd.s32 v1, v4;
	_ =	sdelay $0x1  }
0x2ff: {  	v3 =	vadd.s32 v1, v3;
	_ =	sdelay $0x2  }
0x300: {  	[tilespmem:s23], [sflag:$0x1] =	stream.indirect_vreg.gather [hbm4b:s2+s5], $0x80, v4, vm0, $0xb8;
	[tilespmem:$0x10600] =	vst v63  }
0x301: {  	_ = 	snop  }
0x302: {  	[tilespmem:s24], [sflag:$0x1] =	stream.indirect_vreg.gather [hbm4b:s2+s5], $0x80, v3, vm0, $0xb8;
	[tilespmem:$0x10600] =	vst v63  }
0x303: {  	_ =	swait.ge [sflag:s20], $0x8000  }
0x304: {  	[sflag:s20] =	ssyncset.done $0x0  }
0x305: {  	[sflag:s20] =	ssyncadd.s32 $0xFFFF8000  }
0x306: {  	v3 =	vld [tilespmem:$0x100];
	_ =	sdelay $0x4  }
0x307: {  	v56 =	vshll.u32 v3, $0x3  }
0x308: {  	v3 =	vand.u32 $0x7, v3;
	v4 =	vand.u32 $0xFFFFFFC0, v56  }
0x309: {  	v3 =	vor.u32 v3, v4  }
0x30a: {  	v4 =	vperm.xlane v3, v0;
	_ =	sdelay $0x1  }
0x30b: {  	v3 =	vperm.xlane v3, v2;
	v4 =	vadd.s32 v1, v4;
	_ =	sdelay $0x1  }
0x30c: {  	v3 =	vadd.s32 v1, v3;
	_ =	sdelay $0x2  }
0x30d: {  	[hbm4b:s9+s5] =	stream.indirect_vreg.scatter [tilespmem:s30], [sflag:$0x2], $0x80, v4, vm0, $0xb8;
	[tilespmem:$0x10600] =	vst v63  }
0x30e: {  	_ = 	snop  }
0x30f: {  	[hbm4b:s9+s5] =	stream.indirect_vreg.scatter [tilespmem:s31], [sflag:$0x2], $0x80, v3, vm0, $0xb8;
	[tilespmem:$0x10600] =	vst v63  }
0x310: {  	v3 =	vld [tilespmem:$0x110];
	_ =	sdelay $0x4  }
0x311: {  	v57 =	vshll.u32 v3, $0x3  }
0x312: {  	v3 =	vand.u32 $0x7, v3;
	v4 =	vand.u32 $0xFFFFFFC0, v57  }
0x313: {  	v3 =	vor.u32 v3, v4  }
0x314: {  	v4 =	vperm.xlane v3, v0;
	_ =	sdelay $0x1  }
0x315: {  	v3 =	vperm.xlane v3, v2;
	v4 =	vadd.s32 v1, v4;
	_ =	sdelay $0x1  }
0x316: {  	v3 =	vadd.s32 v1, v3;
	_ =	sdelay $0x2  }
0x317: {  	[hbm4b:s9+s5] =	stream.indirect_vreg.scatter [tilespmem:s10], [sflag:$0x2], $0x80, v4, vm0, $0xb8;
	[tilespmem:$0x10600] =	vst v63  }
0x318: {  	_ = 	snop  }
0x319: {  	[hbm4b:s9+s5] =	stream.indirect_vreg.scatter [tilespmem:s11], [sflag:$0x2], $0x80, v3, vm0, $0xb8;
	[tilespmem:$0x10600] =	vst v63  }
0x31a: {  	v3 =	vld [tilespmem:$0x120];
	_ =	sdelay $0x4  }
0x31b: {  	v58 =	vshll.u32 v3, $0x3  }
0x31c: {  	v3 =	vand.u32 $0x7, v3;
	v4 =	vand.u32 $0xFFFFFFC0, v58  }
0x31d: {  	v3 =	vor.u32 v3, v4  }
0x31e: {  	v4 =	vperm.xlane v3, v0;
	_ =	sdelay $0x1  }
0x31f: {  	v3 =	vperm.xlane v3, v2;
	v4 =	vadd.s32 v1, v4;
	_ =	sdelay $0x1  }
0x320: {  	v3 =	vadd.s32 v1, v3;
	_ =	sdelay $0x2  }
0x321: {  	[hbm4b:s9+s5] =	stream.indirect_vreg.scatter [tilespmem:s13], [sflag:$0x2], $0x80, v4, vm0, $0xb8;
	[tilespmem:$0x10600] =	vst v63  }
0x322: {  	_ = 	snop  }
0x323: {  	[hbm4b:s9+s5] =	stream.indirect_vreg.scatter [tilespmem:s14], [sflag:$0x2], $0x80, v3, vm0, $0xb8;
	[tilespmem:$0x10600] =	vst v63  }
0x324: {  	v3 =	vld [tilespmem:$0x130];
	_ =	sdelay $0x4  }
0x325: {  	v59 =	vshll.u32 v3, $0x3  }
0x326: {  	v3 =	vand.u32 $0x7, v3;
	v4 =	vand.u32 $0xFFFFFFC0, v59  }
0x327: {  	v3 =	vor.u32 v3, v4  }
0x328: {  	v4 =	vperm.xlane v3, v0;
	_ =	sdelay $0x1  }
0x329: {  	v3 =	vperm.xlane v3, v2;
	v4 =	vadd.s32 v1, v4;
	_ =	sdelay $0x1  }
0x32a: {  	v3 =	vadd.s32 v1, v3;
	_ =	sdelay $0x2  }
0x32b: {  	[hbm4b:s9+s5] =	stream.indirect_vreg.scatter [tilespmem:s15], [sflag:$0x2], $0x80, v4, vm0, $0xb8;
	[tilespmem:$0x10600] =	vst v63  }
0x32c: {  	_ = 	snop  }
0x32d: {  	[hbm4b:s9+s5] =	stream.indirect_vreg.scatter [tilespmem:s16], [sflag:$0x2], $0x80, v3, vm0, $0xb8;
	[tilespmem:$0x10600] =	vst v63  }
0x32e: {  	v3 =	vld [tilespmem:$0x140];
	_ =	sdelay $0x4  }
0x32f: {  	v60 =	vshll.u32 v3, $0x3  }
0x330: {  	v3 =	vand.u32 $0x7, v3;
	v4 =	vand.u32 $0xFFFFFFC0, v60  }
0x331: {  	v3 =	vor.u32 v3, v4  }
0x332: {  	v4 =	vperm.xlane v3, v0;
	_ =	sdelay $0x1  }
0x333: {  	v3 =	vperm.xlane v3, v2;
	v4 =	vadd.s32 v1, v4;
	_ =	sdelay $0x1  }
0x334: {  	v3 =	vadd.s32 v1, v3;
	_ =	sdelay $0x2  }
0x335: {  	[hbm4b:s9+s5] =	stream.indirect_vreg.scatter [tilespmem:s17], [sflag:$0x2], $0x80, v4, vm0, $0xb8;
	[tilespmem:$0x10600] =	vst v63  }
0x336: {  	_ = 	snop  }
0x337: {  	[hbm4b:s9+s5] =	stream.indirect_vreg.scatter [tilespmem:s18], [sflag:$0x2], $0x80, v3, vm0, $0xb8;
	[tilespmem:$0x10600] =	vst v63  }
0x338: {  	v3 =	vld [tilespmem:$0x150];
	_ =	sdelay $0x4  }
0x339: {  	v61 =	vshll.u32 v3, $0x3  }
0x33a: {  	v3 =	vand.u32 $0x7, v3;
	v4 =	vand.u32 $0xFFFFFFC0, v61  }
0x33b: {  	v3 =	vor.u32 v3, v4  }
0x33c: {  	v4 =	vperm.xlane v3, v0;
	_ =	sdelay $0x1  }
0x33d: {  	v3 =	vperm.xlane v3, v2;
	v4 =	vadd.s32 v1, v4;
	_ =	sdelay $0x1  }
0x33e: {  	v3 =	vadd.s32 v1, v3;
	_ =	sdelay $0x2  }
0x33f: {  	[hbm4b:s9+s5] =	stream.indirect_vreg.scatter [tilespmem:s25], [sflag:$0x2], $0x80, v4, vm0, $0xb8;
	[tilespmem:$0x10600] =	vst v63  }
0x340: {  	_ = 	snop  }
0x341: {  	[hbm4b:s9+s5] =	stream.indirect_vreg.scatter [tilespmem:s29], [sflag:$0x2], $0x80, v3, vm0, $0xb8;
	[tilespmem:$0x10600] =	vst v63  }
0x342: {  	v3 =	vld [tilespmem:$0x160];
	_ =	sdelay $0x4  }
0x343: {  	v62 =	vshll.u32 v3, $0x3  }
0x344: {  	v3 =	vand.u32 $0x7, v3;
	v4 =	vand.u32 $0xFFFFFFC0, v62  }
0x345: {  	v3 =	vor.u32 v3, v4  }
0x346: {  	v4 =	vperm.xlane v3, v0;
	_ =	sdelay $0x1  }
0x347: {  	v3 =	vperm.xlane v3, v2;
	v4 =	vadd.s32 v1, v4;
	_ =	sdelay $0x1  }
0x348: {  	v3 =	vadd.s32 v1, v3;
	_ =	sdelay $0x2  }
0x349: {  	[hbm4b:s9+s5] =	stream.indirect_vreg.scatter [tilespmem:s21], [sflag:$0x2], $0x80, v4, vm0, $0xb8;
	[tilespmem:$0x10600] =	vst v63  }
0x34a: {  	_ = 	snop  }
0x34b: {  	[hbm4b:s9+s5] =	stream.indirect_vreg.scatter [tilespmem:s22], [sflag:$0x2], $0x80, v3, vm0, $0xb8;
	[tilespmem:$0x10600] =	vst v63  }
0x34c: {  	v3 =	vld [tilespmem:$0x170];
	_ =	sdelay $0x4  }
0x34d: {  	v63 =	vshll.u32 v3, $0x3  }
0x34e: {  	v3 =	vand.u32 $0x7, v3;
	v4 =	vand.u32 $0xFFFFFFC0, v63  }
0x34f: {  	v3 =	vor.u32 v3, v4  }
0x350: {  	v4 =	vperm.xlane v3, v0;
	_ =	sdelay $0x1  }
0x351: {  	v3 =	vperm.xlane v3, v2;
	v4 =	vadd.s32 v1, v4;
	_ =	sdelay $0x1  }
0x352: {  	v3 =	vadd.s32 v1, v3;
	_ =	sdelay $0x2  }
0x353: {  	[hbm4b:s9+s5] =	stream.indirect_vreg.scatter [tilespmem:s23], [sflag:$0x2], $0x80, v4, vm0, $0xb8;
	[tilespmem:$0x10600] =	vst v63  }
0x354: {  	s31 =	rddreg [dreg:$0x17]  }
0x355: {  	[hbm4b:s9+s5] =	stream.indirect_vreg.scatter [tilespmem:s24], [sflag:$0x2], $0x80, v3, vm0, $0xb8;
	[tilespmem:$0x10600] =	vst v63  }
0x356: {  	p0 =	sne.s32 s31, $0x1;
	_ =	swait.ge [sflag:s0], $0x8000  }
.Ltmp0:
0x357: {  	[sflag:s0] =	ssyncset.done $0x0;
	(pc) =	sbr.rel @p0 .LBB2_1-.Ltmp0, $4  }
0x358: {  	[sflag:s0] =	ssyncadd.s32 $0xFFFF8000  }
0x359: {  	_ =	swait.ge [sflag:s0], $0x8000  }
0x35a: {  	[sflag:s0] =	ssyncset.done $0x0  }
0x35b: {  	s4 =	sadd.s32 $0xFFFFFFFF, s31;
	[sflag:s0] =	ssyncadd.s32 $0xFFFF8000  }
0x35c: {  	_ =	sfence.sel $0x180000  }
0x35d: {  	[bflag:$0x0] =	sbarrier.arrive $0xFFFF  }
0x35e: {  	_ =	strace $0x90000047  }
0x35f: {  	s0 =	stileid.u32;
	[bflag:$0x2] =	sbarrier.arrive $0xFFFF  }
0x360: {  	p0 =	sne.s32 s0, $0x0;
	s0 =	rddreg [dreg:$0xa]  }
0x361: {  	s0 =	sadd.s32 @!p0 $0x100000, s0  }
0x362: {  	[sflag:s0] =	ssyncadd.tile.s32 @!p0 $0x1;
	_ =	shalt  }
.Lfunc_end2:
_tile_overlayer_lowered:
.L_overlay_start_2:
0x363: {  	(tag) =	ssettag $0x2  }
0x364: {  	s0 =	rddreg [dreg:$0x0];
	s2 =	stileid.u32  }
0x365: {  	s1 =	rddreg [dreg:$0x1];
	p0 =	sne.s32 s2, $0x0  }
0x366: {  	s3 =	rddreg [dreg:$0x2];
	[bflag:$0x3] =	sbarrier.arrive $0xFFFF;
	s2 =	simm.s32 @!p0 $0x1C03  }
0x367: {  	[timem:s3], [sflag:s2] =	dma.local @!p0 [hbm:s0], s1  }
0x368: {  	s0 =	simm.s32 @!p0 $0x3  }
0x369: {  	_ =	swait.ge @!p0 [sflag:s0], s1  }
0x36a: {  	s1 =	ssub.s32 @!p0 $0x0, s1;
	[sflag:s0] =	ssyncset.done @!p0 $0x0  }
0x36b: {  	[sflag:s0] =	ssyncadd.s32 @!p0 s1  }
0x36c: {  	[bflag:$0x3] =	sbarrier.arrive $0xFFFF  }
0x36d: {  	_ =	shalt  }

</sc_bundles>
